<compile_context>
chip_gen: v7x
topology: tpu7x:2x2x1
jax: 0.10.2.dev20260603
libtpu: 0.0.44.dev20260713+nightly
codegen_flags: <defaults>
</compile_context>

<pallas_src>
import functools

import jax
import jax.numpy as jnp
from jax import lax
from jax.experimental import pallas as pl
from jax.experimental.pallas import tpu as pltpu
from jax.experimental.pallas import tpu_sc as plsc

_N = 10000
_E = 160000
_D = 256
_DH = 128
_DW = _DH

_NC = 2
_NS = 16
_EPT = _E // _NS
_C = 40
_NB = 5
_NCH = _EPT // _C
_NSUP = _NCH // _NB
_NP = _N
_RPT = _NP // _NS


def _sc_body(x2e, ei, zrow,
             sums_out,
             idxs, idxd, rows, sums_sh, sem_g, sem_s, sem_i, sem_j):
    c = lax.axis_index("c")
    s = lax.axis_index("s")

    pltpu.sync_copy(zrow, sums_sh.at[pl.ds(s * _RPT, _RPT)])
    plsc.subcore_barrier()

    def load_src_idx(i, b):
        pltpu.async_copy(ei.at[0].at[pl.ds(s * _EPT + i * _C, _C)],
                         idxs.at[b], sem_i.at[b])

    def load_dst_idx(i, b):
        pltpu.async_copy(ei.at[1].at[pl.ds(s * _EPT + i * _C, _C)],
                         idxd.at[b], sem_j.at[b])

    def gather(b):
        pltpu.async_copy(x2e.at[pl.ds(c * _N, _N)].at[idxs.at[b]],
                         rows.at[b], sem_g.at[b])

    def scat(b):
        pltpu.async_copy(rows.at[b], sums_sh.at[idxd.at[b]], sem_s.at[b],
                         add=True)

    def drain_rows(b, sem):
        pltpu.make_async_copy(x2e.at[pl.ds(0, _C)], rows.at[b],
                              sem.at[b]).wait()

    def drain_idx(b, sem):
        pltpu.make_async_copy(ei.at[0].at[pl.ds(0, _C)], idxs.at[b],
                              sem.at[b]).wait()

    for b in range(_NB):
        load_src_idx(b, b)
        load_dst_idx(b, b)
    for b in range(_NB):
        drain_idx(b, sem_i)
        gather(b)

    def super_iter(k, carry):
        i0 = k * _NB
        for b in range(_NB):
            drain_rows(b, sem_g)
            load_src_idx(i0 + b + _NB, b)
            drain_idx(b, sem_j)
            scat(b)
        for b in range(_NB):
            drain_rows(b, sem_s)
            load_dst_idx(i0 + b + _NB, b)
            drain_idx(b, sem_i)
            gather(b)
        return carry

    lax.fori_loop(0, _NSUP - 1, super_iter, 0)

    for b in range(_NB):
        drain_rows(b, sem_g)
        drain_idx(b, sem_j)
        scat(b)
    for b in range(_NB):
        drain_rows(b, sem_s)

    plsc.subcore_barrier()

    pltpu.sync_copy(sums_sh.at[pl.ds(s * _RPT, _RPT)],
                    sums_out.at[pl.ds(c * _NP + s * _RPT, _RPT)])


_sc_agg_cache = []


def _sc_agg(*a):
    if not _sc_agg_cache:
        _sc_agg_cache.append(functools.partial(
            pl.kernel,
            out_type=jax.ShapeDtypeStruct((_NC * _NP, _DW), jnp.float32),
            mesh=plsc.VectorSubcoreMesh(core_axis_name="c",
                                        subcore_axis_name="s"),
            scratch_types=[
                pltpu.VMEM((_NB, _C), jnp.int32),
                pltpu.VMEM((_NB, _C), jnp.int32),
                pltpu.VMEM((_NB, _C, _DW), jnp.float32),
                pltpu.VMEM_SHARED((_NP, _DW), jnp.float32),
                pltpu.SemaphoreType.DMA((_NB,)),
                pltpu.SemaphoreType.DMA((_NB,)),
                pltpu.SemaphoreType.DMA((_NB,)),
                pltpu.SemaphoreType.DMA((_NB,)),
            ],
            compiler_params=pltpu.CompilerParams(use_tc_tiling_on_sc=False),
        )(_sc_body))
    return _sc_agg_cache[0](*a)


def _tc_body(x_ref, sa_ref, sb_ref, w1_ref, b1_ref, w2_ref, b2_ref,
             g_ref, be_ref, o_ref):
    sums = jnp.concatenate([sa_ref[...], sb_ref[...]], axis=1)
    nrm = jnp.sqrt(jnp.sum(sums * sums, axis=1, keepdims=True))
    agg = sums / (nrm + 1e-8)
    h = x_ref[...] + agg
    h = jnp.maximum(
        jnp.dot(h.astype(jnp.bfloat16), w1_ref[...].astype(jnp.bfloat16),
                preferred_element_type=jnp.float32) + b1_ref[...], 0.0)
    h = jnp.dot(h.astype(jnp.bfloat16), w2_ref[...].astype(jnp.bfloat16),
                preferred_element_type=jnp.float32) + b2_ref[...]
    mu = jnp.mean(h, axis=1, keepdims=True)
    var = jnp.mean((h - mu) * (h - mu), axis=1, keepdims=True)
    o_ref[...] = (h - mu) / jnp.sqrt(var + 1e-5) * g_ref[...] + be_ref[...]


_RB = 1000


def _tc_combine(x, sums2, W1, b1, W2, b2, gamma, beta):
    grid = (_N // _RB,)
    full = lambda i: (0, 0)
    return pl.pallas_call(
        _tc_body,
        grid=grid,
        in_specs=[
            pl.BlockSpec((_RB, _D), lambda i: (i, 0)),
            pl.BlockSpec((_RB, _DW), lambda i: (i, 0)),
            pl.BlockSpec((_RB, _DW), lambda i: (i + _NP // _RB, 0)),
            pl.BlockSpec((_D, _D), full),
            pl.BlockSpec((1, _D), full),
            pl.BlockSpec((_D, _D), full),
            pl.BlockSpec((1, _D), full),
            pl.BlockSpec((1, _D), full),
            pl.BlockSpec((1, _D), full),
        ],
        out_specs=pl.BlockSpec((_RB, _D), lambda i: (i, 0)),
        out_shape=jax.ShapeDtypeStruct((_N, _D), jnp.float32),
    )(x, sums2, sums2, W1, b1, W2, b2, gamma, beta)


def kernel(x, edge_index, W1, b1, W2, b2, gamma, beta):
    x2e = jnp.concatenate([x[:, :_DH], x[:, _DH:]], axis=0)
    zrow = jnp.zeros((_RPT, _DW), jnp.float32)

    sums2 = _sc_agg(x2e, edge_index, zrow)
    return _tc_combine(x, sums2, W1, b1.reshape(1, -1), W2,
                       b2.reshape(1, -1), gamma.reshape(1, -1),
                       beta.reshape(1, -1))

# --- scband reference (transcript-rebuilt; emitter-appended) ---
"""Pipeline reference for scband-uhgginlayer-21328807592547 (READ-ONLY COPY).

The authoritative reference and input builder live on the scoring server;
editing this copy changes nothing except your own understanding.
"""

import jax, jax.numpy as jnp
import numpy as np

N = 10000
E = 160000
D_IN = 256
D_OUT = 256
EPS_GIN = 0.0


def setup_inputs(seed: int = 0) -> dict:
    key = jax.random.key(seed)
    ks = jax.random.split(key, 8)
    x = jax.random.normal(ks[0], (N, D_IN), dtype=jnp.float32)
    edge_index = jax.random.randint(ks[1], (2, E), 0, N, dtype=jnp.int32)
    # MLP params: Linear(in,out) -> ReLU -> Linear(out,out)
    W1 = jax.random.normal(ks[2], (D_IN, D_OUT), dtype=jnp.float32) * (1.0 / np.sqrt(D_IN))
    b1 = jnp.zeros((D_OUT,), dtype=jnp.float32)
    W2 = jax.random.normal(ks[3], (D_OUT, D_OUT), dtype=jnp.float32) * (1.0 / np.sqrt(D_OUT))
    b2 = jnp.zeros((D_OUT,), dtype=jnp.float32)
    # UHGLayerNorm affine params
    gamma = jnp.ones((D_OUT,), dtype=jnp.float32)
    beta = jnp.zeros((D_OUT,), dtype=jnp.float32)
    return {"x": x, "edge_index": edge_index, "W1": W1, "b1": b1, "W2": W2, "b2": b2, "gamma": gamma, "beta": beta}


def _aggregate(x, edge_index):
    # Vectorized equivalent of the per-node python loop:
    # for each dst node: uniform weights 1/deg over incoming neighbors,
    # weighted sum, then projective normalization (unit-norm point).
    src = edge_index[0]
    dst = edge_index[1]
    n = x.shape[0]
    ones = jnp.ones(src.shape[0], dtype=x.dtype)
    deg = jax.ops.segment_sum(ones, dst, num_segments=n)
    sums = jax.ops.segment_sum(jnp.take(x, src, axis=0), dst, num_segments=n)
    avg = sums / jnp.maximum(deg, 1.0)[:, None]
    # ProjectiveUHG.projective_average: weighted mean followed by projective
    # (unit-norm) renormalization of the resulting point.
    nrm = jnp.linalg.norm(avg, axis=-1, keepdims=True)
    agg = avg / (nrm + 1e-8)
    # nodes with no incoming edges get an exact zero vector
    agg = jnp.where(deg[:, None] > 0, agg, jnp.zeros_like(agg))
    return agg


def reference(x, edge_index, W1, b1, W2, b2, gamma, beta):
    agg = _aggregate(x, edge_index)
    h = (1.0 + EPS_GIN) * x + agg
    h = jnp.maximum(h @ W1 + b1, 0.0)
    h = h @ W2 + b2
    # UHGLayerNorm: layer normalization with learnable affine params
    mu = jnp.mean(h, axis=-1, keepdims=True)
    var = jnp.var(h, axis=-1, keepdims=True)
    h = (h - mu) / jnp.sqrt(var + 1e-5) * gamma + beta
    # dropout is identity in eval mode
    return h

if __name__ == "__main__":
    import jax
    _d = setup_inputs()
    print(jax.jit(kernel)(*tuple(_d.values())))

</pallas_src>

<mosaic_0001>
#map = affine_map<(d0, d1) -> (0, 0)>
module attributes {stable_mosaic.version = 14 : i64} {
  func.func @_sc_body(%arg0: i32, %arg1: i32, %arg2: memref<20000x128xf32, #tpu.memory_space<hbm>>, %arg3: memref<2x160000xi32, #tpu.memory_space<hbm>>, %arg4: memref<625x128xf32, #tpu.memory_space<hbm>>, %arg5: memref<20000x128xf32, #tpu.memory_space<hbm>>, %arg6: memref<5x40xi32, #tpu.memory_space<vmem>>, %arg7: memref<5x40xi32, #tpu.memory_space<vmem>>, %arg8: memref<5x40x128xf32, #tpu.memory_space<vmem>>, %arg9: memref<10000x128xf32, #tpu.memory_space<vmem_shared>>, %arg10: memref<5x!tpu.dma_semaphore, #tpu.memory_space<semaphore_mem>>, %arg11: memref<5x!tpu.dma_semaphore, #tpu.memory_space<semaphore_mem>>, %arg12: memref<5x!tpu.dma_semaphore, #tpu.memory_space<semaphore_mem>>, %arg13: memref<5x!tpu.dma_semaphore, #tpu.memory_space<semaphore_mem>>) attributes {dimension_semantics = [#tpu.dimension_semantics<core_parallel>, #tpu.dimension_semantics<subcore_parallel>], iteration_bounds = array<i64: 2, 16>, scalar_prefetch = 0 : i64, scratch_operands = 8 : i64, tpu.core_type = #tpu.core_type<sc_vector_subcore>, window_params = [{transform_indices = #map}, {transform_indices = #map}, {transform_indices = #map}, {transform_indices = #map}]} {
    %mul3A = arith.constant 625 : i32
    %mul3A_0 = arith.muli %arg1, %mul3A : i32
    "tpu.region"() ({
      %run_scoped3A = tpu.sem_alloc : memref<!tpu.dma_semaphore, #tpu.memory_space<semaphore_mem>>
      %dma_start3A_801 = arith.constant 0 : i32
      %dma_start3A_802 = tpu.memref_slice %arg9[%mul3A_0, %dma_start3A_801] : memref<10000x128xf32, #tpu.memory_space<vmem_shared>> -> memref<625x128xf32, #tpu.memory_space<vmem_shared>>
      tpu.enqueue_dma source(%arg4 : memref<625x128xf32, #tpu.memory_space<hbm>>) target(%dma_start3A_802 : memref<625x128xf32, #tpu.memory_space<vmem_shared>>) target_semaphore(%run_scoped3A : memref<!tpu.dma_semaphore, #tpu.memory_space<semaphore_mem>>)
      %dma_wait3A_803 = arith.constant 0 : i32
      %dma_wait3A_804 = tpu.memref_slice %arg9[%mul3A_0, %dma_wait3A_803] : memref<10000x128xf32, #tpu.memory_space<vmem_shared>> -> memref<625x128xf32, #tpu.memory_space<vmem_shared>>
      tpu.wait_dma2 semaphore(%run_scoped3A : memref<!tpu.dma_semaphore, #tpu.memory_space<semaphore_mem>>) src(%arg4 : memref<625x128xf32, #tpu.memory_space<hbm>>) dst(%dma_wait3A_804 : memref<625x128xf32, #tpu.memory_space<vmem_shared>>)
      tpu.yield
    }) : () -> ()
    %barrier3A = arith.constant 0 : index
    tpu.barrier barrier_id(%barrier3A)
    %mul3A_1 = arith.constant 10000 : i32
    %mul3A_2 = arith.muli %arg1, %mul3A_1 : i32
    %add3A = arith.constant 0 : i32
    %add3A_3 = arith.addi %mul3A_2, %add3A : i32
    %dma_start3A = arith.constant 0 : i32
    %dma_start3A_4 = arith.constant 0 : i32
    %dma_start3A_5 = arith.constant 0 : i32
    %dma_start3A_6 = arith.constant 0 : i32
    %dma_start3A_7 = tpu.memref_slice %arg6[%dma_start3A_4, %dma_start3A_6] : memref<5x40xi32, #tpu.memory_space<vmem>> -> memref<1x40xi32, #tpu.memory_space<vmem>>
    %dma_start3A_8 = tpu.memref_squeeze %dma_start3A_7 : memref<1x40xi32, #tpu.memory_space<vmem>> -> memref<40xi32, #tpu.memory_space<vmem>>
    %dma_start3A_9 = arith.constant 0 : i32
    %dma_start3A_10 = tpu.memref_slice %arg3[%dma_start3A, %dma_start3A_9] : memref<2x160000xi32, #tpu.memory_space<hbm>> -> memref<1x160000xi32, #tpu.memory_space<hbm>>
    %dma_start3A_11 = tpu.memref_squeeze %dma_start3A_10 : memref<1x160000xi32, #tpu.memory_space<hbm>> -> memref<160000xi32, #tpu.memory_space<hbm>>
    %dma_start3A_12 = tpu.memref_slice %dma_start3A_11[%add3A_3] : memref<160000xi32, #tpu.memory_space<hbm>> -> memref<40xi32, #tpu.memory_space<hbm>>
    %dma_start3A_13 = tpu.memref_slice %arg12[%dma_start3A_5] : memref<5x!tpu.dma_semaphore, #tpu.memory_space<semaphore_mem>> -> memref<1x!tpu.dma_semaphore, #tpu.memory_space<semaphore_mem>>
    %dma_start3A_14 = tpu.memref_squeeze %dma_start3A_13 : memref<1x!tpu.dma_semaphore, #tpu.memory_space<semaphore_mem>> -> memref<!tpu.dma_semaphore, #tpu.memory_space<semaphore_mem>>
    %dma_start3A_15 = arith.constant 0 : i32
    %dma_start3A_16 = tpu.memref_slice %arg6[%dma_start3A_4, %dma_start3A_15] : memref<5x40xi32, #tpu.memory_space<vmem>> -> memref<1x40xi32, #tpu.memory_space<vmem>>
    %dma_start3A_17 = tpu.memref_squeeze %dma_start3A_16 : memref<1x40xi32, #tpu.memory_space<vmem>> -> memref<40xi32, #tpu.memory_space<vmem>>
    %dma_start3A_18 = arith.constant 0 : i32
    %dma_start3A_19 = tpu.memref_slice %arg3[%dma_start3A, %dma_start3A_18] : memref<2x160000xi32, #tpu.memory_space<hbm>> -> memref<1x160000xi32, #tpu.memory_space<hbm>>
    %dma_start3A_20 = tpu.memref_squeeze %dma_start3A_19 : memref<1x160000xi32, #tpu.memory_space<hbm>> -> memref<160000xi32, #tpu.memory_space<hbm>>
    %dma_start3A_21 = tpu.memref_slice %dma_start3A_20[%add3A_3] : memref<160000xi32, #tpu.memory_space<hbm>> -> memref<40xi32, #tpu.memory_space<hbm>>
    tpu.enqueue_dma source(%dma_start3A_21 : memref<40xi32, #tpu.memory_space<hbm>>) target(%dma_start3A_17 : memref<40xi32, #tpu.memory_space<vmem>>) target_semaphore(%dma_start3A_14 : memref<!tpu.dma_semaphore, #tpu.memory_space<semaphore_mem>>)
    %mul3A_22 = arith.constant 10000 : i32
    %mul3A_23 = arith.muli %arg1, %mul3A_22 : i32
    %add3A_24 = arith.constant 0 : i32
    %add3A_25 = arith.addi %mul3A_23, %add3A_24 : i32
    %dma_start3A_26 = arith.constant 1 : i32
    %dma_start3A_27 = arith.constant 0 : i32
    %dma_start3A_28 = arith.constant 0 : i32
    %dma_start3A_29 = arith.constant 0 : i32
    %dma_start3A_30 = tpu.memref_slice %arg7[%dma_start3A_27, %dma_start3A_29] : memref<5x40xi32, #tpu.memory_space<vmem>> -> memref<1x40xi32, #tpu.memory_space<vmem>>
    %dma_start3A_31 = tpu.memref_squeeze %dma_start3A_30 : memref<1x40xi32, #tpu.memory_space<vmem>> -> memref<40xi32, #tpu.memory_space<vmem>>
    %dma_start3A_32 = arith.constant 0 : i32
    %dma_start3A_33 = tpu.memref_slice %arg3[%dma_start3A_26, %dma_start3A_32] : memref<2x160000xi32, #tpu.memory_space<hbm>> -> memref<1x160000xi32, #tpu.memory_space<hbm>>
    %dma_start3A_34 = tpu.memref_squeeze %dma_start3A_33 : memref<1x160000xi32, #tpu.memory_space<hbm>> -> memref<160000xi32, #tpu.memory_space<hbm>>
    %dma_start3A_35 = tpu.memref_slice %dma_start3A_34[%add3A_25] : memref<160000xi32, #tpu.memory_space<hbm>> -> memref<40xi32, #tpu.memory_space<hbm>>
    %dma_start3A_36 = tpu.memref_slice %arg13[%dma_start3A_28] : memref<5x!tpu.dma_semaphore, #tpu.memory_space<semaphore_mem>> -> memref<1x!tpu.dma_semaphore, #tpu.memory_space<semaphore_mem>>
    %dma_start3A_37 = tpu.memref_squeeze %dma_start3A_36 : memref<1x!tpu.dma_semaphore, #tpu.memory_space<semaphore_mem>> -> memref<!tpu.dma_semaphore, #tpu.memory_space<semaphore_mem>>
    %dma_start3A_38 = arith.constant 0 : i32
    %dma_start3A_39 = tpu.memref_slice %arg7[%dma_start3A_27, %dma_start3A_38] : memref<5x40xi32, #tpu.memory_space<vmem>> -> memref<1x40xi32, #tpu.memory_space<vmem>>
    %dma_start3A_40 = tpu.memref_squeeze %dma_start3A_39 : memref<1x40xi32, #tpu.memory_space<vmem>> -> memref<40xi32, #tpu.memory_space<vmem>>
    %dma_start3A_41 = arith.constant 0 : i32
    %dma_start3A_42 = tpu.memref_slice %arg3[%dma_start3A_26, %dma_start3A_41] : memref<2x160000xi32, #tpu.memory_space<hbm>> -> memref<1x160000xi32, #tpu.memory_space<hbm>>
    %dma_start3A_43 = tpu.memref_squeeze %dma_start3A_42 : memref<1x160000xi32, #tpu.memory_space<hbm>> -> memref<160000xi32, #tpu.memory_space<hbm>>
    %dma_start3A_44 = tpu.memref_slice %dma_start3A_43[%add3A_25] : memref<160000xi32, #tpu.memory_space<hbm>> -> memref<40xi32, #tpu.memory_space<hbm>>
    tpu.enqueue_dma source(%dma_start3A_44 : memref<40xi32, #tpu.memory_space<hbm>>) target(%dma_start3A_40 : memref<40xi32, #tpu.memory_space<vmem>>) target_semaphore(%dma_start3A_37 : memref<!tpu.dma_semaphore, #tpu.memory_space<semaphore_mem>>)
    %mul3A_45 = arith.constant 10000 : i32
    %mul3A_46 = arith.muli %arg1, %mul3A_45 : i32
    %add3A_47 = arith.constant 40 : i32
    %add3A_48 = arith.addi %mul3A_46, %add3A_47 : i32
    %dma_start3A_49 = arith.constant 0 : i32
    %dma_start3A_50 = arith.constant 1 : i32
    %dma_start3A_51 = arith.constant 1 : i32
    %dma_start3A_52 = arith.constant 0 : i32
    %dma_start3A_53 = tpu.memref_slice %arg6[%dma_start3A_50, %dma_start3A_52] : memref<5x40xi32, #tpu.memory_space<vmem>> -> memref<1x40xi32, #tpu.memory_space<vmem>>
    %dma_start3A_54 = tpu.memref_squeeze %dma_start3A_53 : memref<1x40xi32, #tpu.memory_space<vmem>> -> memref<40xi32, #tpu.memory_space<vmem>>
    %dma_start3A_55 = arith.constant 0 : i32
    %dma_start3A_56 = tpu.memref_slice %arg3[%dma_start3A_49, %dma_start3A_55] : memref<2x160000xi32, #tpu.memory_space<hbm>> -> memref<1x160000xi32, #tpu.memory_space<hbm>>
    %dma_start3A_57 = tpu.memref_squeeze %dma_start3A_56 : memref<1x160000xi32, #tpu.memory_space<hbm>> -> memref<160000xi32, #tpu.memory_space<hbm>>
    %dma_start3A_58 = tpu.memref_slice %dma_start3A_57[%add3A_48] : memref<160000xi32, #tpu.memory_space<hbm>> -> memref<40xi32, #tpu.memory_space<hbm>>
    %dma_start3A_59 = tpu.memref_slice %arg12[%dma_start3A_51] : memref<5x!tpu.dma_semaphore, #tpu.memory_space<semaphore_mem>> -> memref<1x!tpu.dma_semaphore, #tpu.memory_space<semaphore_mem>>
    %dma_start3A_60 = tpu.memref_squeeze %dma_start3A_59 : memref<1x!tpu.dma_semaphore, #tpu.memory_space<semaphore_mem>> -> memref<!tpu.dma_semaphore, #tpu.memory_space<semaphore_mem>>
    %dma_start3A_61 = arith.constant 0 : i32
    %dma_start3A_62 = tpu.memref_slice %arg6[%dma_start3A_50, %dma_start3A_61] : memref<5x40xi32, #tpu.memory_space<vmem>> -> memref<1x40xi32, #tpu.memory_space<vmem>>
    %dma_start3A_63 = tpu.memref_squeeze %dma_start3A_62 : memref<1x40xi32, #tpu.memory_space<vmem>> -> memref<40xi32, #tpu.memory_space<vmem>>
    %dma_start3A_64 = arith.constant 0 : i32
    %dma_start3A_65 = tpu.memref_slice %arg3[%dma_start3A_49, %dma_start3A_64] : memref<2x160000xi32, #tpu.memory_space<hbm>> -> memref<1x160000xi32, #tpu.memory_space<hbm>>
    %dma_start3A_66 = tpu.memref_squeeze %dma_start3A_65 : memref<1x160000xi32, #tpu.memory_space<hbm>> -> memref<160000xi32, #tpu.memory_space<hbm>>
    %dma_start3A_67 = tpu.memref_slice %dma_start3A_66[%add3A_48] : memref<160000xi32, #tpu.memory_space<hbm>> -> memref<40xi32, #tpu.memory_space<hbm>>
    tpu.enqueue_dma source(%dma_start3A_67 : memref<40xi32, #tpu.memory_space<hbm>>) target(%dma_start3A_63 : memref<40xi32, #tpu.memory_space<vmem>>) target_semaphore(%dma_start3A_60 : memref<!tpu.dma_semaphore, #tpu.memory_space<semaphore_mem>>)
    %mul3A_68 = arith.constant 10000 : i32
    %mul3A_69 = arith.muli %arg1, %mul3A_68 : i32
    %add3A_70 = arith.constant 40 : i32
    %add3A_71 = arith.addi %mul3A_69, %add3A_70 : i32
    %dma_start3A_72 = arith.constant 1 : i32
    %dma_start3A_73 = arith.constant 1 : i32
    %dma_start3A_74 = arith.constant 1 : i32
    %dma_start3A_75 = arith.constant 0 : i32
    %dma_start3A_76 = tpu.memref_slice %arg7[%dma_start3A_73, %dma_start3A_75] : memref<5x40xi32, #tpu.memory_space<vmem>> -> memref<1x40xi32, #tpu.memory_space<vmem>>
    %dma_start3A_77 = tpu.memref_squeeze %dma_start3A_76 : memref<1x40xi32, #tpu.memory_space<vmem>> -> memref<40xi32, #tpu.memory_space<vmem>>
    %dma_start3A_78 = arith.constant 0 : i32
    %dma_start3A_79 = tpu.memref_slice %arg3[%dma_start3A_72, %dma_start3A_78] : memref<2x160000xi32, #tpu.memory_space<hbm>> -> memref<1x160000xi32, #tpu.memory_space<hbm>>
    %dma_start3A_80 = tpu.memref_squeeze %dma_start3A_79 : memref<1x160000xi32, #tpu.memory_space<hbm>> -> memref<160000xi32, #tpu.memory_space<hbm>>
    %dma_start3A_81 = tpu.memref_slice %dma_start3A_80[%add3A_71] : memref<160000xi32, #tpu.memory_space<hbm>> -> memref<40xi32, #tpu.memory_space<hbm>>
    %dma_start3A_82 = tpu.memref_slice %arg13[%dma_start3A_74] : memref<5x!tpu.dma_semaphore, #tpu.memory_space<semaphore_mem>> -> memref<1x!tpu.dma_semaphore, #tpu.memory_space<semaphore_mem>>
    %dma_start3A_83 = tpu.memref_squeeze %dma_start3A_82 : memref<1x!tpu.dma_semaphore, #tpu.memory_space<semaphore_mem>> -> memref<!tpu.dma_semaphore, #tpu.memory_space<semaphore_mem>>
    %dma_start3A_84 = arith.constant 0 : i32
    %dma_start3A_85 = tpu.memref_slice %arg7[%dma_start3A_73, %dma_start3A_84] : memref<5x40xi32, #tpu.memory_space<vmem>> -> memref<1x40xi32, #tpu.memory_space<vmem>>
    %dma_start3A_86 = tpu.memref_squeeze %dma_start3A_85 : memref<1x40xi32, #tpu.memory_space<vmem>> -> memref<40xi32, #tpu.memory_space<vmem>>
    %dma_start3A_87 = arith.constant 0 : i32
    %dma_start3A_88 = tpu.memref_slice %arg3[%dma_start3A_72, %dma_start3A_87] : memref<2x160000xi32, #tpu.memory_space<hbm>> -> memref<1x160000xi32, #tpu.memory_space<hbm>>
    %dma_start3A_89 = tpu.memref_squeeze %dma_start3A_88 : memref<1x160000xi32, #tpu.memory_space<hbm>> -> memref<160000xi32, #tpu.memory_space<hbm>>
    %dma_start3A_90 = tpu.memref_slice %dma_start3A_89[%add3A_71] : memref<160000xi32, #tpu.memory_space<hbm>> -> memref<40xi32, #tpu.memory_space<hbm>>
    tpu.enqueue_dma source(%dma_start3A_90 : memref<40xi32, #tpu.memory_space<hbm>>) target(%dma_start3A_86 : memref<40xi32, #tpu.memory_space<vmem>>) target_semaphore(%dma_start3A_83 : memref<!tpu.dma_semaphore, #tpu.memory_space<semaphore_mem>>)
    %mul3A_91 = arith.constant 10000 : i32
    %mul3A_92 = arith.muli %arg1, %mul3A_91 : i32
    %add3A_93 = arith.constant 80 : i32
    %add3A_94 = arith.addi %mul3A_92, %add3A_93 : i32
    %dma_start3A_95 = arith.constant 0 : i32
    %dma_start3A_96 = arith.constant 2 : i32
    %dma_start3A_97 = arith.constant 2 : i32
    %dma_start3A_98 = arith.constant 0 : i32
    %dma_start3A_99 = tpu.memref_slice %arg6[%dma_start3A_96, %dma_start3A_98] : memref<5x40xi32, #tpu.memory_space<vmem>> -> memref<1x40xi32, #tpu.memory_space<vmem>>
    %dma_start3A_100 = tpu.memref_squeeze %dma_start3A_99 : memref<1x40xi32, #tpu.memory_space<vmem>> -> memref<40xi32, #tpu.memory_space<vmem>>
    %dma_start3A_101 = arith.constant 0 : i32
    %dma_start3A_102 = tpu.memref_slice %arg3[%dma_start3A_95, %dma_start3A_101] : memref<2x160000xi32, #tpu.memory_space<hbm>> -> memref<1x160000xi32, #tpu.memory_space<hbm>>
    %dma_start3A_103 = tpu.memref_squeeze %dma_start3A_102 : memref<1x160000xi32, #tpu.memory_space<hbm>> -> memref<160000xi32, #tpu.memory_space<hbm>>
    %dma_start3A_104 = tpu.memref_slice %dma_start3A_103[%add3A_94] : memref<160000xi32, #tpu.memory_space<hbm>> -> memref<40xi32, #tpu.memory_space<hbm>>
    %dma_start3A_105 = tpu.memref_slice %arg12[%dma_start3A_97] : memref<5x!tpu.dma_semaphore, #tpu.memory_space<semaphore_mem>> -> memref<1x!tpu.dma_semaphore, #tpu.memory_space<semaphore_mem>>
    %dma_start3A_106 = tpu.memref_squeeze %dma_start3A_105 : memref<1x!tpu.dma_semaphore, #tpu.memory_space<semaphore_mem>> -> memref<!tpu.dma_semaphore, #tpu.memory_space<semaphore_mem>>
    %dma_start3A_107 = arith.constant 0 : i32
    %dma_start3A_108 = tpu.memref_slice %arg6[%dma_start3A_96, %dma_start3A_107] : memref<5x40xi32, #tpu.memory_space<vmem>> -> memref<1x40xi32, #tpu.memory_space<vmem>>
    %dma_start3A_109 = tpu.memref_squeeze %dma_start3A_108 : memref<1x40xi32, #tpu.memory_space<vmem>> -> memref<40xi32, #tpu.memory_space<vmem>>
    %dma_start3A_110 = arith.constant 0 : i32
    %dma_start3A_111 = tpu.memref_slice %arg3[%dma_start3A_95, %dma_start3A_110] : memref<2x160000xi32, #tpu.memory_space<hbm>> -> memref<1x160000xi32, #tpu.memory_space<hbm>>
    %dma_start3A_112 = tpu.memref_squeeze %dma_start3A_111 : memref<1x160000xi32, #tpu.memory_space<hbm>> -> memref<160000xi32, #tpu.memory_space<hbm>>
    %dma_start3A_113 = tpu.memref_slice %dma_start3A_112[%add3A_94] : memref<160000xi32, #tpu.memory_space<hbm>> -> memref<40xi32, #tpu.memory_space<hbm>>
    tpu.enqueue_dma source(%dma_start3A_113 : memref<40xi32, #tpu.memory_space<hbm>>) target(%dma_start3A_109 : memref<40xi32, #tpu.memory_space<vmem>>) target_semaphore(%dma_start3A_106 : memref<!tpu.dma_semaphore, #tpu.memory_space<semaphore_mem>>)
    %mul3A_114 = arith.constant 10000 : i32
    %mul3A_115 = arith.muli %arg1, %mul3A_114 : i32
    %add3A_116 = arith.constant 80 : i32
    %add3A_117 = arith.addi %mul3A_115, %add3A_116 : i32
    %dma_start3A_118 = arith.constant 1 : i32
    %dma_start3A_119 = arith.constant 2 : i32
    %dma_start3A_120 = arith.constant 2 : i32
    %dma_start3A_121 = arith.constant 0 : i32
    %dma_start3A_122 = tpu.memref_slice %arg7[%dma_start3A_119, %dma_start3A_121] : memref<5x40xi32, #tpu.memory_space<vmem>> -> memref<1x40xi32, #tpu.memory_space<vmem>>
    %dma_start3A_123 = tpu.memref_squeeze %dma_start3A_122 : memref<1x40xi32, #tpu.memory_space<vmem>> -> memref<40xi32, #tpu.memory_space<vmem>>
    %dma_start3A_124 = arith.constant 0 : i32
    %dma_start3A_125 = tpu.memref_slice %arg3[%dma_start3A_118, %dma_start3A_124] : memref<2x160000xi32, #tpu.memory_space<hbm>> -> memref<1x160000xi32, #tpu.memory_space<hbm>>
    %dma_start3A_126 = tpu.memref_squeeze %dma_start3A_125 : memref<1x160000xi32, #tpu.memory_space<hbm>> -> memref<160000xi32, #tpu.memory_space<hbm>>
    %dma_start3A_127 = tpu.memref_slice %dma_start3A_126[%add3A_117] : memref<160000xi32, #tpu.memory_space<hbm>> -> memref<40xi32, #tpu.memory_space<hbm>>
    %dma_start3A_128 = tpu.memref_slice %arg13[%dma_start3A_120] : memref<5x!tpu.dma_semaphore, #tpu.memory_space<semaphore_mem>> -> memref<1x!tpu.dma_semaphore, #tpu.memory_space<semaphore_mem>>
    %dma_start3A_129 = tpu.memref_squeeze %dma_start3A_128 : memref<1x!tpu.dma_semaphore, #tpu.memory_space<semaphore_mem>> -> memref<!tpu.dma_semaphore, #tpu.memory_space<semaphore_mem>>
    %dma_start3A_130 = arith.constant 0 : i32
    %dma_start3A_131 = tpu.memref_slice %arg7[%dma_start3A_119, %dma_start3A_130] : memref<5x40xi32, #tpu.memory_space<vmem>> -> memref<1x40xi32, #tpu.memory_space<vmem>>
    %dma_start3A_132 = tpu.memref_squeeze %dma_start3A_131 : memref<1x40xi32, #tpu.memory_space<vmem>> -> memref<40xi32, #tpu.memory_space<vmem>>
    %dma_start3A_133 = arith.constant 0 : i32
    %dma_start3A_134 = tpu.memref_slice %arg3[%dma_start3A_118, %dma_start3A_133] : memref<2x160000xi32, #tpu.memory_space<hbm>> -> memref<1x160000xi32, #tpu.memory_space<hbm>>
    %dma_start3A_135 = tpu.memref_squeeze %dma_start3A_134 : memref<1x160000xi32, #tpu.memory_space<hbm>> -> memref<160000xi32, #tpu.memory_space<hbm>>
    %dma_start3A_136 = tpu.memref_slice %dma_start3A_135[%add3A_117] : memref<160000xi32, #tpu.memory_space<hbm>> -> memref<40xi32, #tpu.memory_space<hbm>>
    tpu.enqueue_dma source(%dma_start3A_136 : memref<40xi32, #tpu.memory_space<hbm>>) target(%dma_start3A_132 : memref<40xi32, #tpu.memory_space<vmem>>) target_semaphore(%dma_start3A_129 : memref<!tpu.dma_semaphore, #tpu.memory_space<semaphore_mem>>)
    %mul3A_137 = arith.constant 10000 : i32
    %mul3A_138 = arith.muli %arg1, %mul3A_137 : i32
    %add3A_139 = arith.constant 120 : i32
    %add3A_140 = arith.addi %mul3A_138, %add3A_139 : i32
    %dma_start3A_141 = arith.constant 0 : i32
    %dma_start3A_142 = arith.constant 3 : i32
    %dma_start3A_143 = arith.constant 3 : i32
    %dma_start3A_144 = arith.constant 0 : i32
    %dma_start3A_145 = tpu.memref_slice %arg6[%dma_start3A_142, %dma_start3A_144] : memref<5x40xi32, #tpu.memory_space<vmem>> -> memref<1x40xi32, #tpu.memory_space<vmem>>
    %dma_start3A_146 = tpu.memref_squeeze %dma_start3A_145 : memref<1x40xi32, #tpu.memory_space<vmem>> -> memref<40xi32, #tpu.memory_space<vmem>>
    %dma_start3A_147 = arith.constant 0 : i32
    %dma_start3A_148 = tpu.memref_slice %arg3[%dma_start3A_141, %dma_start3A_147] : memref<2x160000xi32, #tpu.memory_space<hbm>> -> memref<1x160000xi32, #tpu.memory_space<hbm>>
    %dma_start3A_149 = tpu.memref_squeeze %dma_start3A_148 : memref<1x160000xi32, #tpu.memory_space<hbm>> -> memref<160000xi32, #tpu.memory_space<hbm>>
    %dma_start3A_150 = tpu.memref_slice %dma_start3A_149[%add3A_140] : memref<160000xi32, #tpu.memory_space<hbm>> -> memref<40xi32, #tpu.memory_space<hbm>>
    %dma_start3A_151 = tpu.memref_slice %arg12[%dma_start3A_143] : memref<5x!tpu.dma_semaphore, #tpu.memory_space<semaphore_mem>> -> memref<1x!tpu.dma_semaphore, #tpu.memory_space<semaphore_mem>>
    %dma_start3A_152 = tpu.memref_squeeze %dma_start3A_151 : memref<1x!tpu.dma_semaphore, #tpu.memory_space<semaphore_mem>> -> memref<!tpu.dma_semaphore, #tpu.memory_space<semaphore_mem>>
    %dma_start3A_153 = arith.constant 0 : i32
    %dma_start3A_154 = tpu.memref_slice %arg6[%dma_start3A_142, %dma_start3A_153] : memref<5x40xi32, #tpu.memory_space<vmem>> -> memref<1x40xi32, #tpu.memory_space<vmem>>
    %dma_start3A_155 = tpu.memref_squeeze %dma_start3A_154 : memref<1x40xi32, #tpu.memory_space<vmem>> -> memref<40xi32, #tpu.memory_space<vmem>>
    %dma_start3A_156 = arith.constant 0 : i32
    %dma_start3A_157 = tpu.memref_slice %arg3[%dma_start3A_141, %dma_start3A_156] : memref<2x160000xi32, #tpu.memory_space<hbm>> -> memref<1x160000xi32, #tpu.memory_space<hbm>>
    %dma_start3A_158 = tpu.memref_squeeze %dma_start3A_157 : memref<1x160000xi32, #tpu.memory_space<hbm>> -> memref<160000xi32, #tpu.memory_space<hbm>>
    %dma_start3A_159 = tpu.memref_slice %dma_start3A_158[%add3A_140] : memref<160000xi32, #tpu.memory_space<hbm>> -> memref<40xi32, #tpu.memory_space<hbm>>
    tpu.enqueue_dma source(%dma_start3A_159 : memref<40xi32, #tpu.memory_space<hbm>>) target(%dma_start3A_155 : memref<40xi32, #tpu.memory_space<vmem>>) target_semaphore(%dma_start3A_152 : memref<!tpu.dma_semaphore, #tpu.memory_space<semaphore_mem>>)
    %mul3A_160 = arith.constant 10000 : i32
    %mul3A_161 = arith.muli %arg1, %mul3A_160 : i32
    %add3A_162 = arith.constant 120 : i32
    %add3A_163 = arith.addi %mul3A_161, %add3A_162 : i32
    %dma_start3A_164 = arith.constant 1 : i32
    %dma_start3A_165 = arith.constant 3 : i32
    %dma_start3A_166 = arith.constant 3 : i32
    %dma_start3A_167 = arith.constant 0 : i32
    %dma_start3A_168 = tpu.memref_slice %arg7[%dma_start3A_165, %dma_start3A_167] : memref<5x40xi32, #tpu.memory_space<vmem>> -> memref<1x40xi32, #tpu.memory_space<vmem>>
    %dma_start3A_169 = tpu.memref_squeeze %dma_start3A_168 : memref<1x40xi32, #tpu.memory_space<vmem>> -> memref<40xi32, #tpu.memory_space<vmem>>
    %dma_start3A_170 = arith.constant 0 : i32
    %dma_start3A_171 = tpu.memref_slice %arg3[%dma_start3A_164, %dma_start3A_170] : memref<2x160000xi32, #tpu.memory_space<hbm>> -> memref<1x160000xi32, #tpu.memory_space<hbm>>
    %dma_start3A_172 = tpu.memref_squeeze %dma_start3A_171 : memref<1x160000xi32, #tpu.memory_space<hbm>> -> memref<160000xi32, #tpu.memory_space<hbm>>
    %dma_start3A_173 = tpu.memref_slice %dma_start3A_172[%add3A_163] : memref<160000xi32, #tpu.memory_space<hbm>> -> memref<40xi32, #tpu.memory_space<hbm>>
    %dma_start3A_174 = tpu.memref_slice %arg13[%dma_start3A_166] : memref<5x!tpu.dma_semaphore, #tpu.memory_space<semaphore_mem>> -> memref<1x!tpu.dma_semaphore, #tpu.memory_space<semaphore_mem>>
    %dma_start3A_175 = tpu.memref_squeeze %dma_start3A_174 : memref<1x!tpu.dma_semaphore, #tpu.memory_space<semaphore_mem>> -> memref<!tpu.dma_semaphore, #tpu.memory_space<semaphore_mem>>
    %dma_start3A_176 = arith.constant 0 : i32
    %dma_start3A_177 = tpu.memref_slice %arg7[%dma_start3A_165, %dma_start3A_176] : memref<5x40xi32, #tpu.memory_space<vmem>> -> memref<1x40xi32, #tpu.memory_space<vmem>>
    %dma_start3A_178 = tpu.memref_squeeze %dma_start3A_177 : memref<1x40xi32, #tpu.memory_space<vmem>> -> memref<40xi32, #tpu.memory_space<vmem>>
    %dma_start3A_179 = arith.constant 0 : i32
    %dma_start3A_180 = tpu.memref_slice %arg3[%dma_start3A_164, %dma_start3A_179] : memref<2x160000xi32, #tpu.memory_space<hbm>> -> memref<1x160000xi32, #tpu.memory_space<hbm>>
    %dma_start3A_181 = tpu.memref_squeeze %dma_start3A_180 : memref<1x160000xi32, #tpu.memory_space<hbm>> -> memref<160000xi32, #tpu.memory_space<hbm>>
    %dma_start3A_182 = tpu.memref_slice %dma_start3A_181[%add3A_163] : memref<160000xi32, #tpu.memory_space<hbm>> -> memref<40xi32, #tpu.memory_space<hbm>>
    tpu.enqueue_dma source(%dma_start3A_182 : memref<40xi32, #tpu.memory_space<hbm>>) target(%dma_start3A_178 : memref<40xi32, #tpu.memory_space<vmem>>) target_semaphore(%dma_start3A_175 : memref<!tpu.dma_semaphore, #tpu.memory_space<semaphore_mem>>)
    %mul3A_183 = arith.constant 10000 : i32
    %mul3A_184 = arith.muli %arg1, %mul3A_183 : i32
    %add3A_185 = arith.constant 160 : i32
    %add3A_186 = arith.addi %mul3A_184, %add3A_185 : i32
    %dma_start3A_187 = arith.constant 0 : i32
    %dma_start3A_188 = arith.constant 4 : i32
    %dma_start3A_189 = arith.constant 4 : i32
    %dma_start3A_190 = arith.constant 0 : i32
    %dma_start3A_191 = tpu.memref_slice %arg6[%dma_start3A_188, %dma_start3A_190] : memref<5x40xi32, #tpu.memory_space<vmem>> -> memref<1x40xi32, #tpu.memory_space<vmem>>
    %dma_start3A_192 = tpu.memref_squeeze %dma_start3A_191 : memref<1x40xi32, #tpu.memory_space<vmem>> -> memref<40xi32, #tpu.memory_space<vmem>>
    %dma_start3A_193 = arith.constant 0 : i32
    %dma_start3A_194 = tpu.memref_slice %arg3[%dma_start3A_187, %dma_start3A_193] : memref<2x160000xi32, #tpu.memory_space<hbm>> -> memref<1x160000xi32, #tpu.memory_space<hbm>>
    %dma_start3A_195 = tpu.memref_squeeze %dma_start3A_194 : memref<1x160000xi32, #tpu.memory_space<hbm>> -> memref<160000xi32, #tpu.memory_space<hbm>>
    %dma_start3A_196 = tpu.memref_slice %dma_start3A_195[%add3A_186] : memref<160000xi32, #tpu.memory_space<hbm>> -> memref<40xi32, #tpu.memory_space<hbm>>
    %dma_start3A_197 = tpu.memref_slice %arg12[%dma_start3A_189] : memref<5x!tpu.dma_semaphore, #tpu.memory_space<semaphore_mem>> -> memref<1x!tpu.dma_semaphore, #tpu.memory_space<semaphore_mem>>
    %dma_start3A_198 = tpu.memref_squeeze %dma_start3A_197 : memref<1x!tpu.dma_semaphore, #tpu.memory_space<semaphore_mem>> -> memref<!tpu.dma_semaphore, #tpu.memory_space<semaphore_mem>>
    %dma_start3A_199 = arith.constant 0 : i32
    %dma_start3A_200 = tpu.memref_slice %arg6[%dma_start3A_188, %dma_start3A_199] : memref<5x40xi32, #tpu.memory_space<vmem>> -> memref<1x40xi32, #tpu.memory_space<vmem>>
    %dma_start3A_201 = tpu.memref_squeeze %dma_start3A_200 : memref<1x40xi32, #tpu.memory_space<vmem>> -> memref<40xi32, #tpu.memory_space<vmem>>
    %dma_start3A_202 = arith.constant 0 : i32
    %dma_start3A_203 = tpu.memref_slice %arg3[%dma_start3A_187, %dma_start3A_202] : memref<2x160000xi32, #tpu.memory_space<hbm>> -> memref<1x160000xi32, #tpu.memory_space<hbm>>
    %dma_start3A_204 = tpu.memref_squeeze %dma_start3A_203 : memref<1x160000xi32, #tpu.memory_space<hbm>> -> memref<160000xi32, #tpu.memory_space<hbm>>
    %dma_start3A_205 = tpu.memref_slice %dma_start3A_204[%add3A_186] : memref<160000xi32, #tpu.memory_space<hbm>> -> memref<40xi32, #tpu.memory_space<hbm>>
    tpu.enqueue_dma source(%dma_start3A_205 : memref<40xi32, #tpu.memory_space<hbm>>) target(%dma_start3A_201 : memref<40xi32, #tpu.memory_space<vmem>>) target_semaphore(%dma_start3A_198 : memref<!tpu.dma_semaphore, #tpu.memory_space<semaphore_mem>>)
    %mul3A_206 = arith.constant 10000 : i32
    %mul3A_207 = arith.muli %arg1, %mul3A_206 : i32
    %add3A_208 = arith.constant 160 : i32
    %add3A_209 = arith.addi %mul3A_207, %add3A_208 : i32
    %dma_start3A_210 = arith.constant 1 : i32
    %dma_start3A_211 = arith.constant 4 : i32
    %dma_start3A_212 = arith.constant 4 : i32
    %dma_start3A_213 = arith.constant 0 : i32
    %dma_start3A_214 = tpu.memref_slice %arg7[%dma_start3A_211, %dma_start3A_213] : memref<5x40xi32, #tpu.memory_space<vmem>> -> memref<1x40xi32, #tpu.memory_space<vmem>>
    %dma_start3A_215 = tpu.memref_squeeze %dma_start3A_214 : memref<1x40xi32, #tpu.memory_space<vmem>> -> memref<40xi32, #tpu.memory_space<vmem>>
    %dma_start3A_216 = arith.constant 0 : i32
    %dma_start3A_217 = tpu.memref_slice %arg3[%dma_start3A_210, %dma_start3A_216] : memref<2x160000xi32, #tpu.memory_space<hbm>> -> memref<1x160000xi32, #tpu.memory_space<hbm>>
    %dma_start3A_218 = tpu.memref_squeeze %dma_start3A_217 : memref<1x160000xi32, #tpu.memory_space<hbm>> -> memref<160000xi32, #tpu.memory_space<hbm>>
    %dma_start3A_219 = tpu.memref_slice %dma_start3A_218[%add3A_209] : memref<160000xi32, #tpu.memory_space<hbm>> -> memref<40xi32, #tpu.memory_space<hbm>>
    %dma_start3A_220 = tpu.memref_slice %arg13[%dma_start3A_212] : memref<5x!tpu.dma_semaphore, #tpu.memory_space<semaphore_mem>> -> memref<1x!tpu.dma_semaphore, #tpu.memory_space<semaphore_mem>>
    %dma_start3A_221 = tpu.memref_squeeze %dma_start3A_220 : memref<1x!tpu.dma_semaphore, #tpu.memory_space<semaphore_mem>> -> memref<!tpu.dma_semaphore, #tpu.memory_space<semaphore_mem>>
    %dma_start3A_222 = arith.constant 0 : i32
    %dma_start3A_223 = tpu.memref_slice %arg7[%dma_start3A_211, %dma_start3A_222] : memref<5x40xi32, #tpu.memory_space<vmem>> -> memref<1x40xi32, #tpu.memory_space<vmem>>
    %dma_start3A_224 = tpu.memref_squeeze %dma_start3A_223 : memref<1x40xi32, #tpu.memory_space<vmem>> -> memref<40xi32, #tpu.memory_space<vmem>>
    %dma_start3A_225 = arith.constant 0 : i32
    %dma_start3A_226 = tpu.memref_slice %arg3[%dma_start3A_210, %dma_start3A_225] : memref<2x160000xi32, #tpu.memory_space<hbm>> -> memref<1x160000xi32, #tpu.memory_space<hbm>>
    %dma_start3A_227 = tpu.memref_squeeze %dma_start3A_226 : memref<1x160000xi32, #tpu.memory_space<hbm>> -> memref<160000xi32, #tpu.memory_space<hbm>>
    %dma_start3A_228 = tpu.memref_slice %dma_start3A_227[%add3A_209] : memref<160000xi32, #tpu.memory_space<hbm>> -> memref<40xi32, #tpu.memory_space<hbm>>
    tpu.enqueue_dma source(%dma_start3A_228 : memref<40xi32, #tpu.memory_space<hbm>>) target(%dma_start3A_224 : memref<40xi32, #tpu.memory_space<vmem>>) target_semaphore(%dma_start3A_221 : memref<!tpu.dma_semaphore, #tpu.memory_space<semaphore_mem>>)
    %dma_wait3A = arith.constant 0 : i32
    %dma_wait3A_229 = arith.constant 0 : i32
    %dma_wait3A_230 = arith.constant 0 : i32
    %dma_wait3A_231 = arith.constant 0 : i32
    %dma_wait3A_232 = tpu.memref_slice %arg6[%dma_wait3A_229, %dma_wait3A_231] : memref<5x40xi32, #tpu.memory_space<vmem>> -> memref<1x40xi32, #tpu.memory_space<vmem>>
    %dma_wait3A_233 = tpu.memref_squeeze %dma_wait3A_232 : memref<1x40xi32, #tpu.memory_space<vmem>> -> memref<40xi32, #tpu.memory_space<vmem>>
    %dma_wait3A_234 = arith.constant 0 : i32
    %dma_wait3A_235 = tpu.memref_slice %arg3[%dma_wait3A, %dma_wait3A_234] : memref<2x160000xi32, #tpu.memory_space<hbm>> -> memref<1x160000xi32, #tpu.memory_space<hbm>>
    %dma_wait3A_236 = tpu.memref_squeeze %dma_wait3A_235 : memref<1x160000xi32, #tpu.memory_space<hbm>> -> memref<160000xi32, #tpu.memory_space<hbm>>
    %dma_wait3A_237 = arith.constant 0 : i32
    %dma_wait3A_238 = tpu.memref_slice %dma_wait3A_236[%dma_wait3A_237] : memref<160000xi32, #tpu.memory_space<hbm>> -> memref<40xi32, #tpu.memory_space<hbm>>
    %dma_wait3A_239 = tpu.memref_slice %arg12[%dma_wait3A_230] : memref<5x!tpu.dma_semaphore, #tpu.memory_space<semaphore_mem>> -> memref<1x!tpu.dma_semaphore, #tpu.memory_space<semaphore_mem>>
    %dma_wait3A_240 = tpu.memref_squeeze %dma_wait3A_239 : memref<1x!tpu.dma_semaphore, #tpu.memory_space<semaphore_mem>> -> memref<!tpu.dma_semaphore, #tpu.memory_space<semaphore_mem>>
    %dma_wait3A_241 = arith.constant 0 : i32
    %dma_wait3A_242 = tpu.memref_slice %arg6[%dma_wait3A_229, %dma_wait3A_241] : memref<5x40xi32, #tpu.memory_space<vmem>> -> memref<1x40xi32, #tpu.memory_space<vmem>>
    %dma_wait3A_243 = tpu.memref_squeeze %dma_wait3A_242 : memref<1x40xi32, #tpu.memory_space<vmem>> -> memref<40xi32, #tpu.memory_space<vmem>>
    %dma_wait3A_244 = arith.constant 0 : i32
    %dma_wait3A_245 = tpu.memref_slice %arg3[%dma_wait3A, %dma_wait3A_244] : memref<2x160000xi32, #tpu.memory_space<hbm>> -> memref<1x160000xi32, #tpu.memory_space<hbm>>
    %dma_wait3A_246 = tpu.memref_squeeze %dma_wait3A_245 : memref<1x160000xi32, #tpu.memory_space<hbm>> -> memref<160000xi32, #tpu.memory_space<hbm>>
    %dma_wait3A_247 = arith.constant 0 : i32
    %dma_wait3A_248 = tpu.memref_slice %dma_wait3A_246[%dma_wait3A_247] : memref<160000xi32, #tpu.memory_space<hbm>> -> memref<40xi32, #tpu.memory_space<hbm>>
    tpu.wait_dma2 semaphore(%dma_wait3A_240 : memref<!tpu.dma_semaphore, #tpu.memory_space<semaphore_mem>>) src(%dma_wait3A_248 : memref<40xi32, #tpu.memory_space<hbm>>) dst(%dma_wait3A_243 : memref<40xi32, #tpu.memory_space<vmem>>)
    %mul3A_249 = arith.constant 10000 : i32
    %mul3A_250 = arith.muli %arg0, %mul3A_249 : i32
    %dma_start3A_251 = arith.constant 0 : i32
    %dma_start3A_252 = arith.constant 0 : i32
    %dma_start3A_253 = arith.constant 0 : i32
    %dma_start3A_254 = arith.constant 0 : i32
    %dma_start3A_255 = arith.constant 0 : i32
    %dma_start3A_256 = tpu.memref_slice %arg8[%dma_start3A_252, %dma_start3A_254, %dma_start3A_255] : memref<5x40x128xf32, #tpu.memory_space<vmem>> -> memref<1x40x128xf32, #tpu.memory_space<vmem>>
    %dma_start3A_257 = tpu.memref_squeeze %dma_start3A_256 : memref<1x40x128xf32, #tpu.memory_space<vmem>> -> memref<40x128xf32, #tpu.memory_space<vmem>>
    %dma_start3A_258 = arith.constant 0 : i32
    %dma_start3A_259 = tpu.memref_slice %arg6[%dma_start3A_251, %dma_start3A_258] : memref<5x40xi32, #tpu.memory_space<vmem>> -> memref<1x40xi32, #tpu.memory_space<vmem>>
    %dma_start3A_260 = tpu.memref_squeeze %dma_start3A_259 : memref<1x40xi32, #tpu.memory_space<vmem>> -> memref<40xi32, #tpu.memory_space<vmem>>
    %dma_start3A_261 = arith.constant 0 : i32
    %dma_start3A_262 = tpu.memref_slice %arg2[%mul3A_250, %dma_start3A_261] : memref<20000x128xf32, #tpu.memory_space<hbm>> -> memref<10000x128xf32, #tpu.memory_space<hbm>>
    %dma_start3A_263 = arith.constant 0 : i32
    %dma_start3A_264 = arith.constant 0 : i32
    %dma_start3A_265 = tpu.memref_slice %dma_start3A_262[%dma_start3A_263, %dma_start3A_264] : memref<10000x128xf32, #tpu.memory_space<hbm>> -> memref<10000x128xf32, #tpu.memory_space<hbm>>
    %dma_start3A_266 = tpu.memref_slice %arg10[%dma_start3A_253] : memref<5x!tpu.dma_semaphore, #tpu.memory_space<semaphore_mem>> -> memref<1x!tpu.dma_semaphore, #tpu.memory_space<semaphore_mem>>
    %dma_start3A_267 = tpu.memref_squeeze %dma_start3A_266 : memref<1x!tpu.dma_semaphore, #tpu.memory_space<semaphore_mem>> -> memref<!tpu.dma_semaphore, #tpu.memory_space<semaphore_mem>>
    tpu.enqueue_indirect_dma source(%dma_start3A_265 : memref<10000x128xf32, #tpu.memory_space<hbm>>) target(%dma_start3A_257 : memref<40x128xf32, #tpu.memory_space<vmem>>) offsets(%dma_start3A_260 : memref<40xi32, #tpu.memory_space<vmem>>) semaphore(%dma_start3A_267 : memref<!tpu.dma_semaphore, #tpu.memory_space<semaphore_mem>>)
    %dma_wait3A_268 = arith.constant 0 : i32
    %dma_wait3A_269 = arith.constant 1 : i32
    %dma_wait3A_270 = arith.constant 1 : i32
    %dma_wait3A_271 = arith.constant 0 : i32
    %dma_wait3A_272 = tpu.memref_slice %arg6[%dma_wait3A_269, %dma_wait3A_271] : memref<5x40xi32, #tpu.memory_space<vmem>> -> memref<1x40xi32, #tpu.memory_space<vmem>>
    %dma_wait3A_273 = tpu.memref_squeeze %dma_wait3A_272 : memref<1x40xi32, #tpu.memory_space<vmem>> -> memref<40xi32, #tpu.memory_space<vmem>>
    %dma_wait3A_274 = arith.constant 0 : i32
    %dma_wait3A_275 = tpu.memref_slice %arg3[%dma_wait3A_268, %dma_wait3A_274] : memref<2x160000xi32, #tpu.memory_space<hbm>> -> memref<1x160000xi32, #tpu.memory_space<hbm>>
    %dma_wait3A_276 = tpu.memref_squeeze %dma_wait3A_275 : memref<1x160000xi32, #tpu.memory_space<hbm>> -> memref<160000xi32, #tpu.memory_space<hbm>>
    %dma_wait3A_277 = arith.constant 0 : i32
    %dma_wait3A_278 = tpu.memref_slice %dma_wait3A_276[%dma_wait3A_277] : memref<160000xi32, #tpu.memory_space<hbm>> -> memref<40xi32, #tpu.memory_space<hbm>>
    %dma_wait3A_279 = tpu.memref_slice %arg12[%dma_wait3A_270] : memref<5x!tpu.dma_semaphore, #tpu.memory_space<semaphore_mem>> -> memref<1x!tpu.dma_semaphore, #tpu.memory_space<semaphore_mem>>
    %dma_wait3A_280 = tpu.memref_squeeze %dma_wait3A_279 : memref<1x!tpu.dma_semaphore, #tpu.memory_space<semaphore_mem>> -> memref<!tpu.dma_semaphore, #tpu.memory_space<semaphore_mem>>
    %dma_wait3A_281 = arith.constant 0 : i32
    %dma_wait3A_282 = tpu.memref_slice %arg6[%dma_wait3A_269, %dma_wait3A_281] : memref<5x40xi32, #tpu.memory_space<vmem>> -> memref<1x40xi32, #tpu.memory_space<vmem>>
    %dma_wait3A_283 = tpu.memref_squeeze %dma_wait3A_282 : memref<1x40xi32, #tpu.memory_space<vmem>> -> memref<40xi32, #tpu.memory_space<vmem>>
    %dma_wait3A_284 = arith.constant 0 : i32
    %dma_wait3A_285 = tpu.memref_slice %arg3[%dma_wait3A_268, %dma_wait3A_284] : memref<2x160000xi32, #tpu.memory_space<hbm>> -> memref<1x160000xi32, #tpu.memory_space<hbm>>
    %dma_wait3A_286 = tpu.memref_squeeze %dma_wait3A_285 : memref<1x160000xi32, #tpu.memory_space<hbm>> -> memref<160000xi32, #tpu.memory_space<hbm>>
    %dma_wait3A_287 = arith.constant 0 : i32
    %dma_wait3A_288 = tpu.memref_slice %dma_wait3A_286[%dma_wait3A_287] : memref<160000xi32, #tpu.memory_space<hbm>> -> memref<40xi32, #tpu.memory_space<hbm>>
    tpu.wait_dma2 semaphore(%dma_wait3A_280 : memref<!tpu.dma_semaphore, #tpu.memory_space<semaphore_mem>>) src(%dma_wait3A_288 : memref<40xi32, #tpu.memory_space<hbm>>) dst(%dma_wait3A_283 : memref<40xi32, #tpu.memory_space<vmem>>)
    %mul3A_289 = arith.constant 10000 : i32
    %mul3A_290 = arith.muli %arg0, %mul3A_289 : i32
    %dma_start3A_291 = arith.constant 1 : i32
    %dma_start3A_292 = arith.constant 1 : i32
    %dma_start3A_293 = arith.constant 1 : i32
    %dma_start3A_294 = arith.constant 0 : i32
    %dma_start3A_295 = arith.constant 0 : i32
    %dma_start3A_296 = tpu.memref_slice %arg8[%dma_start3A_292, %dma_start3A_294, %dma_start3A_295] : memref<5x40x128xf32, #tpu.memory_space<vmem>> -> memref<1x40x128xf32, #tpu.memory_space<vmem>>
    %dma_start3A_297 = tpu.memref_squeeze %dma_start3A_296 : memref<1x40x128xf32, #tpu.memory_space<vmem>> -> memref<40x128xf32, #tpu.memory_space<vmem>>
    %dma_start3A_298 = arith.constant 0 : i32
    %dma_start3A_299 = tpu.memref_slice %arg6[%dma_start3A_291, %dma_start3A_298] : memref<5x40xi32, #tpu.memory_space<vmem>> -> memref<1x40xi32, #tpu.memory_space<vmem>>
    %dma_start3A_300 = tpu.memref_squeeze %dma_start3A_299 : memref<1x40xi32, #tpu.memory_space<vmem>> -> memref<40xi32, #tpu.memory_space<vmem>>
    %dma_start3A_301 = arith.constant 0 : i32
    %dma_start3A_302 = tpu.memref_slice %arg2[%mul3A_290, %dma_start3A_301] : memref<20000x128xf32, #tpu.memory_space<hbm>> -> memref<10000x128xf32, #tpu.memory_space<hbm>>
    %dma_start3A_303 = arith.constant 0 : i32
    %dma_start3A_304 = arith.constant 0 : i32
    %dma_start3A_305 = tpu.memref_slice %dma_start3A_302[%dma_start3A_303, %dma_start3A_304] : memref<10000x128xf32, #tpu.memory_space<hbm>> -> memref<10000x128xf32, #tpu.memory_space<hbm>>
    %dma_start3A_306 = tpu.memref_slice %arg10[%dma_start3A_293] : memref<5x!tpu.dma_semaphore, #tpu.memory_space<semaphore_mem>> -> memref<1x!tpu.dma_semaphore, #tpu.memory_space<semaphore_mem>>
    %dma_start3A_307 = tpu.memref_squeeze %dma_start3A_306 : memref<1x!tpu.dma_semaphore, #tpu.memory_space<semaphore_mem>> -> memref<!tpu.dma_semaphore, #tpu.memory_space<semaphore_mem>>
    tpu.enqueue_indirect_dma source(%dma_start3A_305 : memref<10000x128xf32, #tpu.memory_space<hbm>>) target(%dma_start3A_297 : memref<40x128xf32, #tpu.memory_space<vmem>>) offsets(%dma_start3A_300 : memref<40xi32, #tpu.memory_space<vmem>>) semaphore(%dma_start3A_307 : memref<!tpu.dma_semaphore, #tpu.memory_space<semaphore_mem>>)
    %dma_wait3A_308 = arith.constant 0 : i32
    %dma_wait3A_309 = arith.constant 2 : i32
    %dma_wait3A_310 = arith.constant 2 : i32
    %dma_wait3A_311 = arith.constant 0 : i32
    %dma_wait3A_312 = tpu.memref_slice %arg6[%dma_wait3A_309, %dma_wait3A_311] : memref<5x40xi32, #tpu.memory_space<vmem>> -> memref<1x40xi32, #tpu.memory_space<vmem>>
    %dma_wait3A_313 = tpu.memref_squeeze %dma_wait3A_312 : memref<1x40xi32, #tpu.memory_space<vmem>> -> memref<40xi32, #tpu.memory_space<vmem>>
    %dma_wait3A_314 = arith.constant 0 : i32
    %dma_wait3A_315 = tpu.memref_slice %arg3[%dma_wait3A_308, %dma_wait3A_314] : memref<2x160000xi32, #tpu.memory_space<hbm>> -> memref<1x160000xi32, #tpu.memory_space<hbm>>
    %dma_wait3A_316 = tpu.memref_squeeze %dma_wait3A_315 : memref<1x160000xi32, #tpu.memory_space<hbm>> -> memref<160000xi32, #tpu.memory_space<hbm>>
    %dma_wait3A_317 = arith.constant 0 : i32
    %dma_wait3A_318 = tpu.memref_slice %dma_wait3A_316[%dma_wait3A_317] : memref<160000xi32, #tpu.memory_space<hbm>> -> memref<40xi32, #tpu.memory_space<hbm>>
    %dma_wait3A_319 = tpu.memref_slice %arg12[%dma_wait3A_310] : memref<5x!tpu.dma_semaphore, #tpu.memory_space<semaphore_mem>> -> memref<1x!tpu.dma_semaphore, #tpu.memory_space<semaphore_mem>>
    %dma_wait3A_320 = tpu.memref_squeeze %dma_wait3A_319 : memref<1x!tpu.dma_semaphore, #tpu.memory_space<semaphore_mem>> -> memref<!tpu.dma_semaphore, #tpu.memory_space<semaphore_mem>>
    %dma_wait3A_321 = arith.constant 0 : i32
    %dma_wait3A_322 = tpu.memref_slice %arg6[%dma_wait3A_309, %dma_wait3A_321] : memref<5x40xi32, #tpu.memory_space<vmem>> -> memref<1x40xi32, #tpu.memory_space<vmem>>
    %dma_wait3A_323 = tpu.memref_squeeze %dma_wait3A_322 : memref<1x40xi32, #tpu.memory_space<vmem>> -> memref<40xi32, #tpu.memory_space<vmem>>
    %dma_wait3A_324 = arith.constant 0 : i32
    %dma_wait3A_325 = tpu.memref_slice %arg3[%dma_wait3A_308, %dma_wait3A_324] : memref<2x160000xi32, #tpu.memory_space<hbm>> -> memref<1x160000xi32, #tpu.memory_space<hbm>>
    %dma_wait3A_326 = tpu.memref_squeeze %dma_wait3A_325 : memref<1x160000xi32, #tpu.memory_space<hbm>> -> memref<160000xi32, #tpu.memory_space<hbm>>
    %dma_wait3A_327 = arith.constant 0 : i32
    %dma_wait3A_328 = tpu.memref_slice %dma_wait3A_326[%dma_wait3A_327] : memref<160000xi32, #tpu.memory_space<hbm>> -> memref<40xi32, #tpu.memory_space<hbm>>
    tpu.wait_dma2 semaphore(%dma_wait3A_320 : memref<!tpu.dma_semaphore, #tpu.memory_space<semaphore_mem>>) src(%dma_wait3A_328 : memref<40xi32, #tpu.memory_space<hbm>>) dst(%dma_wait3A_323 : memref<40xi32, #tpu.memory_space<vmem>>)
    %mul3A_329 = arith.constant 10000 : i32
    %mul3A_330 = arith.muli %arg0, %mul3A_329 : i32
    %dma_start3A_331 = arith.constant 2 : i32
    %dma_start3A_332 = arith.constant 2 : i32
    %dma_start3A_333 = arith.constant 2 : i32
    %dma_start3A_334 = arith.constant 0 : i32
    %dma_start3A_335 = arith.constant 0 : i32
    %dma_start3A_336 = tpu.memref_slice %arg8[%dma_start3A_332, %dma_start3A_334, %dma_start3A_335] : memref<5x40x128xf32, #tpu.memory_space<vmem>> -> memref<1x40x128xf32, #tpu.memory_space<vmem>>
    %dma_start3A_337 = tpu.memref_squeeze %dma_start3A_336 : memref<1x40x128xf32, #tpu.memory_space<vmem>> -> memref<40x128xf32, #tpu.memory_space<vmem>>
    %dma_start3A_338 = arith.constant 0 : i32
    %dma_start3A_339 = tpu.memref_slice %arg6[%dma_start3A_331, %dma_start3A_338] : memref<5x40xi32, #tpu.memory_space<vmem>> -> memref<1x40xi32, #tpu.memory_space<vmem>>
    %dma_start3A_340 = tpu.memref_squeeze %dma_start3A_339 : memref<1x40xi32, #tpu.memory_space<vmem>> -> memref<40xi32, #tpu.memory_space<vmem>>
    %dma_start3A_341 = arith.constant 0 : i32
    %dma_start3A_342 = tpu.memref_slice %arg2[%mul3A_330, %dma_start3A_341] : memref<20000x128xf32, #tpu.memory_space<hbm>> -> memref<10000x128xf32, #tpu.memory_space<hbm>>
    %dma_start3A_343 = arith.constant 0 : i32
    %dma_start3A_344 = arith.constant 0 : i32
    %dma_start3A_345 = tpu.memref_slice %dma_start3A_342[%dma_start3A_343, %dma_start3A_344] : memref<10000x128xf32, #tpu.memory_space<hbm>> -> memref<10000x128xf32, #tpu.memory_space<hbm>>
    %dma_start3A_346 = tpu.memref_slice %arg10[%dma_start3A_333] : memref<5x!tpu.dma_semaphore, #tpu.memory_space<semaphore_mem>> -> memref<1x!tpu.dma_semaphore, #tpu.memory_space<semaphore_mem>>
    %dma_start3A_347 = tpu.memref_squeeze %dma_start3A_346 : memref<1x!tpu.dma_semaphore, #tpu.memory_space<semaphore_mem>> -> memref<!tpu.dma_semaphore, #tpu.memory_space<semaphore_mem>>
    tpu.enqueue_indirect_dma source(%dma_start3A_345 : memref<10000x128xf32, #tpu.memory_space<hbm>>) target(%dma_start3A_337 : memref<40x128xf32, #tpu.memory_space<vmem>>) offsets(%dma_start3A_340 : memref<40xi32, #tpu.memory_space<vmem>>) semaphore(%dma_start3A_347 : memref<!tpu.dma_semaphore, #tpu.memory_space<semaphore_mem>>)
    %dma_wait3A_348 = arith.constant 0 : i32
    %dma_wait3A_349 = arith.constant 3 : i32
    %dma_wait3A_350 = arith.constant 3 : i32
    %dma_wait3A_351 = arith.constant 0 : i32
    %dma_wait3A_352 = tpu.memref_slice %arg6[%dma_wait3A_349, %dma_wait3A_351] : memref<5x40xi32, #tpu.memory_space<vmem>> -> memref<1x40xi32, #tpu.memory_space<vmem>>
    %dma_wait3A_353 = tpu.memref_squeeze %dma_wait3A_352 : memref<1x40xi32, #tpu.memory_space<vmem>> -> memref<40xi32, #tpu.memory_space<vmem>>
    %dma_wait3A_354 = arith.constant 0 : i32
    %dma_wait3A_355 = tpu.memref_slice %arg3[%dma_wait3A_348, %dma_wait3A_354] : memref<2x160000xi32, #tpu.memory_space<hbm>> -> memref<1x160000xi32, #tpu.memory_space<hbm>>
    %dma_wait3A_356 = tpu.memref_squeeze %dma_wait3A_355 : memref<1x160000xi32, #tpu.memory_space<hbm>> -> memref<160000xi32, #tpu.memory_space<hbm>>
    %dma_wait3A_357 = arith.constant 0 : i32
    %dma_wait3A_358 = tpu.memref_slice %dma_wait3A_356[%dma_wait3A_357] : memref<160000xi32, #tpu.memory_space<hbm>> -> memref<40xi32, #tpu.memory_space<hbm>>
    %dma_wait3A_359 = tpu.memref_slice %arg12[%dma_wait3A_350] : memref<5x!tpu.dma_semaphore, #tpu.memory_space<semaphore_mem>> -> memref<1x!tpu.dma_semaphore, #tpu.memory_space<semaphore_mem>>
    %dma_wait3A_360 = tpu.memref_squeeze %dma_wait3A_359 : memref<1x!tpu.dma_semaphore, #tpu.memory_space<semaphore_mem>> -> memref<!tpu.dma_semaphore, #tpu.memory_space<semaphore_mem>>
    %dma_wait3A_361 = arith.constant 0 : i32
    %dma_wait3A_362 = tpu.memref_slice %arg6[%dma_wait3A_349, %dma_wait3A_361] : memref<5x40xi32, #tpu.memory_space<vmem>> -> memref<1x40xi32, #tpu.memory_space<vmem>>
    %dma_wait3A_363 = tpu.memref_squeeze %dma_wait3A_362 : memref<1x40xi32, #tpu.memory_space<vmem>> -> memref<40xi32, #tpu.memory_space<vmem>>
    %dma_wait3A_364 = arith.constant 0 : i32
    %dma_wait3A_365 = tpu.memref_slice %arg3[%dma_wait3A_348, %dma_wait3A_364] : memref<2x160000xi32, #tpu.memory_space<hbm>> -> memref<1x160000xi32, #tpu.memory_space<hbm>>
    %dma_wait3A_366 = tpu.memref_squeeze %dma_wait3A_365 : memref<1x160000xi32, #tpu.memory_space<hbm>> -> memref<160000xi32, #tpu.memory_space<hbm>>
    %dma_wait3A_367 = arith.constant 0 : i32
    %dma_wait3A_368 = tpu.memref_slice %dma_wait3A_366[%dma_wait3A_367] : memref<160000xi32, #tpu.memory_space<hbm>> -> memref<40xi32, #tpu.memory_space<hbm>>
    tpu.wait_dma2 semaphore(%dma_wait3A_360 : memref<!tpu.dma_semaphore, #tpu.memory_space<semaphore_mem>>) src(%dma_wait3A_368 : memref<40xi32, #tpu.memory_space<hbm>>) dst(%dma_wait3A_363 : memref<40xi32, #tpu.memory_space<vmem>>)
    %mul3A_369 = arith.constant 10000 : i32
    %mul3A_370 = arith.muli %arg0, %mul3A_369 : i32
    %dma_start3A_371 = arith.constant 3 : i32
    %dma_start3A_372 = arith.constant 3 : i32
    %dma_start3A_373 = arith.constant 3 : i32
    %dma_start3A_374 = arith.constant 0 : i32
    %dma_start3A_375 = arith.constant 0 : i32
    %dma_start3A_376 = tpu.memref_slice %arg8[%dma_start3A_372, %dma_start3A_374, %dma_start3A_375] : memref<5x40x128xf32, #tpu.memory_space<vmem>> -> memref<1x40x128xf32, #tpu.memory_space<vmem>>
    %dma_start3A_377 = tpu.memref_squeeze %dma_start3A_376 : memref<1x40x128xf32, #tpu.memory_space<vmem>> -> memref<40x128xf32, #tpu.memory_space<vmem>>
    %dma_start3A_378 = arith.constant 0 : i32
    %dma_start3A_379 = tpu.memref_slice %arg6[%dma_start3A_371, %dma_start3A_378] : memref<5x40xi32, #tpu.memory_space<vmem>> -> memref<1x40xi32, #tpu.memory_space<vmem>>
    %dma_start3A_380 = tpu.memref_squeeze %dma_start3A_379 : memref<1x40xi32, #tpu.memory_space<vmem>> -> memref<40xi32, #tpu.memory_space<vmem>>
    %dma_start3A_381 = arith.constant 0 : i32
    %dma_start3A_382 = tpu.memref_slice %arg2[%mul3A_370, %dma_start3A_381] : memref<20000x128xf32, #tpu.memory_space<hbm>> -> memref<10000x128xf32, #tpu.memory_space<hbm>>
    %dma_start3A_383 = arith.constant 0 : i32
    %dma_start3A_384 = arith.constant 0 : i32
    %dma_start3A_385 = tpu.memref_slice %dma_start3A_382[%dma_start3A_383, %dma_start3A_384] : memref<10000x128xf32, #tpu.memory_space<hbm>> -> memref<10000x128xf32, #tpu.memory_space<hbm>>
    %dma_start3A_386 = tpu.memref_slice %arg10[%dma_start3A_373] : memref<5x!tpu.dma_semaphore, #tpu.memory_space<semaphore_mem>> -> memref<1x!tpu.dma_semaphore, #tpu.memory_space<semaphore_mem>>
    %dma_start3A_387 = tpu.memref_squeeze %dma_start3A_386 : memref<1x!tpu.dma_semaphore, #tpu.memory_space<semaphore_mem>> -> memref<!tpu.dma_semaphore, #tpu.memory_space<semaphore_mem>>
    tpu.enqueue_indirect_dma source(%dma_start3A_385 : memref<10000x128xf32, #tpu.memory_space<hbm>>) target(%dma_start3A_377 : memref<40x128xf32, #tpu.memory_space<vmem>>) offsets(%dma_start3A_380 : memref<40xi32, #tpu.memory_space<vmem>>) semaphore(%dma_start3A_387 : memref<!tpu.dma_semaphore, #tpu.memory_space<semaphore_mem>>)
    %dma_wait3A_388 = arith.constant 0 : i32
    %dma_wait3A_389 = arith.constant 4 : i32
    %dma_wait3A_390 = arith.constant 4 : i32
    %dma_wait3A_391 = arith.constant 0 : i32
    %dma_wait3A_392 = tpu.memref_slice %arg6[%dma_wait3A_389, %dma_wait3A_391] : memref<5x40xi32, #tpu.memory_space<vmem>> -> memref<1x40xi32, #tpu.memory_space<vmem>>
    %dma_wait3A_393 = tpu.memref_squeeze %dma_wait3A_392 : memref<1x40xi32, #tpu.memory_space<vmem>> -> memref<40xi32, #tpu.memory_space<vmem>>
    %dma_wait3A_394 = arith.constant 0 : i32
    %dma_wait3A_395 = tpu.memref_slice %arg3[%dma_wait3A_388, %dma_wait3A_394] : memref<2x160000xi32, #tpu.memory_space<hbm>> -> memref<1x160000xi32, #tpu.memory_space<hbm>>
    %dma_wait3A_396 = tpu.memref_squeeze %dma_wait3A_395 : memref<1x160000xi32, #tpu.memory_space<hbm>> -> memref<160000xi32, #tpu.memory_space<hbm>>
    %dma_wait3A_397 = arith.constant 0 : i32
    %dma_wait3A_398 = tpu.memref_slice %dma_wait3A_396[%dma_wait3A_397] : memref<160000xi32, #tpu.memory_space<hbm>> -> memref<40xi32, #tpu.memory_space<hbm>>
    %dma_wait3A_399 = tpu.memref_slice %arg12[%dma_wait3A_390] : memref<5x!tpu.dma_semaphore, #tpu.memory_space<semaphore_mem>> -> memref<1x!tpu.dma_semaphore, #tpu.memory_space<semaphore_mem>>
    %dma_wait3A_400 = tpu.memref_squeeze %dma_wait3A_399 : memref<1x!tpu.dma_semaphore, #tpu.memory_space<semaphore_mem>> -> memref<!tpu.dma_semaphore, #tpu.memory_space<semaphore_mem>>
    %dma_wait3A_401 = arith.constant 0 : i32
    %dma_wait3A_402 = tpu.memref_slice %arg6[%dma_wait3A_389, %dma_wait3A_401] : memref<5x40xi32, #tpu.memory_space<vmem>> -> memref<1x40xi32, #tpu.memory_space<vmem>>
    %dma_wait3A_403 = tpu.memref_squeeze %dma_wait3A_402 : memref<1x40xi32, #tpu.memory_space<vmem>> -> memref<40xi32, #tpu.memory_space<vmem>>
    %dma_wait3A_404 = arith.constant 0 : i32
    %dma_wait3A_405 = tpu.memref_slice %arg3[%dma_wait3A_388, %dma_wait3A_404] : memref<2x160000xi32, #tpu.memory_space<hbm>> -> memref<1x160000xi32, #tpu.memory_space<hbm>>
    %dma_wait3A_406 = tpu.memref_squeeze %dma_wait3A_405 : memref<1x160000xi32, #tpu.memory_space<hbm>> -> memref<160000xi32, #tpu.memory_space<hbm>>
    %dma_wait3A_407 = arith.constant 0 : i32
    %dma_wait3A_408 = tpu.memref_slice %dma_wait3A_406[%dma_wait3A_407] : memref<160000xi32, #tpu.memory_space<hbm>> -> memref<40xi32, #tpu.memory_space<hbm>>
    tpu.wait_dma2 semaphore(%dma_wait3A_400 : memref<!tpu.dma_semaphore, #tpu.memory_space<semaphore_mem>>) src(%dma_wait3A_408 : memref<40xi32, #tpu.memory_space<hbm>>) dst(%dma_wait3A_403 : memref<40xi32, #tpu.memory_space<vmem>>)
    %mul3A_409 = arith.constant 10000 : i32
    %mul3A_410 = arith.muli %arg0, %mul3A_409 : i32
    %dma_start3A_411 = arith.constant 4 : i32
    %dma_start3A_412 = arith.constant 4 : i32
    %dma_start3A_413 = arith.constant 4 : i32
    %dma_start3A_414 = arith.constant 0 : i32
    %dma_start3A_415 = arith.constant 0 : i32
    %dma_start3A_416 = tpu.memref_slice %arg8[%dma_start3A_412, %dma_start3A_414, %dma_start3A_415] : memref<5x40x128xf32, #tpu.memory_space<vmem>> -> memref<1x40x128xf32, #tpu.memory_space<vmem>>
    %dma_start3A_417 = tpu.memref_squeeze %dma_start3A_416 : memref<1x40x128xf32, #tpu.memory_space<vmem>> -> memref<40x128xf32, #tpu.memory_space<vmem>>
    %dma_start3A_418 = arith.constant 0 : i32
    %dma_start3A_419 = tpu.memref_slice %arg6[%dma_start3A_411, %dma_start3A_418] : memref<5x40xi32, #tpu.memory_space<vmem>> -> memref<1x40xi32, #tpu.memory_space<vmem>>
    %dma_start3A_420 = tpu.memref_squeeze %dma_start3A_419 : memref<1x40xi32, #tpu.memory_space<vmem>> -> memref<40xi32, #tpu.memory_space<vmem>>
    %dma_start3A_421 = arith.constant 0 : i32
    %dma_start3A_422 = tpu.memref_slice %arg2[%mul3A_410, %dma_start3A_421] : memref<20000x128xf32, #tpu.memory_space<hbm>> -> memref<10000x128xf32, #tpu.memory_space<hbm>>
    %dma_start3A_423 = arith.constant 0 : i32
    %dma_start3A_424 = arith.constant 0 : i32
    %dma_start3A_425 = tpu.memref_slice %dma_start3A_422[%dma_start3A_423, %dma_start3A_424] : memref<10000x128xf32, #tpu.memory_space<hbm>> -> memref<10000x128xf32, #tpu.memory_space<hbm>>
    %dma_start3A_426 = tpu.memref_slice %arg10[%dma_start3A_413] : memref<5x!tpu.dma_semaphore, #tpu.memory_space<semaphore_mem>> -> memref<1x!tpu.dma_semaphore, #tpu.memory_space<semaphore_mem>>
    %dma_start3A_427 = tpu.memref_squeeze %dma_start3A_426 : memref<1x!tpu.dma_semaphore, #tpu.memory_space<semaphore_mem>> -> memref<!tpu.dma_semaphore, #tpu.memory_space<semaphore_mem>>
    tpu.enqueue_indirect_dma source(%dma_start3A_425 : memref<10000x128xf32, #tpu.memory_space<hbm>>) target(%dma_start3A_417 : memref<40x128xf32, #tpu.memory_space<vmem>>) offsets(%dma_start3A_420 : memref<40xi32, #tpu.memory_space<vmem>>) semaphore(%dma_start3A_427 : memref<!tpu.dma_semaphore, #tpu.memory_space<semaphore_mem>>)
    %scan3A = arith.constant 0 : i32
    %scan3A_428 = arith.constant 0 : i32
    %scan3A_429 = arith.constant 49 : i32
    %scan3A_430 = arith.addi %scan3A_428, %scan3A_429 : i32
    %scan3A_431 = arith.constant 1 : i32
    scf.for %scan3A_801 = %scan3A_428 to %scan3A_430 step %scan3A_431  : i32 {
      %mul3A_802 = arith.constant 5 : i32
      %mul3A_803 = arith.muli %scan3A_801, %mul3A_802 : i32
      %dma_wait3A_804 = arith.constant 0 : i32
      %dma_wait3A_805 = arith.constant 0 : i32
      %dma_wait3A_806 = arith.constant 0 : i32
      %dma_wait3A_807 = arith.constant 0 : i32
      %dma_wait3A_808 = tpu.memref_slice %arg8[%dma_wait3A_804, %dma_wait3A_806, %dma_wait3A_807] : memref<5x40x128xf32, #tpu.memory_space<vmem>> -> memref<1x40x128xf32, #tpu.memory_space<vmem>>
      %dma_wait3A_809 = tpu.memref_squeeze %dma_wait3A_808 : memref<1x40x128xf32, #tpu.memory_space<vmem>> -> memref<40x128xf32, #tpu.memory_space<vmem>>
      %dma_wait3A_810 = arith.constant 0 : i32
      %dma_wait3A_811 = arith.constant 0 : i32
      %dma_wait3A_812 = tpu.memref_slice %arg2[%dma_wait3A_810, %dma_wait3A_811] : memref<20000x128xf32, #tpu.memory_space<hbm>> -> memref<40x128xf32, #tpu.memory_space<hbm>>
      %dma_wait3A_813 = tpu.memref_slice %arg10[%dma_wait3A_805] : memref<5x!tpu.dma_semaphore, #tpu.memory_space<semaphore_mem>> -> memref<1x!tpu.dma_semaphore, #tpu.memory_space<semaphore_mem>>
      %dma_wait3A_814 = tpu.memref_squeeze %dma_wait3A_813 : memref<1x!tpu.dma_semaphore, #tpu.memory_space<semaphore_mem>> -> memref<!tpu.dma_semaphore, #tpu.memory_space<semaphore_mem>>
      %dma_wait3A_815 = arith.constant 0 : i32
      %dma_wait3A_816 = arith.constant 0 : i32
      %dma_wait3A_817 = tpu.memref_slice %arg8[%dma_wait3A_804, %dma_wait3A_815, %dma_wait3A_816] : memref<5x40x128xf32, #tpu.memory_space<vmem>> -> memref<1x40x128xf32, #tpu.memory_space<vmem>>
      %dma_wait3A_818 = tpu.memref_squeeze %dma_wait3A_817 : memref<1x40x128xf32, #tpu.memory_space<vmem>> -> memref<40x128xf32, #tpu.memory_space<vmem>>
      %dma_wait3A_819 = arith.constant 0 : i32
      %dma_wait3A_820 = arith.constant 0 : i32
      %dma_wait3A_821 = tpu.memref_slice %arg2[%dma_wait3A_819, %dma_wait3A_820] : memref<20000x128xf32, #tpu.memory_space<hbm>> -> memref<40x128xf32, #tpu.memory_space<hbm>>
      tpu.wait_dma2 semaphore(%dma_wait3A_814 : memref<!tpu.dma_semaphore, #tpu.memory_space<semaphore_mem>>) src(%dma_wait3A_821 : memref<40x128xf32, #tpu.memory_space<hbm>>) dst(%dma_wait3A_818 : memref<40x128xf32, #tpu.memory_space<vmem>>)
      %add3A_822 = arith.constant 0 : i32
      %add3A_823 = arith.addi %mul3A_803, %add3A_822 : i32
      %add3A_824 = arith.constant 5 : i32
      %add3A_825 = arith.addi %add3A_823, %add3A_824 : i32
      %mul3A_826 = arith.constant 10000 : i32
      %mul3A_827 = arith.muli %arg1, %mul3A_826 : i32
      %mul3A_828 = arith.constant 40 : i32
      %mul3A_829 = arith.muli %add3A_825, %mul3A_828 : i32
      %add3A_830 = arith.addi %mul3A_827, %mul3A_829 : i32
      %dma_start3A_831 = arith.constant 0 : i32
      %dma_start3A_832 = arith.constant 0 : i32
      %dma_start3A_833 = arith.constant 0 : i32
      %dma_start3A_834 = arith.constant 0 : i32
      %dma_start3A_835 = tpu.memref_slice %arg6[%dma_start3A_832, %dma_start3A_834] : memref<5x40xi32, #tpu.memory_space<vmem>> -> memref<1x40xi32, #tpu.memory_space<vmem>>
      %dma_start3A_836 = tpu.memref_squeeze %dma_start3A_835 : memref<1x40xi32, #tpu.memory_space<vmem>> -> memref<40xi32, #tpu.memory_space<vmem>>
      %dma_start3A_837 = arith.constant 0 : i32
      %dma_start3A_838 = tpu.memref_slice %arg3[%dma_start3A_831, %dma_start3A_837] : memref<2x160000xi32, #tpu.memory_space<hbm>> -> memref<1x160000xi32, #tpu.memory_space<hbm>>
      %dma_start3A_839 = tpu.memref_squeeze %dma_start3A_838 : memref<1x160000xi32, #tpu.memory_space<hbm>> -> memref<160000xi32, #tpu.memory_space<hbm>>
      %dma_start3A_840 = tpu.memref_slice %dma_start3A_839[%add3A_830] : memref<160000xi32, #tpu.memory_space<hbm>> -> memref<40xi32, #tpu.memory_space<hbm>>
      %dma_start3A_841 = tpu.memref_slice %arg12[%dma_start3A_833] : memref<5x!tpu.dma_semaphore, #tpu.memory_space<semaphore_mem>> -> memref<1x!tpu.dma_semaphore, #tpu.memory_space<semaphore_mem>>
      %dma_start3A_842 = tpu.memref_squeeze %dma_start3A_841 : memref<1x!tpu.dma_semaphore, #tpu.memory_space<semaphore_mem>> -> memref<!tpu.dma_semaphore, #tpu.memory_space<semaphore_mem>>
      %dma_start3A_843 = arith.constant 0 : i32
      %dma_start3A_844 = tpu.memref_slice %arg6[%dma_start3A_832, %dma_start3A_843] : memref<5x40xi32, #tpu.memory_space<vmem>> -> memref<1x40xi32, #tpu.memory_space<vmem>>
      %dma_start3A_845 = tpu.memref_squeeze %dma_start3A_844 : memref<1x40xi32, #tpu.memory_space<vmem>> -> memref<40xi32, #tpu.memory_space<vmem>>
      %dma_start3A_846 = arith.constant 0 : i32
      %dma_start3A_847 = tpu.memref_slice %arg3[%dma_start3A_831, %dma_start3A_846] : memref<2x160000xi32, #tpu.memory_space<hbm>> -> memref<1x160000xi32, #tpu.memory_space<hbm>>
      %dma_start3A_848 = tpu.memref_squeeze %dma_start3A_847 : memref<1x160000xi32, #tpu.memory_space<hbm>> -> memref<160000xi32, #tpu.memory_space<hbm>>
      %dma_start3A_849 = tpu.memref_slice %dma_start3A_848[%add3A_830] : memref<160000xi32, #tpu.memory_space<hbm>> -> memref<40xi32, #tpu.memory_space<hbm>>
      tpu.enqueue_dma source(%dma_start3A_849 : memref<40xi32, #tpu.memory_space<hbm>>) target(%dma_start3A_845 : memref<40xi32, #tpu.memory_space<vmem>>) target_semaphore(%dma_start3A_842 : memref<!tpu.dma_semaphore, #tpu.memory_space<semaphore_mem>>)
      %dma_wait3A_850 = arith.constant 0 : i32
      %dma_wait3A_851 = arith.constant 0 : i32
      %dma_wait3A_852 = arith.constant 0 : i32
      %dma_wait3A_853 = arith.constant 0 : i32
      %dma_wait3A_854 = tpu.memref_slice %arg6[%dma_wait3A_851, %dma_wait3A_853] : memref<5x40xi32, #tpu.memory_space<vmem>> -> memref<1x40xi32, #tpu.memory_space<vmem>>
      %dma_wait3A_855 = tpu.memref_squeeze %dma_wait3A_854 : memref<1x40xi32, #tpu.memory_space<vmem>> -> memref<40xi32, #tpu.memory_space<vmem>>
      %dma_wait3A_856 = arith.constant 0 : i32
      %dma_wait3A_857 = tpu.memref_slice %arg3[%dma_wait3A_850, %dma_wait3A_856] : memref<2x160000xi32, #tpu.memory_space<hbm>> -> memref<1x160000xi32, #tpu.memory_space<hbm>>
      %dma_wait3A_858 = tpu.memref_squeeze %dma_wait3A_857 : memref<1x160000xi32, #tpu.memory_space<hbm>> -> memref<160000xi32, #tpu.memory_space<hbm>>
      %dma_wait3A_859 = arith.constant 0 : i32
      %dma_wait3A_860 = tpu.memref_slice %dma_wait3A_858[%dma_wait3A_859] : memref<160000xi32, #tpu.memory_space<hbm>> -> memref<40xi32, #tpu.memory_space<hbm>>
      %dma_wait3A_861 = tpu.memref_slice %arg13[%dma_wait3A_852] : memref<5x!tpu.dma_semaphore, #tpu.memory_space<semaphore_mem>> -> memref<1x!tpu.dma_semaphore, #tpu.memory_space<semaphore_mem>>
      %dma_wait3A_862 = tpu.memref_squeeze %dma_wait3A_861 : memref<1x!tpu.dma_semaphore, #tpu.memory_space<semaphore_mem>> -> memref<!tpu.dma_semaphore, #tpu.memory_space<semaphore_mem>>
      %dma_wait3A_863 = arith.constant 0 : i32
      %dma_wait3A_864 = tpu.memref_slice %arg6[%dma_wait3A_851, %dma_wait3A_863] : memref<5x40xi32, #tpu.memory_space<vmem>> -> memref<1x40xi32, #tpu.memory_space<vmem>>
      %dma_wait3A_865 = tpu.memref_squeeze %dma_wait3A_864 : memref<1x40xi32, #tpu.memory_space<vmem>> -> memref<40xi32, #tpu.memory_space<vmem>>
      %dma_wait3A_866 = arith.constant 0 : i32
      %dma_wait3A_867 = tpu.memref_slice %arg3[%dma_wait3A_850, %dma_wait3A_866] : memref<2x160000xi32, #tpu.memory_space<hbm>> -> memref<1x160000xi32, #tpu.memory_space<hbm>>
      %dma_wait3A_868 = tpu.memref_squeeze %dma_wait3A_867 : memref<1x160000xi32, #tpu.memory_space<hbm>> -> memref<160000xi32, #tpu.memory_space<hbm>>
      %dma_wait3A_869 = arith.constant 0 : i32
      %dma_wait3A_870 = tpu.memref_slice %dma_wait3A_868[%dma_wait3A_869] : memref<160000xi32, #tpu.memory_space<hbm>> -> memref<40xi32, #tpu.memory_space<hbm>>
      tpu.wait_dma2 semaphore(%dma_wait3A_862 : memref<!tpu.dma_semaphore, #tpu.memory_space<semaphore_mem>>) src(%dma_wait3A_870 : memref<40xi32, #tpu.memory_space<hbm>>) dst(%dma_wait3A_865 : memref<40xi32, #tpu.memory_space<vmem>>)
      %dma_start3A_871 = arith.constant 0 : i32
      %dma_start3A_872 = arith.constant 0 : i32
      %dma_start3A_873 = arith.constant 0 : i32
      %dma_start3A_874 = arith.constant 0 : i32
      %dma_start3A_875 = arith.constant 0 : i32
      %dma_start3A_876 = tpu.memref_slice %arg8[%dma_start3A_871, %dma_start3A_874, %dma_start3A_875] : memref<5x40x128xf32, #tpu.memory_space<vmem>> -> memref<1x40x128xf32, #tpu.memory_space<vmem>>
      %dma_start3A_877 = tpu.memref_squeeze %dma_start3A_876 : memref<1x40x128xf32, #tpu.memory_space<vmem>> -> memref<40x128xf32, #tpu.memory_space<vmem>>
      %dma_start3A_878 = arith.constant 0 : i32
      %dma_start3A_879 = tpu.memref_slice %arg7[%dma_start3A_872, %dma_start3A_878] : memref<5x40xi32, #tpu.memory_space<vmem>> -> memref<1x40xi32, #tpu.memory_space<vmem>>
      %dma_start3A_880 = tpu.memref_squeeze %dma_start3A_879 : memref<1x40xi32, #tpu.memory_space<vmem>> -> memref<40xi32, #tpu.memory_space<vmem>>
      %dma_start3A_881 = arith.constant 0 : i32
      %dma_start3A_882 = arith.constant 0 : i32
      %dma_start3A_883 = tpu.memref_slice %arg9[%dma_start3A_881, %dma_start3A_882] : memref<10000x128xf32, #tpu.memory_space<vmem_shared>> -> memref<10000x128xf32, #tpu.memory_space<vmem_shared>>
      %dma_start3A_884 = tpu.memref_slice %arg11[%dma_start3A_873] : memref<5x!tpu.dma_semaphore, #tpu.memory_space<semaphore_mem>> -> memref<1x!tpu.dma_semaphore, #tpu.memory_space<semaphore_mem>>
      %dma_start3A_885 = tpu.memref_squeeze %dma_start3A_884 : memref<1x!tpu.dma_semaphore, #tpu.memory_space<semaphore_mem>> -> memref<!tpu.dma_semaphore, #tpu.memory_space<semaphore_mem>>
      tpu.enqueue_indirect_dma source(%dma_start3A_877 : memref<40x128xf32, #tpu.memory_space<vmem>>) target(%dma_start3A_883 : memref<10000x128xf32, #tpu.memory_space<vmem_shared>>) offsets(%dma_start3A_880 : memref<40xi32, #tpu.memory_space<vmem>>) semaphore(%dma_start3A_885 : memref<!tpu.dma_semaphore, #tpu.memory_space<semaphore_mem>>) {add = true}
      %dma_wait3A_886 = arith.constant 1 : i32
      %dma_wait3A_887 = arith.constant 1 : i32
      %dma_wait3A_888 = arith.constant 0 : i32
      %dma_wait3A_889 = arith.constant 0 : i32
      %dma_wait3A_890 = tpu.memref_slice %arg8[%dma_wait3A_886, %dma_wait3A_888, %dma_wait3A_889] : memref<5x40x128xf32, #tpu.memory_space<vmem>> -> memref<1x40x128xf32, #tpu.memory_space<vmem>>
      %dma_wait3A_891 = tpu.memref_squeeze %dma_wait3A_890 : memref<1x40x128xf32, #tpu.memory_space<vmem>> -> memref<40x128xf32, #tpu.memory_space<vmem>>
      %dma_wait3A_892 = arith.constant 0 : i32
      %dma_wait3A_893 = arith.constant 0 : i32
      %dma_wait3A_894 = tpu.memref_slice %arg2[%dma_wait3A_892, %dma_wait3A_893] : memref<20000x128xf32, #tpu.memory_space<hbm>> -> memref<40x128xf32, #tpu.memory_space<hbm>>
      %dma_wait3A_895 = tpu.memref_slice %arg10[%dma_wait3A_887] : memref<5x!tpu.dma_semaphore, #tpu.memory_space<semaphore_mem>> -> memref<1x!tpu.dma_semaphore, #tpu.memory_space<semaphore_mem>>
      %dma_wait3A_896 = tpu.memref_squeeze %dma_wait3A_895 : memref<1x!tpu.dma_semaphore, #tpu.memory_space<semaphore_mem>> -> memref<!tpu.dma_semaphore, #tpu.memory_space<semaphore_mem>>
      %dma_wait3A_897 = arith.constant 0 : i32
      %dma_wait3A_898 = arith.constant 0 : i32
      %dma_wait3A_899 = tpu.memref_slice %arg8[%dma_wait3A_886, %dma_wait3A_897, %dma_wait3A_898] : memref<5x40x128xf32, #tpu.memory_space<vmem>> -> memref<1x40x128xf32, #tpu.memory_space<vmem>>
      %dma_wait3A_900 = tpu.memref_squeeze %dma_wait3A_899 : memref<1x40x128xf32, #tpu.memory_space<vmem>> -> memref<40x128xf32, #tpu.memory_space<vmem>>
      %dma_wait3A_901 = arith.constant 0 : i32
      %dma_wait3A_902 = arith.constant 0 : i32
      %dma_wait3A_903 = tpu.memref_slice %arg2[%dma_wait3A_901, %dma_wait3A_902] : memref<20000x128xf32, #tpu.memory_space<hbm>> -> memref<40x128xf32, #tpu.memory_space<hbm>>
      tpu.wait_dma2 semaphore(%dma_wait3A_896 : memref<!tpu.dma_semaphore, #tpu.memory_space<semaphore_mem>>) src(%dma_wait3A_903 : memref<40x128xf32, #tpu.memory_space<hbm>>) dst(%dma_wait3A_900 : memref<40x128xf32, #tpu.memory_space<vmem>>)
      %add3A_904 = arith.constant 1 : i32
      %add3A_905 = arith.addi %mul3A_803, %add3A_904 : i32
      %add3A_906 = arith.constant 5 : i32
      %add3A_907 = arith.addi %add3A_905, %add3A_906 : i32
      %mul3A_908 = arith.constant 10000 : i32
      %mul3A_909 = arith.muli %arg1, %mul3A_908 : i32
      %mul3A_910 = arith.constant 40 : i32
      %mul3A_911 = arith.muli %add3A_907, %mul3A_910 : i32
      %add3A_912 = arith.addi %mul3A_909, %mul3A_911 : i32
      %dma_start3A_913 = arith.constant 0 : i32
      %dma_start3A_914 = arith.constant 1 : i32
      %dma_start3A_915 = arith.constant 1 : i32
      %dma_start3A_916 = arith.constant 0 : i32
      %dma_start3A_917 = tpu.memref_slice %arg6[%dma_start3A_914, %dma_start3A_916] : memref<5x40xi32, #tpu.memory_space<vmem>> -> memref<1x40xi32, #tpu.memory_space<vmem>>
      %dma_start3A_918 = tpu.memref_squeeze %dma_start3A_917 : memref<1x40xi32, #tpu.memory_space<vmem>> -> memref<40xi32, #tpu.memory_space<vmem>>
      %dma_start3A_919 = arith.constant 0 : i32
      %dma_start3A_920 = tpu.memref_slice %arg3[%dma_start3A_913, %dma_start3A_919] : memref<2x160000xi32, #tpu.memory_space<hbm>> -> memref<1x160000xi32, #tpu.memory_space<hbm>>
      %dma_start3A_921 = tpu.memref_squeeze %dma_start3A_920 : memref<1x160000xi32, #tpu.memory_space<hbm>> -> memref<160000xi32, #tpu.memory_space<hbm>>
      %dma_start3A_922 = tpu.memref_slice %dma_start3A_921[%add3A_912] : memref<160000xi32, #tpu.memory_space<hbm>> -> memref<40xi32, #tpu.memory_space<hbm>>
      %dma_start3A_923 = tpu.memref_slice %arg12[%dma_start3A_915] : memref<5x!tpu.dma_semaphore, #tpu.memory_space<semaphore_mem>> -> memref<1x!tpu.dma_semaphore, #tpu.memory_space<semaphore_mem>>
      %dma_start3A_924 = tpu.memref_squeeze %dma_start3A_923 : memref<1x!tpu.dma_semaphore, #tpu.memory_space<semaphore_mem>> -> memref<!tpu.dma_semaphore, #tpu.memory_space<semaphore_mem>>
      %dma_start3A_925 = arith.constant 0 : i32
      %dma_start3A_926 = tpu.memref_slice %arg6[%dma_start3A_914, %dma_start3A_925] : memref<5x40xi32, #tpu.memory_space<vmem>> -> memref<1x40xi32, #tpu.memory_space<vmem>>
      %dma_start3A_927 = tpu.memref_squeeze %dma_start3A_926 : memref<1x40xi32, #tpu.memory_space<vmem>> -> memref<40xi32, #tpu.memory_space<vmem>>
      %dma_start3A_928 = arith.constant 0 : i32
      %dma_start3A_929 = tpu.memref_slice %arg3[%dma_start3A_913, %dma_start3A_928] : memref<2x160000xi32, #tpu.memory_space<hbm>> -> memref<1x160000xi32, #tpu.memory_space<hbm>>
      %dma_start3A_930 = tpu.memref_squeeze %dma_start3A_929 : memref<1x160000xi32, #tpu.memory_space<hbm>> -> memref<160000xi32, #tpu.memory_space<hbm>>
      %dma_start3A_931 = tpu.memref_slice %dma_start3A_930[%add3A_912] : memref<160000xi32, #tpu.memory_space<hbm>> -> memref<40xi32, #tpu.memory_space<hbm>>
      tpu.enqueue_dma source(%dma_start3A_931 : memref<40xi32, #tpu.memory_space<hbm>>) target(%dma_start3A_927 : memref<40xi32, #tpu.memory_space<vmem>>) target_semaphore(%dma_start3A_924 : memref<!tpu.dma_semaphore, #tpu.memory_space<semaphore_mem>>)
      %dma_wait3A_932 = arith.constant 0 : i32
      %dma_wait3A_933 = arith.constant 1 : i32
      %dma_wait3A_934 = arith.constant 1 : i32
      %dma_wait3A_935 = arith.constant 0 : i32
      %dma_wait3A_936 = tpu.memref_slice %arg6[%dma_wait3A_933, %dma_wait3A_935] : memref<5x40xi32, #tpu.memory_space<vmem>> -> memref<1x40xi32, #tpu.memory_space<vmem>>
      %dma_wait3A_937 = tpu.memref_squeeze %dma_wait3A_936 : memref<1x40xi32, #tpu.memory_space<vmem>> -> memref<40xi32, #tpu.memory_space<vmem>>
      %dma_wait3A_938 = arith.constant 0 : i32
      %dma_wait3A_939 = tpu.memref_slice %arg3[%dma_wait3A_932, %dma_wait3A_938] : memref<2x160000xi32, #tpu.memory_space<hbm>> -> memref<1x160000xi32, #tpu.memory_space<hbm>>
      %dma_wait3A_940 = tpu.memref_squeeze %dma_wait3A_939 : memref<1x160000xi32, #tpu.memory_space<hbm>> -> memref<160000xi32, #tpu.memory_space<hbm>>
      %dma_wait3A_941 = arith.constant 0 : i32
      %dma_wait3A_942 = tpu.memref_slice %dma_wait3A_940[%dma_wait3A_941] : memref<160000xi32, #tpu.memory_space<hbm>> -> memref<40xi32, #tpu.memory_space<hbm>>
      %dma_wait3A_943 = tpu.memref_slice %arg13[%dma_wait3A_934] : memref<5x!tpu.dma_semaphore, #tpu.memory_space<semaphore_mem>> -> memref<1x!tpu.dma_semaphore, #tpu.memory_space<semaphore_mem>>
      %dma_wait3A_944 = tpu.memref_squeeze %dma_wait3A_943 : memref<1x!tpu.dma_semaphore, #tpu.memory_space<semaphore_mem>> -> memref<!tpu.dma_semaphore, #tpu.memory_space<semaphore_mem>>
      %dma_wait3A_945 = arith.constant 0 : i32
      %dma_wait3A_946 = tpu.memref_slice %arg6[%dma_wait3A_933, %dma_wait3A_945] : memref<5x40xi32, #tpu.memory_space<vmem>> -> memref<1x40xi32, #tpu.memory_space<vmem>>
      %dma_wait3A_947 = tpu.memref_squeeze %dma_wait3A_946 : memref<1x40xi32, #tpu.memory_space<vmem>> -> memref<40xi32, #tpu.memory_space<vmem>>
      %dma_wait3A_948 = arith.constant 0 : i32
      %dma_wait3A_949 = tpu.memref_slice %arg3[%dma_wait3A_932, %dma_wait3A_948] : memref<2x160000xi32, #tpu.memory_space<hbm>> -> memref<1x160000xi32, #tpu.memory_space<hbm>>
      %dma_wait3A_950 = tpu.memref_squeeze %dma_wait3A_949 : memref<1x160000xi32, #tpu.memory_space<hbm>> -> memref<160000xi32, #tpu.memory_space<hbm>>
      %dma_wait3A_951 = arith.constant 0 : i32
      %dma_wait3A_952 = tpu.memref_slice %dma_wait3A_950[%dma_wait3A_951] : memref<160000xi32, #tpu.memory_space<hbm>> -> memref<40xi32, #tpu.memory_space<hbm>>
      tpu.wait_dma2 semaphore(%dma_wait3A_944 : memref<!tpu.dma_semaphore, #tpu.memory_space<semaphore_mem>>) src(%dma_wait3A_952 : memref<40xi32, #tpu.memory_space<hbm>>) dst(%dma_wait3A_947 : memref<40xi32, #tpu.memory_space<vmem>>)
      %dma_start3A_953 = arith.constant 1 : i32
      %dma_start3A_954 = arith.constant 1 : i32
      %dma_start3A_955 = arith.constant 1 : i32
      %dma_start3A_956 = arith.constant 0 : i32
      %dma_start3A_957 = arith.constant 0 : i32
      %dma_start3A_958 = tpu.memref_slice %arg8[%dma_start3A_953, %dma_start3A_956, %dma_start3A_957] : memref<5x40x128xf32, #tpu.memory_space<vmem>> -> memref<1x40x128xf32, #tpu.memory_space<vmem>>
      %dma_start3A_959 = tpu.memref_squeeze %dma_start3A_958 : memref<1x40x128xf32, #tpu.memory_space<vmem>> -> memref<40x128xf32, #tpu.memory_space<vmem>>
      %dma_start3A_960 = arith.constant 0 : i32
      %dma_start3A_961 = tpu.memref_slice %arg7[%dma_start3A_954, %dma_start3A_960] : memref<5x40xi32, #tpu.memory_space<vmem>> -> memref<1x40xi32, #tpu.memory_space<vmem>>
      %dma_start3A_962 = tpu.memref_squeeze %dma_start3A_961 : memref<1x40xi32, #tpu.memory_space<vmem>> -> memref<40xi32, #tpu.memory_space<vmem>>
      %dma_start3A_963 = arith.constant 0 : i32
      %dma_start3A_964 = arith.constant 0 : i32
      %dma_start3A_965 = tpu.memref_slice %arg9[%dma_start3A_963, %dma_start3A_964] : memref<10000x128xf32, #tpu.memory_space<vmem_shared>> -> memref<10000x128xf32, #tpu.memory_space<vmem_shared>>
      %dma_start3A_966 = tpu.memref_slice %arg11[%dma_start3A_955] : memref<5x!tpu.dma_semaphore, #tpu.memory_space<semaphore_mem>> -> memref<1x!tpu.dma_semaphore, #tpu.memory_space<semaphore_mem>>
      %dma_start3A_967 = tpu.memref_squeeze %dma_start3A_966 : memref<1x!tpu.dma_semaphore, #tpu.memory_space<semaphore_mem>> -> memref<!tpu.dma_semaphore, #tpu.memory_space<semaphore_mem>>
      tpu.enqueue_indirect_dma source(%dma_start3A_959 : memref<40x128xf32, #tpu.memory_space<vmem>>) target(%dma_start3A_965 : memref<10000x128xf32, #tpu.memory_space<vmem_shared>>) offsets(%dma_start3A_962 : memref<40xi32, #tpu.memory_space<vmem>>) semaphore(%dma_start3A_967 : memref<!tpu.dma_semaphore, #tpu.memory_space<semaphore_mem>>) {add = true}
      %dma_wait3A_968 = arith.constant 2 : i32
      %dma_wait3A_969 = arith.constant 2 : i32
      %dma_wait3A_970 = arith.constant 0 : i32
      %dma_wait3A_971 = arith.constant 0 : i32
      %dma_wait3A_972 = tpu.memref_slice %arg8[%dma_wait3A_968, %dma_wait3A_970, %dma_wait3A_971] : memref<5x40x128xf32, #tpu.memory_space<vmem>> -> memref<1x40x128xf32, #tpu.memory_space<vmem>>
      %dma_wait3A_973 = tpu.memref_squeeze %dma_wait3A_972 : memref<1x40x128xf32, #tpu.memory_space<vmem>> -> memref<40x128xf32, #tpu.memory_space<vmem>>
      %dma_wait3A_974 = arith.constant 0 : i32
      %dma_wait3A_975 = arith.constant 0 : i32
      %dma_wait3A_976 = tpu.memref_slice %arg2[%dma_wait3A_974, %dma_wait3A_975] : memref<20000x128xf32, #tpu.memory_space<hbm>> -> memref<40x128xf32, #tpu.memory_space<hbm>>
      %dma_wait3A_977 = tpu.memref_slice %arg10[%dma_wait3A_969] : memref<5x!tpu.dma_semaphore, #tpu.memory_space<semaphore_mem>> -> memref<1x!tpu.dma_semaphore, #tpu.memory_space<semaphore_mem>>
      %dma_wait3A_978 = tpu.memref_squeeze %dma_wait3A_977 : memref<1x!tpu.dma_semaphore, #tpu.memory_space<semaphore_mem>> -> memref<!tpu.dma_semaphore, #tpu.memory_space<semaphore_mem>>
      %dma_wait3A_979 = arith.constant 0 : i32
      %dma_wait3A_980 = arith.constant 0 : i32
      %dma_wait3A_981 = tpu.memref_slice %arg8[%dma_wait3A_968, %dma_wait3A_979, %dma_wait3A_980] : memref<5x40x128xf32, #tpu.memory_space<vmem>> -> memref<1x40x128xf32, #tpu.memory_space<vmem>>
      %dma_wait3A_982 = tpu.memref_squeeze %dma_wait3A_981 : memref<1x40x128xf32, #tpu.memory_space<vmem>> -> memref<40x128xf32, #tpu.memory_space<vmem>>
      %dma_wait3A_983 = arith.constant 0 : i32
      %dma_wait3A_984 = arith.constant 0 : i32
      %dma_wait3A_985 = tpu.memref_slice %arg2[%dma_wait3A_983, %dma_wait3A_984] : memref<20000x128xf32, #tpu.memory_space<hbm>> -> memref<40x128xf32, #tpu.memory_space<hbm>>
      tpu.wait_dma2 semaphore(%dma_wait3A_978 : memref<!tpu.dma_semaphore, #tpu.memory_space<semaphore_mem>>) src(%dma_wait3A_985 : memref<40x128xf32, #tpu.memory_space<hbm>>) dst(%dma_wait3A_982 : memref<40x128xf32, #tpu.memory_space<vmem>>)
      %add3A_986 = arith.constant 2 : i32
      %add3A_987 = arith.addi %mul3A_803, %add3A_986 : i32
      %add3A_988 = arith.constant 5 : i32
      %add3A_989 = arith.addi %add3A_987, %add3A_988 : i32
      %mul3A_990 = arith.constant 10000 : i32
      %mul3A_991 = arith.muli %arg1, %mul3A_990 : i32
      %mul3A_992 = arith.constant 40 : i32
      %mul3A_993 = arith.muli %add3A_989, %mul3A_992 : i32
      %add3A_994 = arith.addi %mul3A_991, %mul3A_993 : i32
      %dma_start3A_995 = arith.constant 0 : i32
      %dma_start3A_996 = arith.constant 2 : i32
      %dma_start3A_997 = arith.constant 2 : i32
      %dma_start3A_998 = arith.constant 0 : i32
      %dma_start3A_999 = tpu.memref_slice %arg6[%dma_start3A_996, %dma_start3A_998] : memref<5x40xi32, #tpu.memory_space<vmem>> -> memref<1x40xi32, #tpu.memory_space<vmem>>
      %dma_start3A_1000 = tpu.memref_squeeze %dma_start3A_999 : memref<1x40xi32, #tpu.memory_space<vmem>> -> memref<40xi32, #tpu.memory_space<vmem>>
      %dma_start3A_1001 = arith.constant 0 : i32
      %dma_start3A_1002 = tpu.memref_slice %arg3[%dma_start3A_995, %dma_start3A_1001] : memref<2x160000xi32, #tpu.memory_space<hbm>> -> memref<1x160000xi32, #tpu.memory_space<hbm>>
      %dma_start3A_1003 = tpu.memref_squeeze %dma_start3A_1002 : memref<1x160000xi32, #tpu.memory_space<hbm>> -> memref<160000xi32, #tpu.memory_space<hbm>>
      %dma_start3A_1004 = tpu.memref_slice %dma_start3A_1003[%add3A_994] : memref<160000xi32, #tpu.memory_space<hbm>> -> memref<40xi32, #tpu.memory_space<hbm>>
      %dma_start3A_1005 = tpu.memref_slice %arg12[%dma_start3A_997] : memref<5x!tpu.dma_semaphore, #tpu.memory_space<semaphore_mem>> -> memref<1x!tpu.dma_semaphore, #tpu.memory_space<semaphore_mem>>
      %dma_start3A_1006 = tpu.memref_squeeze %dma_start3A_1005 : memref<1x!tpu.dma_semaphore, #tpu.memory_space<semaphore_mem>> -> memref<!tpu.dma_semaphore, #tpu.memory_space<semaphore_mem>>
      %dma_start3A_1007 = arith.constant 0 : i32
      %dma_start3A_1008 = tpu.memref_slice %arg6[%dma_start3A_996, %dma_start3A_1007] : memref<5x40xi32, #tpu.memory_space<vmem>> -> memref<1x40xi32, #tpu.memory_space<vmem>>
      %dma_start3A_1009 = tpu.memref_squeeze %dma_start3A_1008 : memref<1x40xi32, #tpu.memory_space<vmem>> -> memref<40xi32, #tpu.memory_space<vmem>>
      %dma_start3A_1010 = arith.constant 0 : i32
      %dma_start3A_1011 = tpu.memref_slice %arg3[%dma_start3A_995, %dma_start3A_1010] : memref<2x160000xi32, #tpu.memory_space<hbm>> -> memref<1x160000xi32, #tpu.memory_space<hbm>>
      %dma_start3A_1012 = tpu.memref_squeeze %dma_start3A_1011 : memref<1x160000xi32, #tpu.memory_space<hbm>> -> memref<160000xi32, #tpu.memory_space<hbm>>
      %dma_start3A_1013 = tpu.memref_slice %dma_start3A_1012[%add3A_994] : memref<160000xi32, #tpu.memory_space<hbm>> -> memref<40xi32, #tpu.memory_space<hbm>>
      tpu.enqueue_dma source(%dma_start3A_1013 : memref<40xi32, #tpu.memory_space<hbm>>) target(%dma_start3A_1009 : memref<40xi32, #tpu.memory_space<vmem>>) target_semaphore(%dma_start3A_1006 : memref<!tpu.dma_semaphore, #tpu.memory_space<semaphore_mem>>)
      %dma_wait3A_1014 = arith.constant 0 : i32
      %dma_wait3A_1015 = arith.constant 2 : i32
      %dma_wait3A_1016 = arith.constant 2 : i32
      %dma_wait3A_1017 = arith.constant 0 : i32
      %dma_wait3A_1018 = tpu.memref_slice %arg6[%dma_wait3A_1015, %dma_wait3A_1017] : memref<5x40xi32, #tpu.memory_space<vmem>> -> memref<1x40xi32, #tpu.memory_space<vmem>>
      %dma_wait3A_1019 = tpu.memref_squeeze %dma_wait3A_1018 : memref<1x40xi32, #tpu.memory_space<vmem>> -> memref<40xi32, #tpu.memory_space<vmem>>
      %dma_wait3A_1020 = arith.constant 0 : i32
      %dma_wait3A_1021 = tpu.memref_slice %arg3[%dma_wait3A_1014, %dma_wait3A_1020] : memref<2x160000xi32, #tpu.memory_space<hbm>> -> memref<1x160000xi32, #tpu.memory_space<hbm>>
      %dma_wait3A_1022 = tpu.memref_squeeze %dma_wait3A_1021 : memref<1x160000xi32, #tpu.memory_space<hbm>> -> memref<160000xi32, #tpu.memory_space<hbm>>
      %dma_wait3A_1023 = arith.constant 0 : i32
      %dma_wait3A_1024 = tpu.memref_slice %dma_wait3A_1022[%dma_wait3A_1023] : memref<160000xi32, #tpu.memory_space<hbm>> -> memref<40xi32, #tpu.memory_space<hbm>>
      %dma_wait3A_1025 = tpu.memref_slice %arg13[%dma_wait3A_1016] : memref<5x!tpu.dma_semaphore, #tpu.memory_space<semaphore_mem>> -> memref<1x!tpu.dma_semaphore, #tpu.memory_space<semaphore_mem>>
      %dma_wait3A_1026 = tpu.memref_squeeze %dma_wait3A_1025 : memref<1x!tpu.dma_semaphore, #tpu.memory_space<semaphore_mem>> -> memref<!tpu.dma_semaphore, #tpu.memory_space<semaphore_mem>>
      %dma_wait3A_1027 = arith.constant 0 : i32
      %dma_wait3A_1028 = tpu.memref_slice %arg6[%dma_wait3A_1015, %dma_wait3A_1027] : memref<5x40xi32, #tpu.memory_space<vmem>> -> memref<1x40xi32, #tpu.memory_space<vmem>>
      %dma_wait3A_1029 = tpu.memref_squeeze %dma_wait3A_1028 : memref<1x40xi32, #tpu.memory_space<vmem>> -> memref<40xi32, #tpu.memory_space<vmem>>
      %dma_wait3A_1030 = arith.constant 0 : i32
      %dma_wait3A_1031 = tpu.memref_slice %arg3[%dma_wait3A_1014, %dma_wait3A_1030] : memref<2x160000xi32, #tpu.memory_space<hbm>> -> memref<1x160000xi32, #tpu.memory_space<hbm>>
      %dma_wait3A_1032 = tpu.memref_squeeze %dma_wait3A_1031 : memref<1x160000xi32, #tpu.memory_space<hbm>> -> memref<160000xi32, #tpu.memory_space<hbm>>
      %dma_wait3A_1033 = arith.constant 0 : i32
      %dma_wait3A_1034 = tpu.memref_slice %dma_wait3A_1032[%dma_wait3A_1033] : memref<160000xi32, #tpu.memory_space<hbm>> -> memref<40xi32, #tpu.memory_space<hbm>>
      tpu.wait_dma2 semaphore(%dma_wait3A_1026 : memref<!tpu.dma_semaphore, #tpu.memory_space<semaphore_mem>>) src(%dma_wait3A_1034 : memref<40xi32, #tpu.memory_space<hbm>>) dst(%dma_wait3A_1029 : memref<40xi32, #tpu.memory_space<vmem>>)
      %dma_start3A_1035 = arith.constant 2 : i32
      %dma_start3A_1036 = arith.constant 2 : i32
      %dma_start3A_1037 = arith.constant 2 : i32
      %dma_start3A_1038 = arith.constant 0 : i32
      %dma_start3A_1039 = arith.constant 0 : i32
      %dma_start3A_1040 = tpu.memref_slice %arg8[%dma_start3A_1035, %dma_start3A_1038, %dma_start3A_1039] : memref<5x40x128xf32, #tpu.memory_space<vmem>> -> memref<1x40x128xf32, #tpu.memory_space<vmem>>
      %dma_start3A_1041 = tpu.memref_squeeze %dma_start3A_1040 : memref<1x40x128xf32, #tpu.memory_space<vmem>> -> memref<40x128xf32, #tpu.memory_space<vmem>>
      %dma_start3A_1042 = arith.constant 0 : i32
      %dma_start3A_1043 = tpu.memref_slice %arg7[%dma_start3A_1036, %dma_start3A_1042] : memref<5x40xi32, #tpu.memory_space<vmem>> -> memref<1x40xi32, #tpu.memory_space<vmem>>
      %dma_start3A_1044 = tpu.memref_squeeze %dma_start3A_1043 : memref<1x40xi32, #tpu.memory_space<vmem>> -> memref<40xi32, #tpu.memory_space<vmem>>
      %dma_start3A_1045 = arith.constant 0 : i32
      %dma_start3A_1046 = arith.constant 0 : i32
      %dma_start3A_1047 = tpu.memref_slice %arg9[%dma_start3A_1045, %dma_start3A_1046] : memref<10000x128xf32, #tpu.memory_space<vmem_shared>> -> memref<10000x128xf32, #tpu.memory_space<vmem_shared>>
      %dma_start3A_1048 = tpu.memref_slice %arg11[%dma_start3A_1037] : memref<5x!tpu.dma_semaphore, #tpu.memory_space<semaphore_mem>> -> memref<1x!tpu.dma_semaphore, #tpu.memory_space<semaphore_mem>>
      %dma_start3A_1049 = tpu.memref_squeeze %dma_start3A_1048 : memref<1x!tpu.dma_semaphore, #tpu.memory_space<semaphore_mem>> -> memref<!tpu.dma_semaphore, #tpu.memory_space<semaphore_mem>>
      tpu.enqueue_indirect_dma source(%dma_start3A_1041 : memref<40x128xf32, #tpu.memory_space<vmem>>) target(%dma_start3A_1047 : memref<10000x128xf32, #tpu.memory_space<vmem_shared>>) offsets(%dma_start3A_1044 : memref<40xi32, #tpu.memory_space<vmem>>) semaphore(%dma_start3A_1049 : memref<!tpu.dma_semaphore, #tpu.memory_space<semaphore_mem>>) {add = true}
      %dma_wait3A_1050 = arith.constant 3 : i32
      %dma_wait3A_1051 = arith.constant 3 : i32
      %dma_wait3A_1052 = arith.constant 0 : i32
      %dma_wait3A_1053 = arith.constant 0 : i32
      %dma_wait3A_1054 = tpu.memref_slice %arg8[%dma_wait3A_1050, %dma_wait3A_1052, %dma_wait3A_1053] : memref<5x40x128xf32, #tpu.memory_space<vmem>> -> memref<1x40x128xf32, #tpu.memory_space<vmem>>
      %dma_wait3A_1055 = tpu.memref_squeeze %dma_wait3A_1054 : memref<1x40x128xf32, #tpu.memory_space<vmem>> -> memref<40x128xf32, #tpu.memory_space<vmem>>
      %dma_wait3A_1056 = arith.constant 0 : i32
      %dma_wait3A_1057 = arith.constant 0 : i32
      %dma_wait3A_1058 = tpu.memref_slice %arg2[%dma_wait3A_1056, %dma_wait3A_1057] : memref<20000x128xf32, #tpu.memory_space<hbm>> -> memref<40x128xf32, #tpu.memory_space<hbm>>
      %dma_wait3A_1059 = tpu.memref_slice %arg10[%dma_wait3A_1051] : memref<5x!tpu.dma_semaphore, #tpu.memory_space<semaphore_mem>> -> memref<1x!tpu.dma_semaphore, #tpu.memory_space<semaphore_mem>>
      %dma_wait3A_1060 = tpu.memref_squeeze %dma_wait3A_1059 : memref<1x!tpu.dma_semaphore, #tpu.memory_space<semaphore_mem>> -> memref<!tpu.dma_semaphore, #tpu.memory_space<semaphore_mem>>
      %dma_wait3A_1061 = arith.constant 0 : i32
      %dma_wait3A_1062 = arith.constant 0 : i32
      %dma_wait3A_1063 = tpu.memref_slice %arg8[%dma_wait3A_1050, %dma_wait3A_1061, %dma_wait3A_1062] : memref<5x40x128xf32, #tpu.memory_space<vmem>> -> memref<1x40x128xf32, #tpu.memory_space<vmem>>
      %dma_wait3A_1064 = tpu.memref_squeeze %dma_wait3A_1063 : memref<1x40x128xf32, #tpu.memory_space<vmem>> -> memref<40x128xf32, #tpu.memory_space<vmem>>
      %dma_wait3A_1065 = arith.constant 0 : i32
      %dma_wait3A_1066 = arith.constant 0 : i32
      %dma_wait3A_1067 = tpu.memref_slice %arg2[%dma_wait3A_1065, %dma_wait3A_1066] : memref<20000x128xf32, #tpu.memory_space<hbm>> -> memref<40x128xf32, #tpu.memory_space<hbm>>
      tpu.wait_dma2 semaphore(%dma_wait3A_1060 : memref<!tpu.dma_semaphore, #tpu.memory_space<semaphore_mem>>) src(%dma_wait3A_1067 : memref<40x128xf32, #tpu.memory_space<hbm>>) dst(%dma_wait3A_1064 : memref<40x128xf32, #tpu.memory_space<vmem>>)
      %add3A_1068 = arith.constant 3 : i32
      %add3A_1069 = arith.addi %mul3A_803, %add3A_1068 : i32
      %add3A_1070 = arith.constant 5 : i32
      %add3A_1071 = arith.addi %add3A_1069, %add3A_1070 : i32
      %mul3A_1072 = arith.constant 10000 : i32
      %mul3A_1073 = arith.muli %arg1, %mul3A_1072 : i32
      %mul3A_1074 = arith.constant 40 : i32
      %mul3A_1075 = arith.muli %add3A_1071, %mul3A_1074 : i32
      %add3A_1076 = arith.addi %mul3A_1073, %mul3A_1075 : i32
      %dma_start3A_1077 = arith.constant 0 : i32
      %dma_start3A_1078 = arith.constant 3 : i32
      %dma_start3A_1079 = arith.constant 3 : i32
      %dma_start3A_1080 = arith.constant 0 : i32
      %dma_start3A_1081 = tpu.memref_slice %arg6[%dma_start3A_1078, %dma_start3A_1080] : memref<5x40xi32, #tpu.memory_space<vmem>> -> memref<1x40xi32, #tpu.memory_space<vmem>>
      %dma_start3A_1082 = tpu.memref_squeeze %dma_start3A_1081 : memref<1x40xi32, #tpu.memory_space<vmem>> -> memref<40xi32, #tpu.memory_space<vmem>>
      %dma_start3A_1083 = arith.constant 0 : i32
      %dma_start3A_1084 = tpu.memref_slice %arg3[%dma_start3A_1077, %dma_start3A_1083] : memref<2x160000xi32, #tpu.memory_space<hbm>> -> memref<1x160000xi32, #tpu.memory_space<hbm>>
      %dma_start3A_1085 = tpu.memref_squeeze %dma_start3A_1084 : memref<1x160000xi32, #tpu.memory_space<hbm>> -> memref<160000xi32, #tpu.memory_space<hbm>>
      %dma_start3A_1086 = tpu.memref_slice %dma_start3A_1085[%add3A_1076] : memref<160000xi32, #tpu.memory_space<hbm>> -> memref<40xi32, #tpu.memory_space<hbm>>
      %dma_start3A_1087 = tpu.memref_slice %arg12[%dma_start3A_1079] : memref<5x!tpu.dma_semaphore, #tpu.memory_space<semaphore_mem>> -> memref<1x!tpu.dma_semaphore, #tpu.memory_space<semaphore_mem>>
      %dma_start3A_1088 = tpu.memref_squeeze %dma_start3A_1087 : memref<1x!tpu.dma_semaphore, #tpu.memory_space<semaphore_mem>> -> memref<!tpu.dma_semaphore, #tpu.memory_space<semaphore_mem>>
      %dma_start3A_1089 = arith.constant 0 : i32
      %dma_start3A_1090 = tpu.memref_slice %arg6[%dma_start3A_1078, %dma_start3A_1089] : memref<5x40xi32, #tpu.memory_space<vmem>> -> memref<1x40xi32, #tpu.memory_space<vmem>>
      %dma_start3A_1091 = tpu.memref_squeeze %dma_start3A_1090 : memref<1x40xi32, #tpu.memory_space<vmem>> -> memref<40xi32, #tpu.memory_space<vmem>>
      %dma_start3A_1092 = arith.constant 0 : i32
      %dma_start3A_1093 = tpu.memref_slice %arg3[%dma_start3A_1077, %dma_start3A_1092] : memref<2x160000xi32, #tpu.memory_space<hbm>> -> memref<1x160000xi32, #tpu.memory_space<hbm>>
      %dma_start3A_1094 = tpu.memref_squeeze %dma_start3A_1093 : memref<1x160000xi32, #tpu.memory_space<hbm>> -> memref<160000xi32, #tpu.memory_space<hbm>>
      %dma_start3A_1095 = tpu.memref_slice %dma_start3A_1094[%add3A_1076] : memref<160000xi32, #tpu.memory_space<hbm>> -> memref<40xi32, #tpu.memory_space<hbm>>
      tpu.enqueue_dma source(%dma_start3A_1095 : memref<40xi32, #tpu.memory_space<hbm>>) target(%dma_start3A_1091 : memref<40xi32, #tpu.memory_space<vmem>>) target_semaphore(%dma_start3A_1088 : memref<!tpu.dma_semaphore, #tpu.memory_space<semaphore_mem>>)
      %dma_wait3A_1096 = arith.constant 0 : i32
      %dma_wait3A_1097 = arith.constant 3 : i32
      %dma_wait3A_1098 = arith.constant 3 : i32
      %dma_wait3A_1099 = arith.constant 0 : i32
      %dma_wait3A_1100 = tpu.memref_slice %arg6[%dma_wait3A_1097, %dma_wait3A_1099] : memref<5x40xi32, #tpu.memory_space<vmem>> -> memref<1x40xi32, #tpu.memory_space<vmem>>
      %dma_wait3A_1101 = tpu.memref_squeeze %dma_wait3A_1100 : memref<1x40xi32, #tpu.memory_space<vmem>> -> memref<40xi32, #tpu.memory_space<vmem>>
      %dma_wait3A_1102 = arith.constant 0 : i32
      %dma_wait3A_1103 = tpu.memref_slice %arg3[%dma_wait3A_1096, %dma_wait3A_1102] : memref<2x160000xi32, #tpu.memory_space<hbm>> -> memref<1x160000xi32, #tpu.memory_space<hbm>>
      %dma_wait3A_1104 = tpu.memref_squeeze %dma_wait3A_1103 : memref<1x160000xi32, #tpu.memory_space<hbm>> -> memref<160000xi32, #tpu.memory_space<hbm>>
      %dma_wait3A_1105 = arith.constant 0 : i32
      %dma_wait3A_1106 = tpu.memref_slice %dma_wait3A_1104[%dma_wait3A_1105] : memref<160000xi32, #tpu.memory_space<hbm>> -> memref<40xi32, #tpu.memory_space<hbm>>
      %dma_wait3A_1107 = tpu.memref_slice %arg13[%dma_wait3A_1098] : memref<5x!tpu.dma_semaphore, #tpu.memory_space<semaphore_mem>> -> memref<1x!tpu.dma_semaphore, #tpu.memory_space<semaphore_mem>>
      %dma_wait3A_1108 = tpu.memref_squeeze %dma_wait3A_1107 : memref<1x!tpu.dma_semaphore, #tpu.memory_space<semaphore_mem>> -> memref<!tpu.dma_semaphore, #tpu.memory_space<semaphore_mem>>
      %dma_wait3A_1109 = arith.constant 0 : i32
      %dma_wait3A_1110 = tpu.memref_slice %arg6[%dma_wait3A_1097, %dma_wait3A_1109] : memref<5x40xi32, #tpu.memory_space<vmem>> -> memref<1x40xi32, #tpu.memory_space<vmem>>
      %dma_wait3A_1111 = tpu.memref_squeeze %dma_wait3A_1110 : memref<1x40xi32, #tpu.memory_space<vmem>> -> memref<40xi32, #tpu.memory_space<vmem>>
      %dma_wait3A_1112 = arith.constant 0 : i32
      %dma_wait3A_1113 = tpu.memref_slice %arg3[%dma_wait3A_1096, %dma_wait3A_1112] : memref<2x160000xi32, #tpu.memory_space<hbm>> -> memref<1x160000xi32, #tpu.memory_space<hbm>>
      %dma_wait3A_1114 = tpu.memref_squeeze %dma_wait3A_1113 : memref<1x160000xi32, #tpu.memory_space<hbm>> -> memref<160000xi32, #tpu.memory_space<hbm>>
      %dma_wait3A_1115 = arith.constant 0 : i32
      %dma_wait3A_1116 = tpu.memref_slice %dma_wait3A_1114[%dma_wait3A_1115] : memref<160000xi32, #tpu.memory_space<hbm>> -> memref<40xi32, #tpu.memory_space<hbm>>
      tpu.wait_dma2 semaphore(%dma_wait3A_1108 : memref<!tpu.dma_semaphore, #tpu.memory_space<semaphore_mem>>) src(%dma_wait3A_1116 : memref<40xi32, #tpu.memory_space<hbm>>) dst(%dma_wait3A_1111 : memref<40xi32, #tpu.memory_space<vmem>>)
      %dma_start3A_1117 = arith.constant 3 : i32
      %dma_start3A_1118 = arith.constant 3 : i32
      %dma_start3A_1119 = arith.constant 3 : i32
      %dma_start3A_1120 = arith.constant 0 : i32
      %dma_start3A_1121 = arith.constant 0 : i32
      %dma_start3A_1122 = tpu.memref_slice %arg8[%dma_start3A_1117, %dma_start3A_1120, %dma_start3A_1121] : memref<5x40x128xf32, #tpu.memory_space<vmem>> -> memref<1x40x128xf32, #tpu.memory_space<vmem>>
      %dma_start3A_1123 = tpu.memref_squeeze %dma_start3A_1122 : memref<1x40x128xf32, #tpu.memory_space<vmem>> -> memref<40x128xf32, #tpu.memory_space<vmem>>
      %dma_start3A_1124 = arith.constant 0 : i32
      %dma_start3A_1125 = tpu.memref_slice %arg7[%dma_start3A_1118, %dma_start3A_1124] : memref<5x40xi32, #tpu.memory_space<vmem>> -> memref<1x40xi32, #tpu.memory_space<vmem>>
      %dma_start3A_1126 = tpu.memref_squeeze %dma_start3A_1125 : memref<1x40xi32, #tpu.memory_space<vmem>> -> memref<40xi32, #tpu.memory_space<vmem>>
      %dma_start3A_1127 = arith.constant 0 : i32
      %dma_start3A_1128 = arith.constant 0 : i32
      %dma_start3A_1129 = tpu.memref_slice %arg9[%dma_start3A_1127, %dma_start3A_1128] : memref<10000x128xf32, #tpu.memory_space<vmem_shared>> -> memref<10000x128xf32, #tpu.memory_space<vmem_shared>>
      %dma_start3A_1130 = tpu.memref_slice %arg11[%dma_start3A_1119] : memref<5x!tpu.dma_semaphore, #tpu.memory_space<semaphore_mem>> -> memref<1x!tpu.dma_semaphore, #tpu.memory_space<semaphore_mem>>
      %dma_start3A_1131 = tpu.memref_squeeze %dma_start3A_1130 : memref<1x!tpu.dma_semaphore, #tpu.memory_space<semaphore_mem>> -> memref<!tpu.dma_semaphore, #tpu.memory_space<semaphore_mem>>
      tpu.enqueue_indirect_dma source(%dma_start3A_1123 : memref<40x128xf32, #tpu.memory_space<vmem>>) target(%dma_start3A_1129 : memref<10000x128xf32, #tpu.memory_space<vmem_shared>>) offsets(%dma_start3A_1126 : memref<40xi32, #tpu.memory_space<vmem>>) semaphore(%dma_start3A_1131 : memref<!tpu.dma_semaphore, #tpu.memory_space<semaphore_mem>>) {add = true}
      %dma_wait3A_1132 = arith.constant 4 : i32
      %dma_wait3A_1133 = arith.constant 4 : i32
      %dma_wait3A_1134 = arith.constant 0 : i32
      %dma_wait3A_1135 = arith.constant 0 : i32
      %dma_wait3A_1136 = tpu.memref_slice %arg8[%dma_wait3A_1132, %dma_wait3A_1134, %dma_wait3A_1135] : memref<5x40x128xf32, #tpu.memory_space<vmem>> -> memref<1x40x128xf32, #tpu.memory_space<vmem>>
      %dma_wait3A_1137 = tpu.memref_squeeze %dma_wait3A_1136 : memref<1x40x128xf32, #tpu.memory_space<vmem>> -> memref<40x128xf32, #tpu.memory_space<vmem>>
      %dma_wait3A_1138 = arith.constant 0 : i32
      %dma_wait3A_1139 = arith.constant 0 : i32
      %dma_wait3A_1140 = tpu.memref_slice %arg2[%dma_wait3A_1138, %dma_wait3A_1139] : memref<20000x128xf32, #tpu.memory_space<hbm>> -> memref<40x128xf32, #tpu.memory_space<hbm>>
      %dma_wait3A_1141 = tpu.memref_slice %arg10[%dma_wait3A_1133] : memref<5x!tpu.dma_semaphore, #tpu.memory_space<semaphore_mem>> -> memref<1x!tpu.dma_semaphore, #tpu.memory_space<semaphore_mem>>
      %dma_wait3A_1142 = tpu.memref_squeeze %dma_wait3A_1141 : memref<1x!tpu.dma_semaphore, #tpu.memory_space<semaphore_mem>> -> memref<!tpu.dma_semaphore, #tpu.memory_space<semaphore_mem>>
      %dma_wait3A_1143 = arith.constant 0 : i32
      %dma_wait3A_1144 = arith.constant 0 : i32
      %dma_wait3A_1145 = tpu.memref_slice %arg8[%dma_wait3A_1132, %dma_wait3A_1143, %dma_wait3A_1144] : memref<5x40x128xf32, #tpu.memory_space<vmem>> -> memref<1x40x128xf32, #tpu.memory_space<vmem>>
      %dma_wait3A_1146 = tpu.memref_squeeze %dma_wait3A_1145 : memref<1x40x128xf32, #tpu.memory_space<vmem>> -> memref<40x128xf32, #tpu.memory_space<vmem>>
      %dma_wait3A_1147 = arith.constant 0 : i32
      %dma_wait3A_1148 = arith.constant 0 : i32
      %dma_wait3A_1149 = tpu.memref_slice %arg2[%dma_wait3A_1147, %dma_wait3A_1148] : memref<20000x128xf32, #tpu.memory_space<hbm>> -> memref<40x128xf32, #tpu.memory_space<hbm>>
      tpu.wait_dma2 semaphore(%dma_wait3A_1142 : memref<!tpu.dma_semaphore, #tpu.memory_space<semaphore_mem>>) src(%dma_wait3A_1149 : memref<40x128xf32, #tpu.memory_space<hbm>>) dst(%dma_wait3A_1146 : memref<40x128xf32, #tpu.memory_space<vmem>>)
      %add3A_1150 = arith.constant 4 : i32
      %add3A_1151 = arith.addi %mul3A_803, %add3A_1150 : i32
      %add3A_1152 = arith.constant 5 : i32
      %add3A_1153 = arith.addi %add3A_1151, %add3A_1152 : i32
      %mul3A_1154 = arith.constant 10000 : i32
      %mul3A_1155 = arith.muli %arg1, %mul3A_1154 : i32
      %mul3A_1156 = arith.constant 40 : i32
      %mul3A_1157 = arith.muli %add3A_1153, %mul3A_1156 : i32
      %add3A_1158 = arith.addi %mul3A_1155, %mul3A_1157 : i32
      %dma_start3A_1159 = arith.constant 0 : i32
      %dma_start3A_1160 = arith.constant 4 : i32
      %dma_start3A_1161 = arith.constant 4 : i32
      %dma_start3A_1162 = arith.constant 0 : i32
      %dma_start3A_1163 = tpu.memref_slice %arg6[%dma_start3A_1160, %dma_start3A_1162] : memref<5x40xi32, #tpu.memory_space<vmem>> -> memref<1x40xi32, #tpu.memory_space<vmem>>
      %dma_start3A_1164 = tpu.memref_squeeze %dma_start3A_1163 : memref<1x40xi32, #tpu.memory_space<vmem>> -> memref<40xi32, #tpu.memory_space<vmem>>
      %dma_start3A_1165 = arith.constant 0 : i32
      %dma_start3A_1166 = tpu.memref_slice %arg3[%dma_start3A_1159, %dma_start3A_1165] : memref<2x160000xi32, #tpu.memory_space<hbm>> -> memref<1x160000xi32, #tpu.memory_space<hbm>>
      %dma_start3A_1167 = tpu.memref_squeeze %dma_start3A_1166 : memref<1x160000xi32, #tpu.memory_space<hbm>> -> memref<160000xi32, #tpu.memory_space<hbm>>
      %dma_start3A_1168 = tpu.memref_slice %dma_start3A_1167[%add3A_1158] : memref<160000xi32, #tpu.memory_space<hbm>> -> memref<40xi32, #tpu.memory_space<hbm>>
      %dma_start3A_1169 = tpu.memref_slice %arg12[%dma_start3A_1161] : memref<5x!tpu.dma_semaphore, #tpu.memory_space<semaphore_mem>> -> memref<1x!tpu.dma_semaphore, #tpu.memory_space<semaphore_mem>>
      %dma_start3A_1170 = tpu.memref_squeeze %dma_start3A_1169 : memref<1x!tpu.dma_semaphore, #tpu.memory_space<semaphore_mem>> -> memref<!tpu.dma_semaphore, #tpu.memory_space<semaphore_mem>>
      %dma_start3A_1171 = arith.constant 0 : i32
      %dma_start3A_1172 = tpu.memref_slice %arg6[%dma_start3A_1160, %dma_start3A_1171] : memref<5x40xi32, #tpu.memory_space<vmem>> -> memref<1x40xi32, #tpu.memory_space<vmem>>
      %dma_start3A_1173 = tpu.memref_squeeze %dma_start3A_1172 : memref<1x40xi32, #tpu.memory_space<vmem>> -> memref<40xi32, #tpu.memory_space<vmem>>
      %dma_start3A_1174 = arith.constant 0 : i32
      %dma_start3A_1175 = tpu.memref_slice %arg3[%dma_start3A_1159, %dma_start3A_1174] : memref<2x160000xi32, #tpu.memory_space<hbm>> -> memref<1x160000xi32, #tpu.memory_space<hbm>>
      %dma_start3A_1176 = tpu.memref_squeeze %dma_start3A_1175 : memref<1x160000xi32, #tpu.memory_space<hbm>> -> memref<160000xi32, #tpu.memory_space<hbm>>
      %dma_start3A_1177 = tpu.memref_slice %dma_start3A_1176[%add3A_1158] : memref<160000xi32, #tpu.memory_space<hbm>> -> memref<40xi32, #tpu.memory_space<hbm>>
      tpu.enqueue_dma source(%dma_start3A_1177 : memref<40xi32, #tpu.memory_space<hbm>>) target(%dma_start3A_1173 : memref<40xi32, #tpu.memory_space<vmem>>) target_semaphore(%dma_start3A_1170 : memref<!tpu.dma_semaphore, #tpu.memory_space<semaphore_mem>>)
      %dma_wait3A_1178 = arith.constant 0 : i32
      %dma_wait3A_1179 = arith.constant 4 : i32
      %dma_wait3A_1180 = arith.constant 4 : i32
      %dma_wait3A_1181 = arith.constant 0 : i32
      %dma_wait3A_1182 = tpu.memref_slice %arg6[%dma_wait3A_1179, %dma_wait3A_1181] : memref<5x40xi32, #tpu.memory_space<vmem>> -> memref<1x40xi32, #tpu.memory_space<vmem>>
      %dma_wait3A_1183 = tpu.memref_squeeze %dma_wait3A_1182 : memref<1x40xi32, #tpu.memory_space<vmem>> -> memref<40xi32, #tpu.memory_space<vmem>>
      %dma_wait3A_1184 = arith.constant 0 : i32
      %dma_wait3A_1185 = tpu.memref_slice %arg3[%dma_wait3A_1178, %dma_wait3A_1184] : memref<2x160000xi32, #tpu.memory_space<hbm>> -> memref<1x160000xi32, #tpu.memory_space<hbm>>
      %dma_wait3A_1186 = tpu.memref_squeeze %dma_wait3A_1185 : memref<1x160000xi32, #tpu.memory_space<hbm>> -> memref<160000xi32, #tpu.memory_space<hbm>>
      %dma_wait3A_1187 = arith.constant 0 : i32
      %dma_wait3A_1188 = tpu.memref_slice %dma_wait3A_1186[%dma_wait3A_1187] : memref<160000xi32, #tpu.memory_space<hbm>> -> memref<40xi32, #tpu.memory_space<hbm>>
      %dma_wait3A_1189 = tpu.memref_slice %arg13[%dma_wait3A_1180] : memref<5x!tpu.dma_semaphore, #tpu.memory_space<semaphore_mem>> -> memref<1x!tpu.dma_semaphore, #tpu.memory_space<semaphore_mem>>
      %dma_wait3A_1190 = tpu.memref_squeeze %dma_wait3A_1189 : memref<1x!tpu.dma_semaphore, #tpu.memory_space<semaphore_mem>> -> memref<!tpu.dma_semaphore, #tpu.memory_space<semaphore_mem>>
      %dma_wait3A_1191 = arith.constant 0 : i32
      %dma_wait3A_1192 = tpu.memref_slice %arg6[%dma_wait3A_1179, %dma_wait3A_1191] : memref<5x40xi32, #tpu.memory_space<vmem>> -> memref<1x40xi32, #tpu.memory_space<vmem>>
      %dma_wait3A_1193 = tpu.memref_squeeze %dma_wait3A_1192 : memref<1x40xi32, #tpu.memory_space<vmem>> -> memref<40xi32, #tpu.memory_space<vmem>>
      %dma_wait3A_1194 = arith.constant 0 : i32
      %dma_wait3A_1195 = tpu.memref_slice %arg3[%dma_wait3A_1178, %dma_wait3A_1194] : memref<2x160000xi32, #tpu.memory_space<hbm>> -> memref<1x160000xi32, #tpu.memory_space<hbm>>
      %dma_wait3A_1196 = tpu.memref_squeeze %dma_wait3A_1195 : memref<1x160000xi32, #tpu.memory_space<hbm>> -> memref<160000xi32, #tpu.memory_space<hbm>>
      %dma_wait3A_1197 = arith.constant 0 : i32
      %dma_wait3A_1198 = tpu.memref_slice %dma_wait3A_1196[%dma_wait3A_1197] : memref<160000xi32, #tpu.memory_space<hbm>> -> memref<40xi32, #tpu.memory_space<hbm>>
      tpu.wait_dma2 semaphore(%dma_wait3A_1190 : memref<!tpu.dma_semaphore, #tpu.memory_space<semaphore_mem>>) src(%dma_wait3A_1198 : memref<40xi32, #tpu.memory_space<hbm>>) dst(%dma_wait3A_1193 : memref<40xi32, #tpu.memory_space<vmem>>)
      %dma_start3A_1199 = arith.constant 4 : i32
      %dma_start3A_1200 = arith.constant 4 : i32
      %dma_start3A_1201 = arith.constant 4 : i32
      %dma_start3A_1202 = arith.constant 0 : i32
      %dma_start3A_1203 = arith.constant 0 : i32
      %dma_start3A_1204 = tpu.memref_slice %arg8[%dma_start3A_1199, %dma_start3A_1202, %dma_start3A_1203] : memref<5x40x128xf32, #tpu.memory_space<vmem>> -> memref<1x40x128xf32, #tpu.memory_space<vmem>>
      %dma_start3A_1205 = tpu.memref_squeeze %dma_start3A_1204 : memref<1x40x128xf32, #tpu.memory_space<vmem>> -> memref<40x128xf32, #tpu.memory_space<vmem>>
      %dma_start3A_1206 = arith.constant 0 : i32
      %dma_start3A_1207 = tpu.memref_slice %arg7[%dma_start3A_1200, %dma_start3A_1206] : memref<5x40xi32, #tpu.memory_space<vmem>> -> memref<1x40xi32, #tpu.memory_space<vmem>>
      %dma_start3A_1208 = tpu.memref_squeeze %dma_start3A_1207 : memref<1x40xi32, #tpu.memory_space<vmem>> -> memref<40xi32, #tpu.memory_space<vmem>>
      %dma_start3A_1209 = arith.constant 0 : i32
      %dma_start3A_1210 = arith.constant 0 : i32
      %dma_start3A_1211 = tpu.memref_slice %arg9[%dma_start3A_1209, %dma_start3A_1210] : memref<10000x128xf32, #tpu.memory_space<vmem_shared>> -> memref<10000x128xf32, #tpu.memory_space<vmem_shared>>
      %dma_start3A_1212 = tpu.memref_slice %arg11[%dma_start3A_1201] : memref<5x!tpu.dma_semaphore, #tpu.memory_space<semaphore_mem>> -> memref<1x!tpu.dma_semaphore, #tpu.memory_space<semaphore_mem>>
      %dma_start3A_1213 = tpu.memref_squeeze %dma_start3A_1212 : memref<1x!tpu.dma_semaphore, #tpu.memory_space<semaphore_mem>> -> memref<!tpu.dma_semaphore, #tpu.memory_space<semaphore_mem>>
      tpu.enqueue_indirect_dma source(%dma_start3A_1205 : memref<40x128xf32, #tpu.memory_space<vmem>>) target(%dma_start3A_1211 : memref<10000x128xf32, #tpu.memory_space<vmem_shared>>) offsets(%dma_start3A_1208 : memref<40xi32, #tpu.memory_space<vmem>>) semaphore(%dma_start3A_1213 : memref<!tpu.dma_semaphore, #tpu.memory_space<semaphore_mem>>) {add = true}
      %dma_wait3A_1214 = arith.constant 0 : i32
      %dma_wait3A_1215 = arith.constant 0 : i32
      %dma_wait3A_1216 = arith.constant 0 : i32
      %dma_wait3A_1217 = arith.constant 0 : i32
      %dma_wait3A_1218 = tpu.memref_slice %arg8[%dma_wait3A_1214, %dma_wait3A_1216, %dma_wait3A_1217] : memref<5x40x128xf32, #tpu.memory_space<vmem>> -> memref<1x40x128xf32, #tpu.memory_space<vmem>>
      %dma_wait3A_1219 = tpu.memref_squeeze %dma_wait3A_1218 : memref<1x40x128xf32, #tpu.memory_space<vmem>> -> memref<40x128xf32, #tpu.memory_space<vmem>>
      %dma_wait3A_1220 = arith.constant 0 : i32
      %dma_wait3A_1221 = arith.constant 0 : i32
      %dma_wait3A_1222 = tpu.memref_slice %arg2[%dma_wait3A_1220, %dma_wait3A_1221] : memref<20000x128xf32, #tpu.memory_space<hbm>> -> memref<40x128xf32, #tpu.memory_space<hbm>>
      %dma_wait3A_1223 = tpu.memref_slice %arg11[%dma_wait3A_1215] : memref<5x!tpu.dma_semaphore, #tpu.memory_space<semaphore_mem>> -> memref<1x!tpu.dma_semaphore, #tpu.memory_space<semaphore_mem>>
      %dma_wait3A_1224 = tpu.memref_squeeze %dma_wait3A_1223 : memref<1x!tpu.dma_semaphore, #tpu.memory_space<semaphore_mem>> -> memref<!tpu.dma_semaphore, #tpu.memory_space<semaphore_mem>>
      %dma_wait3A_1225 = arith.constant 0 : i32
      %dma_wait3A_1226 = arith.constant 0 : i32
      %dma_wait3A_1227 = tpu.memref_slice %arg8[%dma_wait3A_1214, %dma_wait3A_1225, %dma_wait3A_1226] : memref<5x40x128xf32, #tpu.memory_space<vmem>> -> memref<1x40x128xf32, #tpu.memory_space<vmem>>
      %dma_wait3A_1228 = tpu.memref_squeeze %dma_wait3A_1227 : memref<1x40x128xf32, #tpu.memory_space<vmem>> -> memref<40x128xf32, #tpu.memory_space<vmem>>
      %dma_wait3A_1229 = arith.constant 0 : i32
      %dma_wait3A_1230 = arith.constant 0 : i32
      %dma_wait3A_1231 = tpu.memref_slice %arg2[%dma_wait3A_1229, %dma_wait3A_1230] : memref<20000x128xf32, #tpu.memory_space<hbm>> -> memref<40x128xf32, #tpu.memory_space<hbm>>
      tpu.wait_dma2 semaphore(%dma_wait3A_1224 : memref<!tpu.dma_semaphore, #tpu.memory_space<semaphore_mem>>) src(%dma_wait3A_1231 : memref<40x128xf32, #tpu.memory_space<hbm>>) dst(%dma_wait3A_1228 : memref<40x128xf32, #tpu.memory_space<vmem>>)
      %add3A_1232 = arith.constant 0 : i32
      %add3A_1233 = arith.addi %mul3A_803, %add3A_1232 : i32
      %add3A_1234 = arith.constant 5 : i32
      %add3A_1235 = arith.addi %add3A_1233, %add3A_1234 : i32
      %mul3A_1236 = arith.constant 10000 : i32
      %mul3A_1237 = arith.muli %arg1, %mul3A_1236 : i32
      %mul3A_1238 = arith.constant 40 : i32
      %mul3A_1239 = arith.muli %add3A_1235, %mul3A_1238 : i32
      %add3A_1240 = arith.addi %mul3A_1237, %mul3A_1239 : i32
      %dma_start3A_1241 = arith.constant 1 : i32
      %dma_start3A_1242 = arith.constant 0 : i32
      %dma_start3A_1243 = arith.constant 0 : i32
      %dma_start3A_1244 = arith.constant 0 : i32
      %dma_start3A_1245 = tpu.memref_slice %arg7[%dma_start3A_1242, %dma_start3A_1244] : memref<5x40xi32, #tpu.memory_space<vmem>> -> memref<1x40xi32, #tpu.memory_space<vmem>>
      %dma_start3A_1246 = tpu.memref_squeeze %dma_start3A_1245 : memref<1x40xi32, #tpu.memory_space<vmem>> -> memref<40xi32, #tpu.memory_space<vmem>>
      %dma_start3A_1247 = arith.constant 0 : i32
      %dma_start3A_1248 = tpu.memref_slice %arg3[%dma_start3A_1241, %dma_start3A_1247] : memref<2x160000xi32, #tpu.memory_space<hbm>> -> memref<1x160000xi32, #tpu.memory_space<hbm>>
      %dma_start3A_1249 = tpu.memref_squeeze %dma_start3A_1248 : memref<1x160000xi32, #tpu.memory_space<hbm>> -> memref<160000xi32, #tpu.memory_space<hbm>>
      %dma_start3A_1250 = tpu.memref_slice %dma_start3A_1249[%add3A_1240] : memref<160000xi32, #tpu.memory_space<hbm>> -> memref<40xi32, #tpu.memory_space<hbm>>
      %dma_start3A_1251 = tpu.memref_slice %arg13[%dma_start3A_1243] : memref<5x!tpu.dma_semaphore, #tpu.memory_space<semaphore_mem>> -> memref<1x!tpu.dma_semaphore, #tpu.memory_space<semaphore_mem>>
      %dma_start3A_1252 = tpu.memref_squeeze %dma_start3A_1251 : memref<1x!tpu.dma_semaphore, #tpu.memory_space<semaphore_mem>> -> memref<!tpu.dma_semaphore, #tpu.memory_space<semaphore_mem>>
      %dma_start3A_1253 = arith.constant 0 : i32
      %dma_start3A_1254 = tpu.memref_slice %arg7[%dma_start3A_1242, %dma_start3A_1253] : memref<5x40xi32, #tpu.memory_space<vmem>> -> memref<1x40xi32, #tpu.memory_space<vmem>>
      %dma_start3A_1255 = tpu.memref_squeeze %dma_start3A_1254 : memref<1x40xi32, #tpu.memory_space<vmem>> -> memref<40xi32, #tpu.memory_space<vmem>>
      %dma_start3A_1256 = arith.constant 0 : i32
      %dma_start3A_1257 = tpu.memref_slice %arg3[%dma_start3A_1241, %dma_start3A_1256] : memref<2x160000xi32, #tpu.memory_space<hbm>> -> memref<1x160000xi32, #tpu.memory_space<hbm>>
      %dma_start3A_1258 = tpu.memref_squeeze %dma_start3A_1257 : memref<1x160000xi32, #tpu.memory_space<hbm>> -> memref<160000xi32, #tpu.memory_space<hbm>>
      %dma_start3A_1259 = tpu.memref_slice %dma_start3A_1258[%add3A_1240] : memref<160000xi32, #tpu.memory_space<hbm>> -> memref<40xi32, #tpu.memory_space<hbm>>
      tpu.enqueue_dma source(%dma_start3A_1259 : memref<40xi32, #tpu.memory_space<hbm>>) target(%dma_start3A_1255 : memref<40xi32, #tpu.memory_space<vmem>>) target_semaphore(%dma_start3A_1252 : memref<!tpu.dma_semaphore, #tpu.memory_space<semaphore_mem>>)
      %dma_wait3A_1260 = arith.constant 0 : i32
      %dma_wait3A_1261 = arith.constant 0 : i32
      %dma_wait3A_1262 = arith.constant 0 : i32
      %dma_wait3A_1263 = arith.constant 0 : i32
      %dma_wait3A_1264 = tpu.memref_slice %arg6[%dma_wait3A_1261, %dma_wait3A_1263] : memref<5x40xi32, #tpu.memory_space<vmem>> -> memref<1x40xi32, #tpu.memory_space<vmem>>
      %dma_wait3A_1265 = tpu.memref_squeeze %dma_wait3A_1264 : memref<1x40xi32, #tpu.memory_space<vmem>> -> memref<40xi32, #tpu.memory_space<vmem>>
      %dma_wait3A_1266 = arith.constant 0 : i32
      %dma_wait3A_1267 = tpu.memref_slice %arg3[%dma_wait3A_1260, %dma_wait3A_1266] : memref<2x160000xi32, #tpu.memory_space<hbm>> -> memref<1x160000xi32, #tpu.memory_space<hbm>>
      %dma_wait3A_1268 = tpu.memref_squeeze %dma_wait3A_1267 : memref<1x160000xi32, #tpu.memory_space<hbm>> -> memref<160000xi32, #tpu.memory_space<hbm>>
      %dma_wait3A_1269 = arith.constant 0 : i32
      %dma_wait3A_1270 = tpu.memref_slice %dma_wait3A_1268[%dma_wait3A_1269] : memref<160000xi32, #tpu.memory_space<hbm>> -> memref<40xi32, #tpu.memory_space<hbm>>
      %dma_wait3A_1271 = tpu.memref_slice %arg12[%dma_wait3A_1262] : memref<5x!tpu.dma_semaphore, #tpu.memory_space<semaphore_mem>> -> memref<1x!tpu.dma_semaphore, #tpu.memory_space<semaphore_mem>>
      %dma_wait3A_1272 = tpu.memref_squeeze %dma_wait3A_1271 : memref<1x!tpu.dma_semaphore, #tpu.memory_space<semaphore_mem>> -> memref<!tpu.dma_semaphore, #tpu.memory_space<semaphore_mem>>
      %dma_wait3A_1273 = arith.constant 0 : i32
      %dma_wait3A_1274 = tpu.memref_slice %arg6[%dma_wait3A_1261, %dma_wait3A_1273] : memref<5x40xi32, #tpu.memory_space<vmem>> -> memref<1x40xi32, #tpu.memory_space<vmem>>
      %dma_wait3A_1275 = tpu.memref_squeeze %dma_wait3A_1274 : memref<1x40xi32, #tpu.memory_space<vmem>> -> memref<40xi32, #tpu.memory_space<vmem>>
      %dma_wait3A_1276 = arith.constant 0 : i32
      %dma_wait3A_1277 = tpu.memref_slice %arg3[%dma_wait3A_1260, %dma_wait3A_1276] : memref<2x160000xi32, #tpu.memory_space<hbm>> -> memref<1x160000xi32, #tpu.memory_space<hbm>>
      %dma_wait3A_1278 = tpu.memref_squeeze %dma_wait3A_1277 : memref<1x160000xi32, #tpu.memory_space<hbm>> -> memref<160000xi32, #tpu.memory_space<hbm>>
      %dma_wait3A_1279 = arith.constant 0 : i32
      %dma_wait3A_1280 = tpu.memref_slice %dma_wait3A_1278[%dma_wait3A_1279] : memref<160000xi32, #tpu.memory_space<hbm>> -> memref<40xi32, #tpu.memory_space<hbm>>
      tpu.wait_dma2 semaphore(%dma_wait3A_1272 : memref<!tpu.dma_semaphore, #tpu.memory_space<semaphore_mem>>) src(%dma_wait3A_1280 : memref<40xi32, #tpu.memory_space<hbm>>) dst(%dma_wait3A_1275 : memref<40xi32, #tpu.memory_space<vmem>>)
      %mul3A_1281 = arith.constant 10000 : i32
      %mul3A_1282 = arith.muli %arg0, %mul3A_1281 : i32
      %dma_start3A_1283 = arith.constant 0 : i32
      %dma_start3A_1284 = arith.constant 0 : i32
      %dma_start3A_1285 = arith.constant 0 : i32
      %dma_start3A_1286 = arith.constant 0 : i32
      %dma_start3A_1287 = arith.constant 0 : i32
      %dma_start3A_1288 = tpu.memref_slice %arg8[%dma_start3A_1284, %dma_start3A_1286, %dma_start3A_1287] : memref<5x40x128xf32, #tpu.memory_space<vmem>> -> memref<1x40x128xf32, #tpu.memory_space<vmem>>
      %dma_start3A_1289 = tpu.memref_squeeze %dma_start3A_1288 : memref<1x40x128xf32, #tpu.memory_space<vmem>> -> memref<40x128xf32, #tpu.memory_space<vmem>>
      %dma_start3A_1290 = arith.constant 0 : i32
      %dma_start3A_1291 = tpu.memref_slice %arg6[%dma_start3A_1283, %dma_start3A_1290] : memref<5x40xi32, #tpu.memory_space<vmem>> -> memref<1x40xi32, #tpu.memory_space<vmem>>
      %dma_start3A_1292 = tpu.memref_squeeze %dma_start3A_1291 : memref<1x40xi32, #tpu.memory_space<vmem>> -> memref<40xi32, #tpu.memory_space<vmem>>
      %dma_start3A_1293 = arith.constant 0 : i32
      %dma_start3A_1294 = tpu.memref_slice %arg2[%mul3A_1282, %dma_start3A_1293] : memref<20000x128xf32, #tpu.memory_space<hbm>> -> memref<10000x128xf32, #tpu.memory_space<hbm>>
      %dma_start3A_1295 = arith.constant 0 : i32
      %dma_start3A_1296 = arith.constant 0 : i32
      %dma_start3A_1297 = tpu.memref_slice %dma_start3A_1294[%dma_start3A_1295, %dma_start3A_1296] : memref<10000x128xf32, #tpu.memory_space<hbm>> -> memref<10000x128xf32, #tpu.memory_space<hbm>>
      %dma_start3A_1298 = tpu.memref_slice %arg10[%dma_start3A_1285] : memref<5x!tpu.dma_semaphore, #tpu.memory_space<semaphore_mem>> -> memref<1x!tpu.dma_semaphore, #tpu.memory_space<semaphore_mem>>
      %dma_start3A_1299 = tpu.memref_squeeze %dma_start3A_1298 : memref<1x!tpu.dma_semaphore, #tpu.memory_space<semaphore_mem>> -> memref<!tpu.dma_semaphore, #tpu.memory_space<semaphore_mem>>
      tpu.enqueue_indirect_dma source(%dma_start3A_1297 : memref<10000x128xf32, #tpu.memory_space<hbm>>) target(%dma_start3A_1289 : memref<40x128xf32, #tpu.memory_space<vmem>>) offsets(%dma_start3A_1292 : memref<40xi32, #tpu.memory_space<vmem>>) semaphore(%dma_start3A_1299 : memref<!tpu.dma_semaphore, #tpu.memory_space<semaphore_mem>>)
      %dma_wait3A_1300 = arith.constant 1 : i32
      %dma_wait3A_1301 = arith.constant 1 : i32
      %dma_wait3A_1302 = arith.constant 0 : i32
      %dma_wait3A_1303 = arith.constant 0 : i32
      %dma_wait3A_1304 = tpu.memref_slice %arg8[%dma_wait3A_1300, %dma_wait3A_1302, %dma_wait3A_1303] : memref<5x40x128xf32, #tpu.memory_space<vmem>> -> memref<1x40x128xf32, #tpu.memory_space<vmem>>
      %dma_wait3A_1305 = tpu.memref_squeeze %dma_wait3A_1304 : memref<1x40x128xf32, #tpu.memory_space<vmem>> -> memref<40x128xf32, #tpu.memory_space<vmem>>
      %dma_wait3A_1306 = arith.constant 0 : i32
      %dma_wait3A_1307 = arith.constant 0 : i32
      %dma_wait3A_1308 = tpu.memref_slice %arg2[%dma_wait3A_1306, %dma_wait3A_1307] : memref<20000x128xf32, #tpu.memory_space<hbm>> -> memref<40x128xf32, #tpu.memory_space<hbm>>
      %dma_wait3A_1309 = tpu.memref_slice %arg11[%dma_wait3A_1301] : memref<5x!tpu.dma_semaphore, #tpu.memory_space<semaphore_mem>> -> memref<1x!tpu.dma_semaphore, #tpu.memory_space<semaphore_mem>>
      %dma_wait3A_1310 = tpu.memref_squeeze %dma_wait3A_1309 : memref<1x!tpu.dma_semaphore, #tpu.memory_space<semaphore_mem>> -> memref<!tpu.dma_semaphore, #tpu.memory_space<semaphore_mem>>
      %dma_wait3A_1311 = arith.constant 0 : i32
      %dma_wait3A_1312 = arith.constant 0 : i32
      %dma_wait3A_1313 = tpu.memref_slice %arg8[%dma_wait3A_1300, %dma_wait3A_1311, %dma_wait3A_1312] : memref<5x40x128xf32, #tpu.memory_space<vmem>> -> memref<1x40x128xf32, #tpu.memory_space<vmem>>
      %dma_wait3A_1314 = tpu.memref_squeeze %dma_wait3A_1313 : memref<1x40x128xf32, #tpu.memory_space<vmem>> -> memref<40x128xf32, #tpu.memory_space<vmem>>
      %dma_wait3A_1315 = arith.constant 0 : i32
      %dma_wait3A_1316 = arith.constant 0 : i32
      %dma_wait3A_1317 = tpu.memref_slice %arg2[%dma_wait3A_1315, %dma_wait3A_1316] : memref<20000x128xf32, #tpu.memory_space<hbm>> -> memref<40x128xf32, #tpu.memory_space<hbm>>
      tpu.wait_dma2 semaphore(%dma_wait3A_1310 : memref<!tpu.dma_semaphore, #tpu.memory_space<semaphore_mem>>) src(%dma_wait3A_1317 : memref<40x128xf32, #tpu.memory_space<hbm>>) dst(%dma_wait3A_1314 : memref<40x128xf32, #tpu.memory_space<vmem>>)
      %add3A_1318 = arith.constant 1 : i32
      %add3A_1319 = arith.addi %mul3A_803, %add3A_1318 : i32
      %add3A_1320 = arith.constant 5 : i32
      %add3A_1321 = arith.addi %add3A_1319, %add3A_1320 : i32
      %mul3A_1322 = arith.constant 10000 : i32
      %mul3A_1323 = arith.muli %arg1, %mul3A_1322 : i32
      %mul3A_1324 = arith.constant 40 : i32
      %mul3A_1325 = arith.muli %add3A_1321, %mul3A_1324 : i32
      %add3A_1326 = arith.addi %mul3A_1323, %mul3A_1325 : i32
      %dma_start3A_1327 = arith.constant 1 : i32
      %dma_start3A_1328 = arith.constant 1 : i32
      %dma_start3A_1329 = arith.constant 1 : i32
      %dma_start3A_1330 = arith.constant 0 : i32
      %dma_start3A_1331 = tpu.memref_slice %arg7[%dma_start3A_1328, %dma_start3A_1330] : memref<5x40xi32, #tpu.memory_space<vmem>> -> memref<1x40xi32, #tpu.memory_space<vmem>>
      %dma_start3A_1332 = tpu.memref_squeeze %dma_start3A_1331 : memref<1x40xi32, #tpu.memory_space<vmem>> -> memref<40xi32, #tpu.memory_space<vmem>>
      %dma_start3A_1333 = arith.constant 0 : i32
      %dma_start3A_1334 = tpu.memref_slice %arg3[%dma_start3A_1327, %dma_start3A_1333] : memref<2x160000xi32, #tpu.memory_space<hbm>> -> memref<1x160000xi32, #tpu.memory_space<hbm>>
      %dma_start3A_1335 = tpu.memref_squeeze %dma_start3A_1334 : memref<1x160000xi32, #tpu.memory_space<hbm>> -> memref<160000xi32, #tpu.memory_space<hbm>>
      %dma_start3A_1336 = tpu.memref_slice %dma_start3A_1335[%add3A_1326] : memref<160000xi32, #tpu.memory_space<hbm>> -> memref<40xi32, #tpu.memory_space<hbm>>
      %dma_start3A_1337 = tpu.memref_slice %arg13[%dma_start3A_1329] : memref<5x!tpu.dma_semaphore, #tpu.memory_space<semaphore_mem>> -> memref<1x!tpu.dma_semaphore, #tpu.memory_space<semaphore_mem>>
      %dma_start3A_1338 = tpu.memref_squeeze %dma_start3A_1337 : memref<1x!tpu.dma_semaphore, #tpu.memory_space<semaphore_mem>> -> memref<!tpu.dma_semaphore, #tpu.memory_space<semaphore_mem>>
      %dma_start3A_1339 = arith.constant 0 : i32
      %dma_start3A_1340 = tpu.memref_slice %arg7[%dma_start3A_1328, %dma_start3A_1339] : memref<5x40xi32, #tpu.memory_space<vmem>> -> memref<1x40xi32, #tpu.memory_space<vmem>>
      %dma_start3A_1341 = tpu.memref_squeeze %dma_start3A_1340 : memref<1x40xi32, #tpu.memory_space<vmem>> -> memref<40xi32, #tpu.memory_space<vmem>>
      %dma_start3A_1342 = arith.constant 0 : i32
      %dma_start3A_1343 = tpu.memref_slice %arg3[%dma_start3A_1327, %dma_start3A_1342] : memref<2x160000xi32, #tpu.memory_space<hbm>> -> memref<1x160000xi32, #tpu.memory_space<hbm>>
      %dma_start3A_1344 = tpu.memref_squeeze %dma_start3A_1343 : memref<1x160000xi32, #tpu.memory_space<hbm>> -> memref<160000xi32, #tpu.memory_space<hbm>>
      %dma_start3A_1345 = tpu.memref_slice %dma_start3A_1344[%add3A_1326] : memref<160000xi32, #tpu.memory_space<hbm>> -> memref<40xi32, #tpu.memory_space<hbm>>
      tpu.enqueue_dma source(%dma_start3A_1345 : memref<40xi32, #tpu.memory_space<hbm>>) target(%dma_start3A_1341 : memref<40xi32, #tpu.memory_space<vmem>>) target_semaphore(%dma_start3A_1338 : memref<!tpu.dma_semaphore, #tpu.memory_space<semaphore_mem>>)
      %dma_wait3A_1346 = arith.constant 0 : i32
      %dma_wait3A_1347 = arith.constant 1 : i32
      %dma_wait3A_1348 = arith.constant 1 : i32
      %dma_wait3A_1349 = arith.constant 0 : i32
      %dma_wait3A_1350 = tpu.memref_slice %arg6[%dma_wait3A_1347, %dma_wait3A_1349] : memref<5x40xi32, #tpu.memory_space<vmem>> -> memref<1x40xi32, #tpu.memory_space<vmem>>
      %dma_wait3A_1351 = tpu.memref_squeeze %dma_wait3A_1350 : memref<1x40xi32, #tpu.memory_space<vmem>> -> memref<40xi32, #tpu.memory_space<vmem>>
      %dma_wait3A_1352 = arith.constant 0 : i32
      %dma_wait3A_1353 = tpu.memref_slice %arg3[%dma_wait3A_1346, %dma_wait3A_1352] : memref<2x160000xi32, #tpu.memory_space<hbm>> -> memref<1x160000xi32, #tpu.memory_space<hbm>>
      %dma_wait3A_1354 = tpu.memref_squeeze %dma_wait3A_1353 : memref<1x160000xi32, #tpu.memory_space<hbm>> -> memref<160000xi32, #tpu.memory_space<hbm>>
      %dma_wait3A_1355 = arith.constant 0 : i32
      %dma_wait3A_1356 = tpu.memref_slice %dma_wait3A_1354[%dma_wait3A_1355] : memref<160000xi32, #tpu.memory_space<hbm>> -> memref<40xi32, #tpu.memory_space<hbm>>
      %dma_wait3A_1357 = tpu.memref_slice %arg12[%dma_wait3A_1348] : memref<5x!tpu.dma_semaphore, #tpu.memory_space<semaphore_mem>> -> memref<1x!tpu.dma_semaphore, #tpu.memory_space<semaphore_mem>>
      %dma_wait3A_1358 = tpu.memref_squeeze %dma_wait3A_1357 : memref<1x!tpu.dma_semaphore, #tpu.memory_space<semaphore_mem>> -> memref<!tpu.dma_semaphore, #tpu.memory_space<semaphore_mem>>
      %dma_wait3A_1359 = arith.constant 0 : i32
      %dma_wait3A_1360 = tpu.memref_slice %arg6[%dma_wait3A_1347, %dma_wait3A_1359] : memref<5x40xi32, #tpu.memory_space<vmem>> -> memref<1x40xi32, #tpu.memory_space<vmem>>
      %dma_wait3A_1361 = tpu.memref_squeeze %dma_wait3A_1360 : memref<1x40xi32, #tpu.memory_space<vmem>> -> memref<40xi32, #tpu.memory_space<vmem>>
      %dma_wait3A_1362 = arith.constant 0 : i32
      %dma_wait3A_1363 = tpu.memref_slice %arg3[%dma_wait3A_1346, %dma_wait3A_1362] : memref<2x160000xi32, #tpu.memory_space<hbm>> -> memref<1x160000xi32, #tpu.memory_space<hbm>>
      %dma_wait3A_1364 = tpu.memref_squeeze %dma_wait3A_1363 : memref<1x160000xi32, #tpu.memory_space<hbm>> -> memref<160000xi32, #tpu.memory_space<hbm>>
      %dma_wait3A_1365 = arith.constant 0 : i32
      %dma_wait3A_1366 = tpu.memref_slice %dma_wait3A_1364[%dma_wait3A_1365] : memref<160000xi32, #tpu.memory_space<hbm>> -> memref<40xi32, #tpu.memory_space<hbm>>
      tpu.wait_dma2 semaphore(%dma_wait3A_1358 : memref<!tpu.dma_semaphore, #tpu.memory_space<semaphore_mem>>) src(%dma_wait3A_1366 : memref<40xi32, #tpu.memory_space<hbm>>) dst(%dma_wait3A_1361 : memref<40xi32, #tpu.memory_space<vmem>>)
      %mul3A_1367 = arith.constant 10000 : i32
      %mul3A_1368 = arith.muli %arg0, %mul3A_1367 : i32
      %dma_start3A_1369 = arith.constant 1 : i32
      %dma_start3A_1370 = arith.constant 1 : i32
      %dma_start3A_1371 = arith.constant 1 : i32
      %dma_start3A_1372 = arith.constant 0 : i32
      %dma_start3A_1373 = arith.constant 0 : i32
      %dma_start3A_1374 = tpu.memref_slice %arg8[%dma_start3A_1370, %dma_start3A_1372, %dma_start3A_1373] : memref<5x40x128xf32, #tpu.memory_space<vmem>> -> memref<1x40x128xf32, #tpu.memory_space<vmem>>
      %dma_start3A_1375 = tpu.memref_squeeze %dma_start3A_1374 : memref<1x40x128xf32, #tpu.memory_space<vmem>> -> memref<40x128xf32, #tpu.memory_space<vmem>>
      %dma_start3A_1376 = arith.constant 0 : i32
      %dma_start3A_1377 = tpu.memref_slice %arg6[%dma_start3A_1369, %dma_start3A_1376] : memref<5x40xi32, #tpu.memory_space<vmem>> -> memref<1x40xi32, #tpu.memory_space<vmem>>
      %dma_start3A_1378 = tpu.memref_squeeze %dma_start3A_1377 : memref<1x40xi32, #tpu.memory_space<vmem>> -> memref<40xi32, #tpu.memory_space<vmem>>
      %dma_start3A_1379 = arith.constant 0 : i32
      %dma_start3A_1380 = tpu.memref_slice %arg2[%mul3A_1368, %dma_start3A_1379] : memref<20000x128xf32, #tpu.memory_space<hbm>> -> memref<10000x128xf32, #tpu.memory_space<hbm>>
      %dma_start3A_1381 = arith.constant 0 : i32
      %dma_start3A_1382 = arith.constant 0 : i32
      %dma_start3A_1383 = tpu.memref_slice %dma_start3A_1380[%dma_start3A_1381, %dma_start3A_1382] : memref<10000x128xf32, #tpu.memory_space<hbm>> -> memref<10000x128xf32, #tpu.memory_space<hbm>>
      %dma_start3A_1384 = tpu.memref_slice %arg10[%dma_start3A_1371] : memref<5x!tpu.dma_semaphore, #tpu.memory_space<semaphore_mem>> -> memref<1x!tpu.dma_semaphore, #tpu.memory_space<semaphore_mem>>
      %dma_start3A_1385 = tpu.memref_squeeze %dma_start3A_1384 : memref<1x!tpu.dma_semaphore, #tpu.memory_space<semaphore_mem>> -> memref<!tpu.dma_semaphore, #tpu.memory_space<semaphore_mem>>
      tpu.enqueue_indirect_dma source(%dma_start3A_1383 : memref<10000x128xf32, #tpu.memory_space<hbm>>) target(%dma_start3A_1375 : memref<40x128xf32, #tpu.memory_space<vmem>>) offsets(%dma_start3A_1378 : memref<40xi32, #tpu.memory_space<vmem>>) semaphore(%dma_start3A_1385 : memref<!tpu.dma_semaphore, #tpu.memory_space<semaphore_mem>>)
      %dma_wait3A_1386 = arith.constant 2 : i32
      %dma_wait3A_1387 = arith.constant 2 : i32
      %dma_wait3A_1388 = arith.constant 0 : i32
      %dma_wait3A_1389 = arith.constant 0 : i32
      %dma_wait3A_1390 = tpu.memref_slice %arg8[%dma_wait3A_1386, %dma_wait3A_1388, %dma_wait3A_1389] : memref<5x40x128xf32, #tpu.memory_space<vmem>> -> memref<1x40x128xf32, #tpu.memory_space<vmem>>
      %dma_wait3A_1391 = tpu.memref_squeeze %dma_wait3A_1390 : memref<1x40x128xf32, #tpu.memory_space<vmem>> -> memref<40x128xf32, #tpu.memory_space<vmem>>
      %dma_wait3A_1392 = arith.constant 0 : i32
      %dma_wait3A_1393 = arith.constant 0 : i32
      %dma_wait3A_1394 = tpu.memref_slice %arg2[%dma_wait3A_1392, %dma_wait3A_1393] : memref<20000x128xf32, #tpu.memory_space<hbm>> -> memref<40x128xf32, #tpu.memory_space<hbm>>
      %dma_wait3A_1395 = tpu.memref_slice %arg11[%dma_wait3A_1387] : memref<5x!tpu.dma_semaphore, #tpu.memory_space<semaphore_mem>> -> memref<1x!tpu.dma_semaphore, #tpu.memory_space<semaphore_mem>>
      %dma_wait3A_1396 = tpu.memref_squeeze %dma_wait3A_1395 : memref<1x!tpu.dma_semaphore, #tpu.memory_space<semaphore_mem>> -> memref<!tpu.dma_semaphore, #tpu.memory_space<semaphore_mem>>
      %dma_wait3A_1397 = arith.constant 0 : i32
      %dma_wait3A_1398 = arith.constant 0 : i32
      %dma_wait3A_1399 = tpu.memref_slice %arg8[%dma_wait3A_1386, %dma_wait3A_1397, %dma_wait3A_1398] : memref<5x40x128xf32, #tpu.memory_space<vmem>> -> memref<1x40x128xf32, #tpu.memory_space<vmem>>
      %dma_wait3A_1400 = tpu.memref_squeeze %dma_wait3A_1399 : memref<1x40x128xf32, #tpu.memory_space<vmem>> -> memref<40x128xf32, #tpu.memory_space<vmem>>
      %dma_wait3A_1401 = arith.constant 0 : i32
      %dma_wait3A_1402 = arith.constant 0 : i32
      %dma_wait3A_1403 = tpu.memref_slice %arg2[%dma_wait3A_1401, %dma_wait3A_1402] : memref<20000x128xf32, #tpu.memory_space<hbm>> -> memref<40x128xf32, #tpu.memory_space<hbm>>
      tpu.wait_dma2 semaphore(%dma_wait3A_1396 : memref<!tpu.dma_semaphore, #tpu.memory_space<semaphore_mem>>) src(%dma_wait3A_1403 : memref<40x128xf32, #tpu.memory_space<hbm>>) dst(%dma_wait3A_1400 : memref<40x128xf32, #tpu.memory_space<vmem>>)
      %add3A_1404 = arith.constant 2 : i32
      %add3A_1405 = arith.addi %mul3A_803, %add3A_1404 : i32
      %add3A_1406 = arith.constant 5 : i32
      %add3A_1407 = arith.addi %add3A_1405, %add3A_1406 : i32
      %mul3A_1408 = arith.constant 10000 : i32
      %mul3A_1409 = arith.muli %arg1, %mul3A_1408 : i32
      %mul3A_1410 = arith.constant 40 : i32
      %mul3A_1411 = arith.muli %add3A_1407, %mul3A_1410 : i32
      %add3A_1412 = arith.addi %mul3A_1409, %mul3A_1411 : i32
      %dma_start3A_1413 = arith.constant 1 : i32
      %dma_start3A_1414 = arith.constant 2 : i32
      %dma_start3A_1415 = arith.constant 2 : i32
      %dma_start3A_1416 = arith.constant 0 : i32
      %dma_start3A_1417 = tpu.memref_slice %arg7[%dma_start3A_1414, %dma_start3A_1416] : memref<5x40xi32, #tpu.memory_space<vmem>> -> memref<1x40xi32, #tpu.memory_space<vmem>>
      %dma_start3A_1418 = tpu.memref_squeeze %dma_start3A_1417 : memref<1x40xi32, #tpu.memory_space<vmem>> -> memref<40xi32, #tpu.memory_space<vmem>>
      %dma_start3A_1419 = arith.constant 0 : i32
      %dma_start3A_1420 = tpu.memref_slice %arg3[%dma_start3A_1413, %dma_start3A_1419] : memref<2x160000xi32, #tpu.memory_space<hbm>> -> memref<1x160000xi32, #tpu.memory_space<hbm>>
      %dma_start3A_1421 = tpu.memref_squeeze %dma_start3A_1420 : memref<1x160000xi32, #tpu.memory_space<hbm>> -> memref<160000xi32, #tpu.memory_space<hbm>>
      %dma_start3A_1422 = tpu.memref_slice %dma_start3A_1421[%add3A_1412] : memref<160000xi32, #tpu.memory_space<hbm>> -> memref<40xi32, #tpu.memory_space<hbm>>
      %dma_start3A_1423 = tpu.memref_slice %arg13[%dma_start3A_1415] : memref<5x!tpu.dma_semaphore, #tpu.memory_space<semaphore_mem>> -> memref<1x!tpu.dma_semaphore, #tpu.memory_space<semaphore_mem>>
      %dma_start3A_1424 = tpu.memref_squeeze %dma_start3A_1423 : memref<1x!tpu.dma_semaphore, #tpu.memory_space<semaphore_mem>> -> memref<!tpu.dma_semaphore, #tpu.memory_space<semaphore_mem>>
      %dma_start3A_1425 = arith.constant 0 : i32
      %dma_start3A_1426 = tpu.memref_slice %arg7[%dma_start3A_1414, %dma_start3A_1425] : memref<5x40xi32, #tpu.memory_space<vmem>> -> memref<1x40xi32, #tpu.memory_space<vmem>>
      %dma_start3A_1427 = tpu.memref_squeeze %dma_start3A_1426 : memref<1x40xi32, #tpu.memory_space<vmem>> -> memref<40xi32, #tpu.memory_space<vmem>>
      %dma_start3A_1428 = arith.constant 0 : i32
      %dma_start3A_1429 = tpu.memref_slice %arg3[%dma_start3A_1413, %dma_start3A_1428] : memref<2x160000xi32, #tpu.memory_space<hbm>> -> memref<1x160000xi32, #tpu.memory_space<hbm>>
      %dma_start3A_1430 = tpu.memref_squeeze %dma_start3A_1429 : memref<1x160000xi32, #tpu.memory_space<hbm>> -> memref<160000xi32, #tpu.memory_space<hbm>>
      %dma_start3A_1431 = tpu.memref_slice %dma_start3A_1430[%add3A_1412] : memref<160000xi32, #tpu.memory_space<hbm>> -> memref<40xi32, #tpu.memory_space<hbm>>
      tpu.enqueue_dma source(%dma_start3A_1431 : memref<40xi32, #tpu.memory_space<hbm>>) target(%dma_start3A_1427 : memref<40xi32, #tpu.memory_space<vmem>>) target_semaphore(%dma_start3A_1424 : memref<!tpu.dma_semaphore, #tpu.memory_space<semaphore_mem>>)
      %dma_wait3A_1432 = arith.constant 0 : i32
      %dma_wait3A_1433 = arith.constant 2 : i32
      %dma_wait3A_1434 = arith.constant 2 : i32
      %dma_wait3A_1435 = arith.constant 0 : i32
      %dma_wait3A_1436 = tpu.memref_slice %arg6[%dma_wait3A_1433, %dma_wait3A_1435] : memref<5x40xi32, #tpu.memory_space<vmem>> -> memref<1x40xi32, #tpu.memory_space<vmem>>
      %dma_wait3A_1437 = tpu.memref_squeeze %dma_wait3A_1436 : memref<1x40xi32, #tpu.memory_space<vmem>> -> memref<40xi32, #tpu.memory_space<vmem>>
      %dma_wait3A_1438 = arith.constant 0 : i32
      %dma_wait3A_1439 = tpu.memref_slice %arg3[%dma_wait3A_1432, %dma_wait3A_1438] : memref<2x160000xi32, #tpu.memory_space<hbm>> -> memref<1x160000xi32, #tpu.memory_space<hbm>>
      %dma_wait3A_1440 = tpu.memref_squeeze %dma_wait3A_1439 : memref<1x160000xi32, #tpu.memory_space<hbm>> -> memref<160000xi32, #tpu.memory_space<hbm>>
      %dma_wait3A_1441 = arith.constant 0 : i32
      %dma_wait3A_1442 = tpu.memref_slice %dma_wait3A_1440[%dma_wait3A_1441] : memref<160000xi32, #tpu.memory_space<hbm>> -> memref<40xi32, #tpu.memory_space<hbm>>
      %dma_wait3A_1443 = tpu.memref_slice %arg12[%dma_wait3A_1434] : memref<5x!tpu.dma_semaphore, #tpu.memory_space<semaphore_mem>> -> memref<1x!tpu.dma_semaphore, #tpu.memory_space<semaphore_mem>>
      %dma_wait3A_1444 = tpu.memref_squeeze %dma_wait3A_1443 : memref<1x!tpu.dma_semaphore, #tpu.memory_space<semaphore_mem>> -> memref<!tpu.dma_semaphore, #tpu.memory_space<semaphore_mem>>
      %dma_wait3A_1445 = arith.constant 0 : i32
      %dma_wait3A_1446 = tpu.memref_slice %arg6[%dma_wait3A_1433, %dma_wait3A_1445] : memref<5x40xi32, #tpu.memory_space<vmem>> -> memref<1x40xi32, #tpu.memory_space<vmem>>
      %dma_wait3A_1447 = tpu.memref_squeeze %dma_wait3A_1446 : memref<1x40xi32, #tpu.memory_space<vmem>> -> memref<40xi32, #tpu.memory_space<vmem>>
      %dma_wait3A_1448 = arith.constant 0 : i32
      %dma_wait3A_1449 = tpu.memref_slice %arg3[%dma_wait3A_1432, %dma_wait3A_1448] : memref<2x160000xi32, #tpu.memory_space<hbm>> -> memref<1x160000xi32, #tpu.memory_space<hbm>>
      %dma_wait3A_1450 = tpu.memref_squeeze %dma_wait3A_1449 : memref<1x160000xi32, #tpu.memory_space<hbm>> -> memref<160000xi32, #tpu.memory_space<hbm>>
      %dma_wait3A_1451 = arith.constant 0 : i32
      %dma_wait3A_1452 = tpu.memref_slice %dma_wait3A_1450[%dma_wait3A_1451] : memref<160000xi32, #tpu.memory_space<hbm>> -> memref<40xi32, #tpu.memory_space<hbm>>
      tpu.wait_dma2 semaphore(%dma_wait3A_1444 : memref<!tpu.dma_semaphore, #tpu.memory_space<semaphore_mem>>) src(%dma_wait3A_1452 : memref<40xi32, #tpu.memory_space<hbm>>) dst(%dma_wait3A_1447 : memref<40xi32, #tpu.memory_space<vmem>>)
      %mul3A_1453 = arith.constant 10000 : i32
      %mul3A_1454 = arith.muli %arg0, %mul3A_1453 : i32
      %dma_start3A_1455 = arith.constant 2 : i32
      %dma_start3A_1456 = arith.constant 2 : i32
      %dma_start3A_1457 = arith.constant 2 : i32
      %dma_start3A_1458 = arith.constant 0 : i32
      %dma_start3A_1459 = arith.constant 0 : i32
      %dma_start3A_1460 = tpu.memref_slice %arg8[%dma_start3A_1456, %dma_start3A_1458, %dma_start3A_1459] : memref<5x40x128xf32, #tpu.memory_space<vmem>> -> memref<1x40x128xf32, #tpu.memory_space<vmem>>
      %dma_start3A_1461 = tpu.memref_squeeze %dma_start3A_1460 : memref<1x40x128xf32, #tpu.memory_space<vmem>> -> memref<40x128xf32, #tpu.memory_space<vmem>>
      %dma_start3A_1462 = arith.constant 0 : i32
      %dma_start3A_1463 = tpu.memref_slice %arg6[%dma_start3A_1455, %dma_start3A_1462] : memref<5x40xi32, #tpu.memory_space<vmem>> -> memref<1x40xi32, #tpu.memory_space<vmem>>
      %dma_start3A_1464 = tpu.memref_squeeze %dma_start3A_1463 : memref<1x40xi32, #tpu.memory_space<vmem>> -> memref<40xi32, #tpu.memory_space<vmem>>
      %dma_start3A_1465 = arith.constant 0 : i32
      %dma_start3A_1466 = tpu.memref_slice %arg2[%mul3A_1454, %dma_start3A_1465] : memref<20000x128xf32, #tpu.memory_space<hbm>> -> memref<10000x128xf32, #tpu.memory_space<hbm>>
      %dma_start3A_1467 = arith.constant 0 : i32
      %dma_start3A_1468 = arith.constant 0 : i32
      %dma_start3A_1469 = tpu.memref_slice %dma_start3A_1466[%dma_start3A_1467, %dma_start3A_1468] : memref<10000x128xf32, #tpu.memory_space<hbm>> -> memref<10000x128xf32, #tpu.memory_space<hbm>>
      %dma_start3A_1470 = tpu.memref_slice %arg10[%dma_start3A_1457] : memref<5x!tpu.dma_semaphore, #tpu.memory_space<semaphore_mem>> -> memref<1x!tpu.dma_semaphore, #tpu.memory_space<semaphore_mem>>
      %dma_start3A_1471 = tpu.memref_squeeze %dma_start3A_1470 : memref<1x!tpu.dma_semaphore, #tpu.memory_space<semaphore_mem>> -> memref<!tpu.dma_semaphore, #tpu.memory_space<semaphore_mem>>
      tpu.enqueue_indirect_dma source(%dma_start3A_1469 : memref<10000x128xf32, #tpu.memory_space<hbm>>) target(%dma_start3A_1461 : memref<40x128xf32, #tpu.memory_space<vmem>>) offsets(%dma_start3A_1464 : memref<40xi32, #tpu.memory_space<vmem>>) semaphore(%dma_start3A_1471 : memref<!tpu.dma_semaphore, #tpu.memory_space<semaphore_mem>>)
      %dma_wait3A_1472 = arith.constant 3 : i32
      %dma_wait3A_1473 = arith.constant 3 : i32
      %dma_wait3A_1474 = arith.constant 0 : i32
      %dma_wait3A_1475 = arith.constant 0 : i32
      %dma_wait3A_1476 = tpu.memref_slice %arg8[%dma_wait3A_1472, %dma_wait3A_1474, %dma_wait3A_1475] : memref<5x40x128xf32, #tpu.memory_space<vmem>> -> memref<1x40x128xf32, #tpu.memory_space<vmem>>
      %dma_wait3A_1477 = tpu.memref_squeeze %dma_wait3A_1476 : memref<1x40x128xf32, #tpu.memory_space<vmem>> -> memref<40x128xf32, #tpu.memory_space<vmem>>
      %dma_wait3A_1478 = arith.constant 0 : i32
      %dma_wait3A_1479 = arith.constant 0 : i32
      %dma_wait3A_1480 = tpu.memref_slice %arg2[%dma_wait3A_1478, %dma_wait3A_1479] : memref<20000x128xf32, #tpu.memory_space<hbm>> -> memref<40x128xf32, #tpu.memory_space<hbm>>
      %dma_wait3A_1481 = tpu.memref_slice %arg11[%dma_wait3A_1473] : memref<5x!tpu.dma_semaphore, #tpu.memory_space<semaphore_mem>> -> memref<1x!tpu.dma_semaphore, #tpu.memory_space<semaphore_mem>>
      %dma_wait3A_1482 = tpu.memref_squeeze %dma_wait3A_1481 : memref<1x!tpu.dma_semaphore, #tpu.memory_space<semaphore_mem>> -> memref<!tpu.dma_semaphore, #tpu.memory_space<semaphore_mem>>
      %dma_wait3A_1483 = arith.constant 0 : i32
      %dma_wait3A_1484 = arith.constant 0 : i32
      %dma_wait3A_1485 = tpu.memref_slice %arg8[%dma_wait3A_1472, %dma_wait3A_1483, %dma_wait3A_1484] : memref<5x40x128xf32, #tpu.memory_space<vmem>> -> memref<1x40x128xf32, #tpu.memory_space<vmem>>
      %dma_wait3A_1486 = tpu.memref_squeeze %dma_wait3A_1485 : memref<1x40x128xf32, #tpu.memory_space<vmem>> -> memref<40x128xf32, #tpu.memory_space<vmem>>
      %dma_wait3A_1487 = arith.constant 0 : i32
      %dma_wait3A_1488 = arith.constant 0 : i32
      %dma_wait3A_1489 = tpu.memref_slice %arg2[%dma_wait3A_1487, %dma_wait3A_1488] : memref<20000x128xf32, #tpu.memory_space<hbm>> -> memref<40x128xf32, #tpu.memory_space<hbm>>
      tpu.wait_dma2 semaphore(%dma_wait3A_1482 : memref<!tpu.dma_semaphore, #tpu.memory_space<semaphore_mem>>) src(%dma_wait3A_1489 : memref<40x128xf32, #tpu.memory_space<hbm>>) dst(%dma_wait3A_1486 : memref<40x128xf32, #tpu.memory_space<vmem>>)
      %add3A_1490 = arith.constant 3 : i32
      %add3A_1491 = arith.addi %mul3A_803, %add3A_1490 : i32
      %add3A_1492 = arith.constant 5 : i32
      %add3A_1493 = arith.addi %add3A_1491, %add3A_1492 : i32
      %mul3A_1494 = arith.constant 10000 : i32
      %mul3A_1495 = arith.muli %arg1, %mul3A_1494 : i32
      %mul3A_1496 = arith.constant 40 : i32
      %mul3A_1497 = arith.muli %add3A_1493, %mul3A_1496 : i32
      %add3A_1498 = arith.addi %mul3A_1495, %mul3A_1497 : i32
      %dma_start3A_1499 = arith.constant 1 : i32
      %dma_start3A_1500 = arith.constant 3 : i32
      %dma_start3A_1501 = arith.constant 3 : i32
      %dma_start3A_1502 = arith.constant 0 : i32
      %dma_start3A_1503 = tpu.memref_slice %arg7[%dma_start3A_1500, %dma_start3A_1502] : memref<5x40xi32, #tpu.memory_space<vmem>> -> memref<1x40xi32, #tpu.memory_space<vmem>>
      %dma_start3A_1504 = tpu.memref_squeeze %dma_start3A_1503 : memref<1x40xi32, #tpu.memory_space<vmem>> -> memref<40xi32, #tpu.memory_space<vmem>>
      %dma_start3A_1505 = arith.constant 0 : i32
      %dma_start3A_1506 = tpu.memref_slice %arg3[%dma_start3A_1499, %dma_start3A_1505] : memref<2x160000xi32, #tpu.memory_space<hbm>> -> memref<1x160000xi32, #tpu.memory_space<hbm>>
      %dma_start3A_1507 = tpu.memref_squeeze %dma_start3A_1506 : memref<1x160000xi32, #tpu.memory_space<hbm>> -> memref<160000xi32, #tpu.memory_space<hbm>>
      %dma_start3A_1508 = tpu.memref_slice %dma_start3A_1507[%add3A_1498] : memref<160000xi32, #tpu.memory_space<hbm>> -> memref<40xi32, #tpu.memory_space<hbm>>
      %dma_start3A_1509 = tpu.memref_slice %arg13[%dma_start3A_1501] : memref<5x!tpu.dma_semaphore, #tpu.memory_space<semaphore_mem>> -> memref<1x!tpu.dma_semaphore, #tpu.memory_space<semaphore_mem>>
      %dma_start3A_1510 = tpu.memref_squeeze %dma_start3A_1509 : memref<1x!tpu.dma_semaphore, #tpu.memory_space<semaphore_mem>> -> memref<!tpu.dma_semaphore, #tpu.memory_space<semaphore_mem>>
      %dma_start3A_1511 = arith.constant 0 : i32
      %dma_start3A_1512 = tpu.memref_slice %arg7[%dma_start3A_1500, %dma_start3A_1511] : memref<5x40xi32, #tpu.memory_space<vmem>> -> memref<1x40xi32, #tpu.memory_space<vmem>>
      %dma_start3A_1513 = tpu.memref_squeeze %dma_start3A_1512 : memref<1x40xi32, #tpu.memory_space<vmem>> -> memref<40xi32, #tpu.memory_space<vmem>>
      %dma_start3A_1514 = arith.constant 0 : i32
      %dma_start3A_1515 = tpu.memref_slice %arg3[%dma_start3A_1499, %dma_start3A_1514] : memref<2x160000xi32, #tpu.memory_space<hbm>> -> memref<1x160000xi32, #tpu.memory_space<hbm>>
      %dma_start3A_1516 = tpu.memref_squeeze %dma_start3A_1515 : memref<1x160000xi32, #tpu.memory_space<hbm>> -> memref<160000xi32, #tpu.memory_space<hbm>>
      %dma_start3A_1517 = tpu.memref_slice %dma_start3A_1516[%add3A_1498] : memref<160000xi32, #tpu.memory_space<hbm>> -> memref<40xi32, #tpu.memory_space<hbm>>
      tpu.enqueue_dma source(%dma_start3A_1517 : memref<40xi32, #tpu.memory_space<hbm>>) target(%dma_start3A_1513 : memref<40xi32, #tpu.memory_space<vmem>>) target_semaphore(%dma_start3A_1510 : memref<!tpu.dma_semaphore, #tpu.memory_space<semaphore_mem>>)
      %dma_wait3A_1518 = arith.constant 0 : i32
      %dma_wait3A_1519 = arith.constant 3 : i32
      %dma_wait3A_1520 = arith.constant 3 : i32
      %dma_wait3A_1521 = arith.constant 0 : i32
      %dma_wait3A_1522 = tpu.memref_slice %arg6[%dma_wait3A_1519, %dma_wait3A_1521] : memref<5x40xi32, #tpu.memory_space<vmem>> -> memref<1x40xi32, #tpu.memory_space<vmem>>
      %dma_wait3A_1523 = tpu.memref_squeeze %dma_wait3A_1522 : memref<1x40xi32, #tpu.memory_space<vmem>> -> memref<40xi32, #tpu.memory_space<vmem>>
      %dma_wait3A_1524 = arith.constant 0 : i32
      %dma_wait3A_1525 = tpu.memref_slice %arg3[%dma_wait3A_1518, %dma_wait3A_1524] : memref<2x160000xi32, #tpu.memory_space<hbm>> -> memref<1x160000xi32, #tpu.memory_space<hbm>>
      %dma_wait3A_1526 = tpu.memref_squeeze %dma_wait3A_1525 : memref<1x160000xi32, #tpu.memory_space<hbm>> -> memref<160000xi32, #tpu.memory_space<hbm>>
      %dma_wait3A_1527 = arith.constant 0 : i32
      %dma_wait3A_1528 = tpu.memref_slice %dma_wait3A_1526[%dma_wait3A_1527] : memref<160000xi32, #tpu.memory_space<hbm>> -> memref<40xi32, #tpu.memory_space<hbm>>
      %dma_wait3A_1529 = tpu.memref_slice %arg12[%dma_wait3A_1520] : memref<5x!tpu.dma_semaphore, #tpu.memory_space<semaphore_mem>> -> memref<1x!tpu.dma_semaphore, #tpu.memory_space<semaphore_mem>>
      %dma_wait3A_1530 = tpu.memref_squeeze %dma_wait3A_1529 : memref<1x!tpu.dma_semaphore, #tpu.memory_space<semaphore_mem>> -> memref<!tpu.dma_semaphore, #tpu.memory_space<semaphore_mem>>
      %dma_wait3A_1531 = arith.constant 0 : i32
      %dma_wait3A_1532 = tpu.memref_slice %arg6[%dma_wait3A_1519, %dma_wait3A_1531] : memref<5x40xi32, #tpu.memory_space<vmem>> -> memref<1x40xi32, #tpu.memory_space<vmem>>
      %dma_wait3A_1533 = tpu.memref_squeeze %dma_wait3A_1532 : memref<1x40xi32, #tpu.memory_space<vmem>> -> memref<40xi32, #tpu.memory_space<vmem>>
      %dma_wait3A_1534 = arith.constant 0 : i32
      %dma_wait3A_1535 = tpu.memref_slice %arg3[%dma_wait3A_1518, %dma_wait3A_1534] : memref<2x160000xi32, #tpu.memory_space<hbm>> -> memref<1x160000xi32, #tpu.memory_space<hbm>>
      %dma_wait3A_1536 = tpu.memref_squeeze %dma_wait3A_1535 : memref<1x160000xi32, #tpu.memory_space<hbm>> -> memref<160000xi32, #tpu.memory_space<hbm>>
      %dma_wait3A_1537 = arith.constant 0 : i32
      %dma_wait3A_1538 = tpu.memref_slice %dma_wait3A_1536[%dma_wait3A_1537] : memref<160000xi32, #tpu.memory_space<hbm>> -> memref<40xi32, #tpu.memory_space<hbm>>
      tpu.wait_dma2 semaphore(%dma_wait3A_1530 : memref<!tpu.dma_semaphore, #tpu.memory_space<semaphore_mem>>) src(%dma_wait3A_1538 : memref<40xi32, #tpu.memory_space<hbm>>) dst(%dma_wait3A_1533 : memref<40xi32, #tpu.memory_space<vmem>>)
      %mul3A_1539 = arith.constant 10000 : i32
      %mul3A_1540 = arith.muli %arg0, %mul3A_1539 : i32
      %dma_start3A_1541 = arith.constant 3 : i32
      %dma_start3A_1542 = arith.constant 3 : i32
      %dma_start3A_1543 = arith.constant 3 : i32
      %dma_start3A_1544 = arith.constant 0 : i32
      %dma_start3A_1545 = arith.constant 0 : i32
      %dma_start3A_1546 = tpu.memref_slice %arg8[%dma_start3A_1542, %dma_start3A_1544, %dma_start3A_1545] : memref<5x40x128xf32, #tpu.memory_space<vmem>> -> memref<1x40x128xf32, #tpu.memory_space<vmem>>
      %dma_start3A_1547 = tpu.memref_squeeze %dma_start3A_1546 : memref<1x40x128xf32, #tpu.memory_space<vmem>> -> memref<40x128xf32, #tpu.memory_space<vmem>>
      %dma_start3A_1548 = arith.constant 0 : i32
      %dma_start3A_1549 = tpu.memref_slice %arg6[%dma_start3A_1541, %dma_start3A_1548] : memref<5x40xi32, #tpu.memory_space<vmem>> -> memref<1x40xi32, #tpu.memory_space<vmem>>
      %dma_start3A_1550 = tpu.memref_squeeze %dma_start3A_1549 : memref<1x40xi32, #tpu.memory_space<vmem>> -> memref<40xi32, #tpu.memory_space<vmem>>
      %dma_start3A_1551 = arith.constant 0 : i32
      %dma_start3A_1552 = tpu.memref_slice %arg2[%mul3A_1540, %dma_start3A_1551] : memref<20000x128xf32, #tpu.memory_space<hbm>> -> memref<10000x128xf32, #tpu.memory_space<hbm>>
      %dma_start3A_1553 = arith.constant 0 : i32
      %dma_start3A_1554 = arith.constant 0 : i32
      %dma_start3A_1555 = tpu.memref_slice %dma_start3A_1552[%dma_start3A_1553, %dma_start3A_1554] : memref<10000x128xf32, #tpu.memory_space<hbm>> -> memref<10000x128xf32, #tpu.memory_space<hbm>>
      %dma_start3A_1556 = tpu.memref_slice %arg10[%dma_start3A_1543] : memref<5x!tpu.dma_semaphore, #tpu.memory_space<semaphore_mem>> -> memref<1x!tpu.dma_semaphore, #tpu.memory_space<semaphore_mem>>
      %dma_start3A_1557 = tpu.memref_squeeze %dma_start3A_1556 : memref<1x!tpu.dma_semaphore, #tpu.memory_space<semaphore_mem>> -> memref<!tpu.dma_semaphore, #tpu.memory_space<semaphore_mem>>
      tpu.enqueue_indirect_dma source(%dma_start3A_1555 : memref<10000x128xf32, #tpu.memory_space<hbm>>) target(%dma_start3A_1547 : memref<40x128xf32, #tpu.memory_space<vmem>>) offsets(%dma_start3A_1550 : memref<40xi32, #tpu.memory_space<vmem>>) semaphore(%dma_start3A_1557 : memref<!tpu.dma_semaphore, #tpu.memory_space<semaphore_mem>>)
      %dma_wait3A_1558 = arith.constant 4 : i32
      %dma_wait3A_1559 = arith.constant 4 : i32
      %dma_wait3A_1560 = arith.constant 0 : i32
      %dma_wait3A_1561 = arith.constant 0 : i32
      %dma_wait3A_1562 = tpu.memref_slice %arg8[%dma_wait3A_1558, %dma_wait3A_1560, %dma_wait3A_1561] : memref<5x40x128xf32, #tpu.memory_space<vmem>> -> memref<1x40x128xf32, #tpu.memory_space<vmem>>
      %dma_wait3A_1563 = tpu.memref_squeeze %dma_wait3A_1562 : memref<1x40x128xf32, #tpu.memory_space<vmem>> -> memref<40x128xf32, #tpu.memory_space<vmem>>
      %dma_wait3A_1564 = arith.constant 0 : i32
      %dma_wait3A_1565 = arith.constant 0 : i32
      %dma_wait3A_1566 = tpu.memref_slice %arg2[%dma_wait3A_1564, %dma_wait3A_1565] : memref<20000x128xf32, #tpu.memory_space<hbm>> -> memref<40x128xf32, #tpu.memory_space<hbm>>
      %dma_wait3A_1567 = tpu.memref_slice %arg11[%dma_wait3A_1559] : memref<5x!tpu.dma_semaphore, #tpu.memory_space<semaphore_mem>> -> memref<1x!tpu.dma_semaphore, #tpu.memory_space<semaphore_mem>>
      %dma_wait3A_1568 = tpu.memref_squeeze %dma_wait3A_1567 : memref<1x!tpu.dma_semaphore, #tpu.memory_space<semaphore_mem>> -> memref<!tpu.dma_semaphore, #tpu.memory_space<semaphore_mem>>
      %dma_wait3A_1569 = arith.constant 0 : i32
      %dma_wait3A_1570 = arith.constant 0 : i32
      %dma_wait3A_1571 = tpu.memref_slice %arg8[%dma_wait3A_1558, %dma_wait3A_1569, %dma_wait3A_1570] : memref<5x40x128xf32, #tpu.memory_space<vmem>> -> memref<1x40x128xf32, #tpu.memory_space<vmem>>
      %dma_wait3A_1572 = tpu.memref_squeeze %dma_wait3A_1571 : memref<1x40x128xf32, #tpu.memory_space<vmem>> -> memref<40x128xf32, #tpu.memory_space<vmem>>
      %dma_wait3A_1573 = arith.constant 0 : i32
      %dma_wait3A_1574 = arith.constant 0 : i32
      %dma_wait3A_1575 = tpu.memref_slice %arg2[%dma_wait3A_1573, %dma_wait3A_1574] : memref<20000x128xf32, #tpu.memory_space<hbm>> -> memref<40x128xf32, #tpu.memory_space<hbm>>
      tpu.wait_dma2 semaphore(%dma_wait3A_1568 : memref<!tpu.dma_semaphore, #tpu.memory_space<semaphore_mem>>) src(%dma_wait3A_1575 : memref<40x128xf32, #tpu.memory_space<hbm>>) dst(%dma_wait3A_1572 : memref<40x128xf32, #tpu.memory_space<vmem>>)
      %add3A_1576 = arith.constant 4 : i32
      %add3A_1577 = arith.addi %mul3A_803, %add3A_1576 : i32
      %add3A_1578 = arith.constant 5 : i32
      %add3A_1579 = arith.addi %add3A_1577, %add3A_1578 : i32
      %mul3A_1580 = arith.constant 10000 : i32
      %mul3A_1581 = arith.muli %arg1, %mul3A_1580 : i32
      %mul3A_1582 = arith.constant 40 : i32
      %mul3A_1583 = arith.muli %add3A_1579, %mul3A_1582 : i32
      %add3A_1584 = arith.addi %mul3A_1581, %mul3A_1583 : i32
      %dma_start3A_1585 = arith.constant 1 : i32
      %dma_start3A_1586 = arith.constant 4 : i32
      %dma_start3A_1587 = arith.constant 4 : i32
      %dma_start3A_1588 = arith.constant 0 : i32
      %dma_start3A_1589 = tpu.memref_slice %arg7[%dma_start3A_1586, %dma_start3A_1588] : memref<5x40xi32, #tpu.memory_space<vmem>> -> memref<1x40xi32, #tpu.memory_space<vmem>>
      %dma_start3A_1590 = tpu.memref_squeeze %dma_start3A_1589 : memref<1x40xi32, #tpu.memory_space<vmem>> -> memref<40xi32, #tpu.memory_space<vmem>>
      %dma_start3A_1591 = arith.constant 0 : i32
      %dma_start3A_1592 = tpu.memref_slice %arg3[%dma_start3A_1585, %dma_start3A_1591] : memref<2x160000xi32, #tpu.memory_space<hbm>> -> memref<1x160000xi32, #tpu.memory_space<hbm>>
      %dma_start3A_1593 = tpu.memref_squeeze %dma_start3A_1592 : memref<1x160000xi32, #tpu.memory_space<hbm>> -> memref<160000xi32, #tpu.memory_space<hbm>>
      %dma_start3A_1594 = tpu.memref_slice %dma_start3A_1593[%add3A_1584] : memref<160000xi32, #tpu.memory_space<hbm>> -> memref<40xi32, #tpu.memory_space<hbm>>
      %dma_start3A_1595 = tpu.memref_slice %arg13[%dma_start3A_1587] : memref<5x!tpu.dma_semaphore, #tpu.memory_space<semaphore_mem>> -> memref<1x!tpu.dma_semaphore, #tpu.memory_space<semaphore_mem>>
      %dma_start3A_1596 = tpu.memref_squeeze %dma_start3A_1595 : memref<1x!tpu.dma_semaphore, #tpu.memory_space<semaphore_mem>> -> memref<!tpu.dma_semaphore, #tpu.memory_space<semaphore_mem>>
      %dma_start3A_1597 = arith.constant 0 : i32
      %dma_start3A_1598 = tpu.memref_slice %arg7[%dma_start3A_1586, %dma_start3A_1597] : memref<5x40xi32, #tpu.memory_space<vmem>> -> memref<1x40xi32, #tpu.memory_space<vmem>>
      %dma_start3A_1599 = tpu.memref_squeeze %dma_start3A_1598 : memref<1x40xi32, #tpu.memory_space<vmem>> -> memref<40xi32, #tpu.memory_space<vmem>>
      %dma_start3A_1600 = arith.constant 0 : i32
      %dma_start3A_1601 = tpu.memref_slice %arg3[%dma_start3A_1585, %dma_start3A_1600] : memref<2x160000xi32, #tpu.memory_space<hbm>> -> memref<1x160000xi32, #tpu.memory_space<hbm>>
      %dma_start3A_1602 = tpu.memref_squeeze %dma_start3A_1601 : memref<1x160000xi32, #tpu.memory_space<hbm>> -> memref<160000xi32, #tpu.memory_space<hbm>>
      %dma_start3A_1603 = tpu.memref_slice %dma_start3A_1602[%add3A_1584] : memref<160000xi32, #tpu.memory_space<hbm>> -> memref<40xi32, #tpu.memory_space<hbm>>
      tpu.enqueue_dma source(%dma_start3A_1603 : memref<40xi32, #tpu.memory_space<hbm>>) target(%dma_start3A_1599 : memref<40xi32, #tpu.memory_space<vmem>>) target_semaphore(%dma_start3A_1596 : memref<!tpu.dma_semaphore, #tpu.memory_space<semaphore_mem>>)
      %dma_wait3A_1604 = arith.constant 0 : i32
      %dma_wait3A_1605 = arith.constant 4 : i32
      %dma_wait3A_1606 = arith.constant 4 : i32
      %dma_wait3A_1607 = arith.constant 0 : i32
      %dma_wait3A_1608 = tpu.memref_slice %arg6[%dma_wait3A_1605, %dma_wait3A_1607] : memref<5x40xi32, #tpu.memory_space<vmem>> -> memref<1x40xi32, #tpu.memory_space<vmem>>
      %dma_wait3A_1609 = tpu.memref_squeeze %dma_wait3A_1608 : memref<1x40xi32, #tpu.memory_space<vmem>> -> memref<40xi32, #tpu.memory_space<vmem>>
      %dma_wait3A_1610 = arith.constant 0 : i32
      %dma_wait3A_1611 = tpu.memref_slice %arg3[%dma_wait3A_1604, %dma_wait3A_1610] : memref<2x160000xi32, #tpu.memory_space<hbm>> -> memref<1x160000xi32, #tpu.memory_space<hbm>>
      %dma_wait3A_1612 = tpu.memref_squeeze %dma_wait3A_1611 : memref<1x160000xi32, #tpu.memory_space<hbm>> -> memref<160000xi32, #tpu.memory_space<hbm>>
      %dma_wait3A_1613 = arith.constant 0 : i32
      %dma_wait3A_1614 = tpu.memref_slice %dma_wait3A_1612[%dma_wait3A_1613] : memref<160000xi32, #tpu.memory_space<hbm>> -> memref<40xi32, #tpu.memory_space<hbm>>
      %dma_wait3A_1615 = tpu.memref_slice %arg12[%dma_wait3A_1606] : memref<5x!tpu.dma_semaphore, #tpu.memory_space<semaphore_mem>> -> memref<1x!tpu.dma_semaphore, #tpu.memory_space<semaphore_mem>>
      %dma_wait3A_1616 = tpu.memref_squeeze %dma_wait3A_1615 : memref<1x!tpu.dma_semaphore, #tpu.memory_space<semaphore_mem>> -> memref<!tpu.dma_semaphore, #tpu.memory_space<semaphore_mem>>
      %dma_wait3A_1617 = arith.constant 0 : i32
      %dma_wait3A_1618 = tpu.memref_slice %arg6[%dma_wait3A_1605, %dma_wait3A_1617] : memref<5x40xi32, #tpu.memory_space<vmem>> -> memref<1x40xi32, #tpu.memory_space<vmem>>
      %dma_wait3A_1619 = tpu.memref_squeeze %dma_wait3A_1618 : memref<1x40xi32, #tpu.memory_space<vmem>> -> memref<40xi32, #tpu.memory_space<vmem>>
      %dma_wait3A_1620 = arith.constant 0 : i32
      %dma_wait3A_1621 = tpu.memref_slice %arg3[%dma_wait3A_1604, %dma_wait3A_1620] : memref<2x160000xi32, #tpu.memory_space<hbm>> -> memref<1x160000xi32, #tpu.memory_space<hbm>>
      %dma_wait3A_1622 = tpu.memref_squeeze %dma_wait3A_1621 : memref<1x160000xi32, #tpu.memory_space<hbm>> -> memref<160000xi32, #tpu.memory_space<hbm>>
      %dma_wait3A_1623 = arith.constant 0 : i32
      %dma_wait3A_1624 = tpu.memref_slice %dma_wait3A_1622[%dma_wait3A_1623] : memref<160000xi32, #tpu.memory_space<hbm>> -> memref<40xi32, #tpu.memory_space<hbm>>
      tpu.wait_dma2 semaphore(%dma_wait3A_1616 : memref<!tpu.dma_semaphore, #tpu.memory_space<semaphore_mem>>) src(%dma_wait3A_1624 : memref<40xi32, #tpu.memory_space<hbm>>) dst(%dma_wait3A_1619 : memref<40xi32, #tpu.memory_space<vmem>>)
      %mul3A_1625 = arith.constant 10000 : i32
      %mul3A_1626 = arith.muli %arg0, %mul3A_1625 : i32
      %dma_start3A_1627 = arith.constant 4 : i32
      %dma_start3A_1628 = arith.constant 4 : i32
      %dma_start3A_1629 = arith.constant 4 : i32
      %dma_start3A_1630 = arith.constant 0 : i32
      %dma_start3A_1631 = arith.constant 0 : i32
      %dma_start3A_1632 = tpu.memref_slice %arg8[%dma_start3A_1628, %dma_start3A_1630, %dma_start3A_1631] : memref<5x40x128xf32, #tpu.memory_space<vmem>> -> memref<1x40x128xf32, #tpu.memory_space<vmem>>
      %dma_start3A_1633 = tpu.memref_squeeze %dma_start3A_1632 : memref<1x40x128xf32, #tpu.memory_space<vmem>> -> memref<40x128xf32, #tpu.memory_space<vmem>>
      %dma_start3A_1634 = arith.constant 0 : i32
      %dma_start3A_1635 = tpu.memref_slice %arg6[%dma_start3A_1627, %dma_start3A_1634] : memref<5x40xi32, #tpu.memory_space<vmem>> -> memref<1x40xi32, #tpu.memory_space<vmem>>
      %dma_start3A_1636 = tpu.memref_squeeze %dma_start3A_1635 : memref<1x40xi32, #tpu.memory_space<vmem>> -> memref<40xi32, #tpu.memory_space<vmem>>
      %dma_start3A_1637 = arith.constant 0 : i32
      %dma_start3A_1638 = tpu.memref_slice %arg2[%mul3A_1626, %dma_start3A_1637] : memref<20000x128xf32, #tpu.memory_space<hbm>> -> memref<10000x128xf32, #tpu.memory_space<hbm>>
      %dma_start3A_1639 = arith.constant 0 : i32
      %dma_start3A_1640 = arith.constant 0 : i32
      %dma_start3A_1641 = tpu.memref_slice %dma_start3A_1638[%dma_start3A_1639, %dma_start3A_1640] : memref<10000x128xf32, #tpu.memory_space<hbm>> -> memref<10000x128xf32, #tpu.memory_space<hbm>>
      %dma_start3A_1642 = tpu.memref_slice %arg10[%dma_start3A_1629] : memref<5x!tpu.dma_semaphore, #tpu.memory_space<semaphore_mem>> -> memref<1x!tpu.dma_semaphore, #tpu.memory_space<semaphore_mem>>
      %dma_start3A_1643 = tpu.memref_squeeze %dma_start3A_1642 : memref<1x!tpu.dma_semaphore, #tpu.memory_space<semaphore_mem>> -> memref<!tpu.dma_semaphore, #tpu.memory_space<semaphore_mem>>
      tpu.enqueue_indirect_dma source(%dma_start3A_1641 : memref<10000x128xf32, #tpu.memory_space<hbm>>) target(%dma_start3A_1633 : memref<40x128xf32, #tpu.memory_space<vmem>>) offsets(%dma_start3A_1636 : memref<40xi32, #tpu.memory_space<vmem>>) semaphore(%dma_start3A_1643 : memref<!tpu.dma_semaphore, #tpu.memory_space<semaphore_mem>>)
    }
    %scan3A_432 = arith.constant 49 : i32
    %dma_wait3A_433 = arith.constant 0 : i32
    %dma_wait3A_434 = arith.constant 0 : i32
    %dma_wait3A_435 = arith.constant 0 : i32
    %dma_wait3A_436 = arith.constant 0 : i32
    %dma_wait3A_437 = tpu.memref_slice %arg8[%dma_wait3A_433, %dma_wait3A_435, %dma_wait3A_436] : memref<5x40x128xf32, #tpu.memory_space<vmem>> -> memref<1x40x128xf32, #tpu.memory_space<vmem>>
    %dma_wait3A_438 = tpu.memref_squeeze %dma_wait3A_437 : memref<1x40x128xf32, #tpu.memory_space<vmem>> -> memref<40x128xf32, #tpu.memory_space<vmem>>
    %dma_wait3A_439 = arith.constant 0 : i32
    %dma_wait3A_440 = arith.constant 0 : i32
    %dma_wait3A_441 = tpu.memref_slice %arg2[%dma_wait3A_439, %dma_wait3A_440] : memref<20000x128xf32, #tpu.memory_space<hbm>> -> memref<40x128xf32, #tpu.memory_space<hbm>>
    %dma_wait3A_442 = tpu.memref_slice %arg10[%dma_wait3A_434] : memref<5x!tpu.dma_semaphore, #tpu.memory_space<semaphore_mem>> -> memref<1x!tpu.dma_semaphore, #tpu.memory_space<semaphore_mem>>
    %dma_wait3A_443 = tpu.memref_squeeze %dma_wait3A_442 : memref<1x!tpu.dma_semaphore, #tpu.memory_space<semaphore_mem>> -> memref<!tpu.dma_semaphore, #tpu.memory_space<semaphore_mem>>
    %dma_wait3A_444 = arith.constant 0 : i32
    %dma_wait3A_445 = arith.constant 0 : i32
    %dma_wait3A_446 = tpu.memref_slice %arg8[%dma_wait3A_433, %dma_wait3A_444, %dma_wait3A_445] : memref<5x40x128xf32, #tpu.memory_space<vmem>> -> memref<1x40x128xf32, #tpu.memory_space<vmem>>
    %dma_wait3A_447 = tpu.memref_squeeze %dma_wait3A_446 : memref<1x40x128xf32, #tpu.memory_space<vmem>> -> memref<40x128xf32, #tpu.memory_space<vmem>>
    %dma_wait3A_448 = arith.constant 0 : i32
    %dma_wait3A_449 = arith.constant 0 : i32
    %dma_wait3A_450 = tpu.memref_slice %arg2[%dma_wait3A_448, %dma_wait3A_449] : memref<20000x128xf32, #tpu.memory_space<hbm>> -> memref<40x128xf32, #tpu.memory_space<hbm>>
    tpu.wait_dma2 semaphore(%dma_wait3A_443 : memref<!tpu.dma_semaphore, #tpu.memory_space<semaphore_mem>>) src(%dma_wait3A_450 : memref<40x128xf32, #tpu.memory_space<hbm>>) dst(%dma_wait3A_447 : memref<40x128xf32, #tpu.memory_space<vmem>>)
    %dma_wait3A_451 = arith.constant 0 : i32
    %dma_wait3A_452 = arith.constant 0 : i32
    %dma_wait3A_453 = arith.constant 0 : i32
    %dma_wait3A_454 = arith.constant 0 : i32
    %dma_wait3A_455 = tpu.memref_slice %arg6[%dma_wait3A_452, %dma_wait3A_454] : memref<5x40xi32, #tpu.memory_space<vmem>> -> memref<1x40xi32, #tpu.memory_space<vmem>>
    %dma_wait3A_456 = tpu.memref_squeeze %dma_wait3A_455 : memref<1x40xi32, #tpu.memory_space<vmem>> -> memref<40xi32, #tpu.memory_space<vmem>>
    %dma_wait3A_457 = arith.constant 0 : i32
    %dma_wait3A_458 = tpu.memref_slice %arg3[%dma_wait3A_451, %dma_wait3A_457] : memref<2x160000xi32, #tpu.memory_space<hbm>> -> memref<1x160000xi32, #tpu.memory_space<hbm>>
    %dma_wait3A_459 = tpu.memref_squeeze %dma_wait3A_458 : memref<1x160000xi32, #tpu.memory_space<hbm>> -> memref<160000xi32, #tpu.memory_space<hbm>>
    %dma_wait3A_460 = arith.constant 0 : i32
    %dma_wait3A_461 = tpu.memref_slice %dma_wait3A_459[%dma_wait3A_460] : memref<160000xi32, #tpu.memory_space<hbm>> -> memref<40xi32, #tpu.memory_space<hbm>>
    %dma_wait3A_462 = tpu.memref_slice %arg13[%dma_wait3A_453] : memref<5x!tpu.dma_semaphore, #tpu.memory_space<semaphore_mem>> -> memref<1x!tpu.dma_semaphore, #tpu.memory_space<semaphore_mem>>
    %dma_wait3A_463 = tpu.memref_squeeze %dma_wait3A_462 : memref<1x!tpu.dma_semaphore, #tpu.memory_space<semaphore_mem>> -> memref<!tpu.dma_semaphore, #tpu.memory_space<semaphore_mem>>
    %dma_wait3A_464 = arith.constant 0 : i32
    %dma_wait3A_465 = tpu.memref_slice %arg6[%dma_wait3A_452, %dma_wait3A_464] : memref<5x40xi32, #tpu.memory_space<vmem>> -> memref<1x40xi32, #tpu.memory_space<vmem>>
    %dma_wait3A_466 = tpu.memref_squeeze %dma_wait3A_465 : memref<1x40xi32, #tpu.memory_space<vmem>> -> memref<40xi32, #tpu.memory_space<vmem>>
    %dma_wait3A_467 = arith.constant 0 : i32
    %dma_wait3A_468 = tpu.memref_slice %arg3[%dma_wait3A_451, %dma_wait3A_467] : memref<2x160000xi32, #tpu.memory_space<hbm>> -> memref<1x160000xi32, #tpu.memory_space<hbm>>
    %dma_wait3A_469 = tpu.memref_squeeze %dma_wait3A_468 : memref<1x160000xi32, #tpu.memory_space<hbm>> -> memref<160000xi32, #tpu.memory_space<hbm>>
    %dma_wait3A_470 = arith.constant 0 : i32
    %dma_wait3A_471 = tpu.memref_slice %dma_wait3A_469[%dma_wait3A_470] : memref<160000xi32, #tpu.memory_space<hbm>> -> memref<40xi32, #tpu.memory_space<hbm>>
    tpu.wait_dma2 semaphore(%dma_wait3A_463 : memref<!tpu.dma_semaphore, #tpu.memory_space<semaphore_mem>>) src(%dma_wait3A_471 : memref<40xi32, #tpu.memory_space<hbm>>) dst(%dma_wait3A_466 : memref<40xi32, #tpu.memory_space<vmem>>)
    %dma_start3A_472 = arith.constant 0 : i32
    %dma_start3A_473 = arith.constant 0 : i32
    %dma_start3A_474 = arith.constant 0 : i32
    %dma_start3A_475 = arith.constant 0 : i32
    %dma_start3A_476 = arith.constant 0 : i32
    %dma_start3A_477 = tpu.memref_slice %arg8[%dma_start3A_472, %dma_start3A_475, %dma_start3A_476] : memref<5x40x128xf32, #tpu.memory_space<vmem>> -> memref<1x40x128xf32, #tpu.memory_space<vmem>>
    %dma_start3A_478 = tpu.memref_squeeze %dma_start3A_477 : memref<1x40x128xf32, #tpu.memory_space<vmem>> -> memref<40x128xf32, #tpu.memory_space<vmem>>
    %dma_start3A_479 = arith.constant 0 : i32
    %dma_start3A_480 = tpu.memref_slice %arg7[%dma_start3A_473, %dma_start3A_479] : memref<5x40xi32, #tpu.memory_space<vmem>> -> memref<1x40xi32, #tpu.memory_space<vmem>>
    %dma_start3A_481 = tpu.memref_squeeze %dma_start3A_480 : memref<1x40xi32, #tpu.memory_space<vmem>> -> memref<40xi32, #tpu.memory_space<vmem>>
    %dma_start3A_482 = arith.constant 0 : i32
    %dma_start3A_483 = arith.constant 0 : i32
    %dma_start3A_484 = tpu.memref_slice %arg9[%dma_start3A_482, %dma_start3A_483] : memref<10000x128xf32, #tpu.memory_space<vmem_shared>> -> memref<10000x128xf32, #tpu.memory_space<vmem_shared>>
    %dma_start3A_485 = tpu.memref_slice %arg11[%dma_start3A_474] : memref<5x!tpu.dma_semaphore, #tpu.memory_space<semaphore_mem>> -> memref<1x!tpu.dma_semaphore, #tpu.memory_space<semaphore_mem>>
    %dma_start3A_486 = tpu.memref_squeeze %dma_start3A_485 : memref<1x!tpu.dma_semaphore, #tpu.memory_space<semaphore_mem>> -> memref<!tpu.dma_semaphore, #tpu.memory_space<semaphore_mem>>
    tpu.enqueue_indirect_dma source(%dma_start3A_478 : memref<40x128xf32, #tpu.memory_space<vmem>>) target(%dma_start3A_484 : memref<10000x128xf32, #tpu.memory_space<vmem_shared>>) offsets(%dma_start3A_481 : memref<40xi32, #tpu.memory_space<vmem>>) semaphore(%dma_start3A_486 : memref<!tpu.dma_semaphore, #tpu.memory_space<semaphore_mem>>) {add = true}
    %dma_wait3A_487 = arith.constant 1 : i32
    %dma_wait3A_488 = arith.constant 1 : i32
    %dma_wait3A_489 = arith.constant 0 : i32
    %dma_wait3A_490 = arith.constant 0 : i32
    %dma_wait3A_491 = tpu.memref_slice %arg8[%dma_wait3A_487, %dma_wait3A_489, %dma_wait3A_490] : memref<5x40x128xf32, #tpu.memory_space<vmem>> -> memref<1x40x128xf32, #tpu.memory_space<vmem>>
    %dma_wait3A_492 = tpu.memref_squeeze %dma_wait3A_491 : memref<1x40x128xf32, #tpu.memory_space<vmem>> -> memref<40x128xf32, #tpu.memory_space<vmem>>
    %dma_wait3A_493 = arith.constant 0 : i32
    %dma_wait3A_494 = arith.constant 0 : i32
    %dma_wait3A_495 = tpu.memref_slice %arg2[%dma_wait3A_493, %dma_wait3A_494] : memref<20000x128xf32, #tpu.memory_space<hbm>> -> memref<40x128xf32, #tpu.memory_space<hbm>>
    %dma_wait3A_496 = tpu.memref_slice %arg10[%dma_wait3A_488] : memref<5x!tpu.dma_semaphore, #tpu.memory_space<semaphore_mem>> -> memref<1x!tpu.dma_semaphore, #tpu.memory_space<semaphore_mem>>
    %dma_wait3A_497 = tpu.memref_squeeze %dma_wait3A_496 : memref<1x!tpu.dma_semaphore, #tpu.memory_space<semaphore_mem>> -> memref<!tpu.dma_semaphore, #tpu.memory_space<semaphore_mem>>
    %dma_wait3A_498 = arith.constant 0 : i32
    %dma_wait3A_499 = arith.constant 0 : i32
    %dma_wait3A_500 = tpu.memref_slice %arg8[%dma_wait3A_487, %dma_wait3A_498, %dma_wait3A_499] : memref<5x40x128xf32, #tpu.memory_space<vmem>> -> memref<1x40x128xf32, #tpu.memory_space<vmem>>
    %dma_wait3A_501 = tpu.memref_squeeze %dma_wait3A_500 : memref<1x40x128xf32, #tpu.memory_space<vmem>> -> memref<40x128xf32, #tpu.memory_space<vmem>>
    %dma_wait3A_502 = arith.constant 0 : i32
    %dma_wait3A_503 = arith.constant 0 : i32
    %dma_wait3A_504 = tpu.memref_slice %arg2[%dma_wait3A_502, %dma_wait3A_503] : memref<20000x128xf32, #tpu.memory_space<hbm>> -> memref<40x128xf32, #tpu.memory_space<hbm>>
    tpu.wait_dma2 semaphore(%dma_wait3A_497 : memref<!tpu.dma_semaphore, #tpu.memory_space<semaphore_mem>>) src(%dma_wait3A_504 : memref<40x128xf32, #tpu.memory_space<hbm>>) dst(%dma_wait3A_501 : memref<40x128xf32, #tpu.memory_space<vmem>>)
    %dma_wait3A_505 = arith.constant 0 : i32
    %dma_wait3A_506 = arith.constant 1 : i32
    %dma_wait3A_507 = arith.constant 1 : i32
    %dma_wait3A_508 = arith.constant 0 : i32
    %dma_wait3A_509 = tpu.memref_slice %arg6[%dma_wait3A_506, %dma_wait3A_508] : memref<5x40xi32, #tpu.memory_space<vmem>> -> memref<1x40xi32, #tpu.memory_space<vmem>>
    %dma_wait3A_510 = tpu.memref_squeeze %dma_wait3A_509 : memref<1x40xi32, #tpu.memory_space<vmem>> -> memref<40xi32, #tpu.memory_space<vmem>>
    %dma_wait3A_511 = arith.constant 0 : i32
    %dma_wait3A_512 = tpu.memref_slice %arg3[%dma_wait3A_505, %dma_wait3A_511] : memref<2x160000xi32, #tpu.memory_space<hbm>> -> memref<1x160000xi32, #tpu.memory_space<hbm>>
    %dma_wait3A_513 = tpu.memref_squeeze %dma_wait3A_512 : memref<1x160000xi32, #tpu.memory_space<hbm>> -> memref<160000xi32, #tpu.memory_space<hbm>>
    %dma_wait3A_514 = arith.constant 0 : i32
    %dma_wait3A_515 = tpu.memref_slice %dma_wait3A_513[%dma_wait3A_514] : memref<160000xi32, #tpu.memory_space<hbm>> -> memref<40xi32, #tpu.memory_space<hbm>>
    %dma_wait3A_516 = tpu.memref_slice %arg13[%dma_wait3A_507] : memref<5x!tpu.dma_semaphore, #tpu.memory_space<semaphore_mem>> -> memref<1x!tpu.dma_semaphore, #tpu.memory_space<semaphore_mem>>
    %dma_wait3A_517 = tpu.memref_squeeze %dma_wait3A_516 : memref<1x!tpu.dma_semaphore, #tpu.memory_space<semaphore_mem>> -> memref<!tpu.dma_semaphore, #tpu.memory_space<semaphore_mem>>
    %dma_wait3A_518 = arith.constant 0 : i32
    %dma_wait3A_519 = tpu.memref_slice %arg6[%dma_wait3A_506, %dma_wait3A_518] : memref<5x40xi32, #tpu.memory_space<vmem>> -> memref<1x40xi32, #tpu.memory_space<vmem>>
    %dma_wait3A_520 = tpu.memref_squeeze %dma_wait3A_519 : memref<1x40xi32, #tpu.memory_space<vmem>> -> memref<40xi32, #tpu.memory_space<vmem>>
    %dma_wait3A_521 = arith.constant 0 : i32
    %dma_wait3A_522 = tpu.memref_slice %arg3[%dma_wait3A_505, %dma_wait3A_521] : memref<2x160000xi32, #tpu.memory_space<hbm>> -> memref<1x160000xi32, #tpu.memory_space<hbm>>
    %dma_wait3A_523 = tpu.memref_squeeze %dma_wait3A_522 : memref<1x160000xi32, #tpu.memory_space<hbm>> -> memref<160000xi32, #tpu.memory_space<hbm>>
    %dma_wait3A_524 = arith.constant 0 : i32
    %dma_wait3A_525 = tpu.memref_slice %dma_wait3A_523[%dma_wait3A_524] : memref<160000xi32, #tpu.memory_space<hbm>> -> memref<40xi32, #tpu.memory_space<hbm>>
    tpu.wait_dma2 semaphore(%dma_wait3A_517 : memref<!tpu.dma_semaphore, #tpu.memory_space<semaphore_mem>>) src(%dma_wait3A_525 : memref<40xi32, #tpu.memory_space<hbm>>) dst(%dma_wait3A_520 : memref<40xi32, #tpu.memory_space<vmem>>)
    %dma_start3A_526 = arith.constant 1 : i32
    %dma_start3A_527 = arith.constant 1 : i32
    %dma_start3A_528 = arith.constant 1 : i32
    %dma_start3A_529 = arith.constant 0 : i32
    %dma_start3A_530 = arith.constant 0 : i32
    %dma_start3A_531 = tpu.memref_slice %arg8[%dma_start3A_526, %dma_start3A_529, %dma_start3A_530] : memref<5x40x128xf32, #tpu.memory_space<vmem>> -> memref<1x40x128xf32, #tpu.memory_space<vmem>>
    %dma_start3A_532 = tpu.memref_squeeze %dma_start3A_531 : memref<1x40x128xf32, #tpu.memory_space<vmem>> -> memref<40x128xf32, #tpu.memory_space<vmem>>
    %dma_start3A_533 = arith.constant 0 : i32
    %dma_start3A_534 = tpu.memref_slice %arg7[%dma_start3A_527, %dma_start3A_533] : memref<5x40xi32, #tpu.memory_space<vmem>> -> memref<1x40xi32, #tpu.memory_space<vmem>>
    %dma_start3A_535 = tpu.memref_squeeze %dma_start3A_534 : memref<1x40xi32, #tpu.memory_space<vmem>> -> memref<40xi32, #tpu.memory_space<vmem>>
    %dma_start3A_536 = arith.constant 0 : i32
    %dma_start3A_537 = arith.constant 0 : i32
    %dma_start3A_538 = tpu.memref_slice %arg9[%dma_start3A_536, %dma_start3A_537] : memref<10000x128xf32, #tpu.memory_space<vmem_shared>> -> memref<10000x128xf32, #tpu.memory_space<vmem_shared>>
    %dma_start3A_539 = tpu.memref_slice %arg11[%dma_start3A_528] : memref<5x!tpu.dma_semaphore, #tpu.memory_space<semaphore_mem>> -> memref<1x!tpu.dma_semaphore, #tpu.memory_space<semaphore_mem>>
    %dma_start3A_540 = tpu.memref_squeeze %dma_start3A_539 : memref<1x!tpu.dma_semaphore, #tpu.memory_space<semaphore_mem>> -> memref<!tpu.dma_semaphore, #tpu.memory_space<semaphore_mem>>
    tpu.enqueue_indirect_dma source(%dma_start3A_532 : memref<40x128xf32, #tpu.memory_space<vmem>>) target(%dma_start3A_538 : memref<10000x128xf32, #tpu.memory_space<vmem_shared>>) offsets(%dma_start3A_535 : memref<40xi32, #tpu.memory_space<vmem>>) semaphore(%dma_start3A_540 : memref<!tpu.dma_semaphore, #tpu.memory_space<semaphore_mem>>) {add = true}
    %dma_wait3A_541 = arith.constant 2 : i32
    %dma_wait3A_542 = arith.constant 2 : i32
    %dma_wait3A_543 = arith.constant 0 : i32
    %dma_wait3A_544 = arith.constant 0 : i32
    %dma_wait3A_545 = tpu.memref_slice %arg8[%dma_wait3A_541, %dma_wait3A_543, %dma_wait3A_544] : memref<5x40x128xf32, #tpu.memory_space<vmem>> -> memref<1x40x128xf32, #tpu.memory_space<vmem>>
    %dma_wait3A_546 = tpu.memref_squeeze %dma_wait3A_545 : memref<1x40x128xf32, #tpu.memory_space<vmem>> -> memref<40x128xf32, #tpu.memory_space<vmem>>
    %dma_wait3A_547 = arith.constant 0 : i32
    %dma_wait3A_548 = arith.constant 0 : i32
    %dma_wait3A_549 = tpu.memref_slice %arg2[%dma_wait3A_547, %dma_wait3A_548] : memref<20000x128xf32, #tpu.memory_space<hbm>> -> memref<40x128xf32, #tpu.memory_space<hbm>>
    %dma_wait3A_550 = tpu.memref_slice %arg10[%dma_wait3A_542] : memref<5x!tpu.dma_semaphore, #tpu.memory_space<semaphore_mem>> -> memref<1x!tpu.dma_semaphore, #tpu.memory_space<semaphore_mem>>
    %dma_wait3A_551 = tpu.memref_squeeze %dma_wait3A_550 : memref<1x!tpu.dma_semaphore, #tpu.memory_space<semaphore_mem>> -> memref<!tpu.dma_semaphore, #tpu.memory_space<semaphore_mem>>
    %dma_wait3A_552 = arith.constant 0 : i32
    %dma_wait3A_553 = arith.constant 0 : i32
    %dma_wait3A_554 = tpu.memref_slice %arg8[%dma_wait3A_541, %dma_wait3A_552, %dma_wait3A_553] : memref<5x40x128xf32, #tpu.memory_space<vmem>> -> memref<1x40x128xf32, #tpu.memory_space<vmem>>
    %dma_wait3A_555 = tpu.memref_squeeze %dma_wait3A_554 : memref<1x40x128xf32, #tpu.memory_space<vmem>> -> memref<40x128xf32, #tpu.memory_space<vmem>>
    %dma_wait3A_556 = arith.constant 0 : i32
    %dma_wait3A_557 = arith.constant 0 : i32
    %dma_wait3A_558 = tpu.memref_slice %arg2[%dma_wait3A_556, %dma_wait3A_557] : memref<20000x128xf32, #tpu.memory_space<hbm>> -> memref<40x128xf32, #tpu.memory_space<hbm>>
    tpu.wait_dma2 semaphore(%dma_wait3A_551 : memref<!tpu.dma_semaphore, #tpu.memory_space<semaphore_mem>>) src(%dma_wait3A_558 : memref<40x128xf32, #tpu.memory_space<hbm>>) dst(%dma_wait3A_555 : memref<40x128xf32, #tpu.memory_space<vmem>>)
    %dma_wait3A_559 = arith.constant 0 : i32
    %dma_wait3A_560 = arith.constant 2 : i32
    %dma_wait3A_561 = arith.constant 2 : i32
    %dma_wait3A_562 = arith.constant 0 : i32
    %dma_wait3A_563 = tpu.memref_slice %arg6[%dma_wait3A_560, %dma_wait3A_562] : memref<5x40xi32, #tpu.memory_space<vmem>> -> memref<1x40xi32, #tpu.memory_space<vmem>>
    %dma_wait3A_564 = tpu.memref_squeeze %dma_wait3A_563 : memref<1x40xi32, #tpu.memory_space<vmem>> -> memref<40xi32, #tpu.memory_space<vmem>>
    %dma_wait3A_565 = arith.constant 0 : i32
    %dma_wait3A_566 = tpu.memref_slice %arg3[%dma_wait3A_559, %dma_wait3A_565] : memref<2x160000xi32, #tpu.memory_space<hbm>> -> memref<1x160000xi32, #tpu.memory_space<hbm>>
    %dma_wait3A_567 = tpu.memref_squeeze %dma_wait3A_566 : memref<1x160000xi32, #tpu.memory_space<hbm>> -> memref<160000xi32, #tpu.memory_space<hbm>>
    %dma_wait3A_568 = arith.constant 0 : i32
    %dma_wait3A_569 = tpu.memref_slice %dma_wait3A_567[%dma_wait3A_568] : memref<160000xi32, #tpu.memory_space<hbm>> -> memref<40xi32, #tpu.memory_space<hbm>>
    %dma_wait3A_570 = tpu.memref_slice %arg13[%dma_wait3A_561] : memref<5x!tpu.dma_semaphore, #tpu.memory_space<semaphore_mem>> -> memref<1x!tpu.dma_semaphore, #tpu.memory_space<semaphore_mem>>
    %dma_wait3A_571 = tpu.memref_squeeze %dma_wait3A_570 : memref<1x!tpu.dma_semaphore, #tpu.memory_space<semaphore_mem>> -> memref<!tpu.dma_semaphore, #tpu.memory_space<semaphore_mem>>
    %dma_wait3A_572 = arith.constant 0 : i32
    %dma_wait3A_573 = tpu.memref_slice %arg6[%dma_wait3A_560, %dma_wait3A_572] : memref<5x40xi32, #tpu.memory_space<vmem>> -> memref<1x40xi32, #tpu.memory_space<vmem>>
    %dma_wait3A_574 = tpu.memref_squeeze %dma_wait3A_573 : memref<1x40xi32, #tpu.memory_space<vmem>> -> memref<40xi32, #tpu.memory_space<vmem>>
    %dma_wait3A_575 = arith.constant 0 : i32
    %dma_wait3A_576 = tpu.memref_slice %arg3[%dma_wait3A_559, %dma_wait3A_575] : memref<2x160000xi32, #tpu.memory_space<hbm>> -> memref<1x160000xi32, #tpu.memory_space<hbm>>
    %dma_wait3A_577 = tpu.memref_squeeze %dma_wait3A_576 : memref<1x160000xi32, #tpu.memory_space<hbm>> -> memref<160000xi32, #tpu.memory_space<hbm>>
    %dma_wait3A_578 = arith.constant 0 : i32
    %dma_wait3A_579 = tpu.memref_slice %dma_wait3A_577[%dma_wait3A_578] : memref<160000xi32, #tpu.memory_space<hbm>> -> memref<40xi32, #tpu.memory_space<hbm>>
    tpu.wait_dma2 semaphore(%dma_wait3A_571 : memref<!tpu.dma_semaphore, #tpu.memory_space<semaphore_mem>>) src(%dma_wait3A_579 : memref<40xi32, #tpu.memory_space<hbm>>) dst(%dma_wait3A_574 : memref<40xi32, #tpu.memory_space<vmem>>)
    %dma_start3A_580 = arith.constant 2 : i32
    %dma_start3A_581 = arith.constant 2 : i32
    %dma_start3A_582 = arith.constant 2 : i32
    %dma_start3A_583 = arith.constant 0 : i32
    %dma_start3A_584 = arith.constant 0 : i32
    %dma_start3A_585 = tpu.memref_slice %arg8[%dma_start3A_580, %dma_start3A_583, %dma_start3A_584] : memref<5x40x128xf32, #tpu.memory_space<vmem>> -> memref<1x40x128xf32, #tpu.memory_space<vmem>>
    %dma_start3A_586 = tpu.memref_squeeze %dma_start3A_585 : memref<1x40x128xf32, #tpu.memory_space<vmem>> -> memref<40x128xf32, #tpu.memory_space<vmem>>
    %dma_start3A_587 = arith.constant 0 : i32
    %dma_start3A_588 = tpu.memref_slice %arg7[%dma_start3A_581, %dma_start3A_587] : memref<5x40xi32, #tpu.memory_space<vmem>> -> memref<1x40xi32, #tpu.memory_space<vmem>>
    %dma_start3A_589 = tpu.memref_squeeze %dma_start3A_588 : memref<1x40xi32, #tpu.memory_space<vmem>> -> memref<40xi32, #tpu.memory_space<vmem>>
    %dma_start3A_590 = arith.constant 0 : i32
    %dma_start3A_591 = arith.constant 0 : i32
    %dma_start3A_592 = tpu.memref_slice %arg9[%dma_start3A_590, %dma_start3A_591] : memref<10000x128xf32, #tpu.memory_space<vmem_shared>> -> memref<10000x128xf32, #tpu.memory_space<vmem_shared>>
    %dma_start3A_593 = tpu.memref_slice %arg11[%dma_start3A_582] : memref<5x!tpu.dma_semaphore, #tpu.memory_space<semaphore_mem>> -> memref<1x!tpu.dma_semaphore, #tpu.memory_space<semaphore_mem>>
    %dma_start3A_594 = tpu.memref_squeeze %dma_start3A_593 : memref<1x!tpu.dma_semaphore, #tpu.memory_space<semaphore_mem>> -> memref<!tpu.dma_semaphore, #tpu.memory_space<semaphore_mem>>
    tpu.enqueue_indirect_dma source(%dma_start3A_586 : memref<40x128xf32, #tpu.memory_space<vmem>>) target(%dma_start3A_592 : memref<10000x128xf32, #tpu.memory_space<vmem_shared>>) offsets(%dma_start3A_589 : memref<40xi32, #tpu.memory_space<vmem>>) semaphore(%dma_start3A_594 : memref<!tpu.dma_semaphore, #tpu.memory_space<semaphore_mem>>) {add = true}
    %dma_wait3A_595 = arith.constant 3 : i32
    %dma_wait3A_596 = arith.constant 3 : i32
    %dma_wait3A_597 = arith.constant 0 : i32
    %dma_wait3A_598 = arith.constant 0 : i32
    %dma_wait3A_599 = tpu.memref_slice %arg8[%dma_wait3A_595, %dma_wait3A_597, %dma_wait3A_598] : memref<5x40x128xf32, #tpu.memory_space<vmem>> -> memref<1x40x128xf32, #tpu.memory_space<vmem>>
    %dma_wait3A_600 = tpu.memref_squeeze %dma_wait3A_599 : memref<1x40x128xf32, #tpu.memory_space<vmem>> -> memref<40x128xf32, #tpu.memory_space<vmem>>
    %dma_wait3A_601 = arith.constant 0 : i32
    %dma_wait3A_602 = arith.constant 0 : i32
    %dma_wait3A_603 = tpu.memref_slice %arg2[%dma_wait3A_601, %dma_wait3A_602] : memref<20000x128xf32, #tpu.memory_space<hbm>> -> memref<40x128xf32, #tpu.memory_space<hbm>>
    %dma_wait3A_604 = tpu.memref_slice %arg10[%dma_wait3A_596] : memref<5x!tpu.dma_semaphore, #tpu.memory_space<semaphore_mem>> -> memref<1x!tpu.dma_semaphore, #tpu.memory_space<semaphore_mem>>
    %dma_wait3A_605 = tpu.memref_squeeze %dma_wait3A_604 : memref<1x!tpu.dma_semaphore, #tpu.memory_space<semaphore_mem>> -> memref<!tpu.dma_semaphore, #tpu.memory_space<semaphore_mem>>
    %dma_wait3A_606 = arith.constant 0 : i32
    %dma_wait3A_607 = arith.constant 0 : i32
    %dma_wait3A_608 = tpu.memref_slice %arg8[%dma_wait3A_595, %dma_wait3A_606, %dma_wait3A_607] : memref<5x40x128xf32, #tpu.memory_space<vmem>> -> memref<1x40x128xf32, #tpu.memory_space<vmem>>
    %dma_wait3A_609 = tpu.memref_squeeze %dma_wait3A_608 : memref<1x40x128xf32, #tpu.memory_space<vmem>> -> memref<40x128xf32, #tpu.memory_space<vmem>>
    %dma_wait3A_610 = arith.constant 0 : i32
    %dma_wait3A_611 = arith.constant 0 : i32
    %dma_wait3A_612 = tpu.memref_slice %arg2[%dma_wait3A_610, %dma_wait3A_611] : memref<20000x128xf32, #tpu.memory_space<hbm>> -> memref<40x128xf32, #tpu.memory_space<hbm>>
    tpu.wait_dma2 semaphore(%dma_wait3A_605 : memref<!tpu.dma_semaphore, #tpu.memory_space<semaphore_mem>>) src(%dma_wait3A_612 : memref<40x128xf32, #tpu.memory_space<hbm>>) dst(%dma_wait3A_609 : memref<40x128xf32, #tpu.memory_space<vmem>>)
    %dma_wait3A_613 = arith.constant 0 : i32
    %dma_wait3A_614 = arith.constant 3 : i32
    %dma_wait3A_615 = arith.constant 3 : i32
    %dma_wait3A_616 = arith.constant 0 : i32
    %dma_wait3A_617 = tpu.memref_slice %arg6[%dma_wait3A_614, %dma_wait3A_616] : memref<5x40xi32, #tpu.memory_space<vmem>> -> memref<1x40xi32, #tpu.memory_space<vmem>>
    %dma_wait3A_618 = tpu.memref_squeeze %dma_wait3A_617 : memref<1x40xi32, #tpu.memory_space<vmem>> -> memref<40xi32, #tpu.memory_space<vmem>>
    %dma_wait3A_619 = arith.constant 0 : i32
    %dma_wait3A_620 = tpu.memref_slice %arg3[%dma_wait3A_613, %dma_wait3A_619] : memref<2x160000xi32, #tpu.memory_space<hbm>> -> memref<1x160000xi32, #tpu.memory_space<hbm>>
    %dma_wait3A_621 = tpu.memref_squeeze %dma_wait3A_620 : memref<1x160000xi32, #tpu.memory_space<hbm>> -> memref<160000xi32, #tpu.memory_space<hbm>>
    %dma_wait3A_622 = arith.constant 0 : i32
    %dma_wait3A_623 = tpu.memref_slice %dma_wait3A_621[%dma_wait3A_622] : memref<160000xi32, #tpu.memory_space<hbm>> -> memref<40xi32, #tpu.memory_space<hbm>>
    %dma_wait3A_624 = tpu.memref_slice %arg13[%dma_wait3A_615] : memref<5x!tpu.dma_semaphore, #tpu.memory_space<semaphore_mem>> -> memref<1x!tpu.dma_semaphore, #tpu.memory_space<semaphore_mem>>
    %dma_wait3A_625 = tpu.memref_squeeze %dma_wait3A_624 : memref<1x!tpu.dma_semaphore, #tpu.memory_space<semaphore_mem>> -> memref<!tpu.dma_semaphore, #tpu.memory_space<semaphore_mem>>
    %dma_wait3A_626 = arith.constant 0 : i32
    %dma_wait3A_627 = tpu.memref_slice %arg6[%dma_wait3A_614, %dma_wait3A_626] : memref<5x40xi32, #tpu.memory_space<vmem>> -> memref<1x40xi32, #tpu.memory_space<vmem>>
    %dma_wait3A_628 = tpu.memref_squeeze %dma_wait3A_627 : memref<1x40xi32, #tpu.memory_space<vmem>> -> memref<40xi32, #tpu.memory_space<vmem>>
    %dma_wait3A_629 = arith.constant 0 : i32
    %dma_wait3A_630 = tpu.memref_slice %arg3[%dma_wait3A_613, %dma_wait3A_629] : memref<2x160000xi32, #tpu.memory_space<hbm>> -> memref<1x160000xi32, #tpu.memory_space<hbm>>
    %dma_wait3A_631 = tpu.memref_squeeze %dma_wait3A_630 : memref<1x160000xi32, #tpu.memory_space<hbm>> -> memref<160000xi32, #tpu.memory_space<hbm>>
    %dma_wait3A_632 = arith.constant 0 : i32
    %dma_wait3A_633 = tpu.memref_slice %dma_wait3A_631[%dma_wait3A_632] : memref<160000xi32, #tpu.memory_space<hbm>> -> memref<40xi32, #tpu.memory_space<hbm>>
    tpu.wait_dma2 semaphore(%dma_wait3A_625 : memref<!tpu.dma_semaphore, #tpu.memory_space<semaphore_mem>>) src(%dma_wait3A_633 : memref<40xi32, #tpu.memory_space<hbm>>) dst(%dma_wait3A_628 : memref<40xi32, #tpu.memory_space<vmem>>)
    %dma_start3A_634 = arith.constant 3 : i32
    %dma_start3A_635 = arith.constant 3 : i32
    %dma_start3A_636 = arith.constant 3 : i32
    %dma_start3A_637 = arith.constant 0 : i32
    %dma_start3A_638 = arith.constant 0 : i32
    %dma_start3A_639 = tpu.memref_slice %arg8[%dma_start3A_634, %dma_start3A_637, %dma_start3A_638] : memref<5x40x128xf32, #tpu.memory_space<vmem>> -> memref<1x40x128xf32, #tpu.memory_space<vmem>>
    %dma_start3A_640 = tpu.memref_squeeze %dma_start3A_639 : memref<1x40x128xf32, #tpu.memory_space<vmem>> -> memref<40x128xf32, #tpu.memory_space<vmem>>
    %dma_start3A_641 = arith.constant 0 : i32
    %dma_start3A_642 = tpu.memref_slice %arg7[%dma_start3A_635, %dma_start3A_641] : memref<5x40xi32, #tpu.memory_space<vmem>> -> memref<1x40xi32, #tpu.memory_space<vmem>>
    %dma_start3A_643 = tpu.memref_squeeze %dma_start3A_642 : memref<1x40xi32, #tpu.memory_space<vmem>> -> memref<40xi32, #tpu.memory_space<vmem>>
    %dma_start3A_644 = arith.constant 0 : i32
    %dma_start3A_645 = arith.constant 0 : i32
    %dma_start3A_646 = tpu.memref_slice %arg9[%dma_start3A_644, %dma_start3A_645] : memref<10000x128xf32, #tpu.memory_space<vmem_shared>> -> memref<10000x128xf32, #tpu.memory_space<vmem_shared>>
    %dma_start3A_647 = tpu.memref_slice %arg11[%dma_start3A_636] : memref<5x!tpu.dma_semaphore, #tpu.memory_space<semaphore_mem>> -> memref<1x!tpu.dma_semaphore, #tpu.memory_space<semaphore_mem>>
    %dma_start3A_648 = tpu.memref_squeeze %dma_start3A_647 : memref<1x!tpu.dma_semaphore, #tpu.memory_space<semaphore_mem>> -> memref<!tpu.dma_semaphore, #tpu.memory_space<semaphore_mem>>
    tpu.enqueue_indirect_dma source(%dma_start3A_640 : memref<40x128xf32, #tpu.memory_space<vmem>>) target(%dma_start3A_646 : memref<10000x128xf32, #tpu.memory_space<vmem_shared>>) offsets(%dma_start3A_643 : memref<40xi32, #tpu.memory_space<vmem>>) semaphore(%dma_start3A_648 : memref<!tpu.dma_semaphore, #tpu.memory_space<semaphore_mem>>) {add = true}
    %dma_wait3A_649 = arith.constant 4 : i32
    %dma_wait3A_650 = arith.constant 4 : i32
    %dma_wait3A_651 = arith.constant 0 : i32
    %dma_wait3A_652 = arith.constant 0 : i32
    %dma_wait3A_653 = tpu.memref_slice %arg8[%dma_wait3A_649, %dma_wait3A_651, %dma_wait3A_652] : memref<5x40x128xf32, #tpu.memory_space<vmem>> -> memref<1x40x128xf32, #tpu.memory_space<vmem>>
    %dma_wait3A_654 = tpu.memref_squeeze %dma_wait3A_653 : memref<1x40x128xf32, #tpu.memory_space<vmem>> -> memref<40x128xf32, #tpu.memory_space<vmem>>
    %dma_wait3A_655 = arith.constant 0 : i32
    %dma_wait3A_656 = arith.constant 0 : i32
    %dma_wait3A_657 = tpu.memref_slice %arg2[%dma_wait3A_655, %dma_wait3A_656] : memref<20000x128xf32, #tpu.memory_space<hbm>> -> memref<40x128xf32, #tpu.memory_space<hbm>>
    %dma_wait3A_658 = tpu.memref_slice %arg10[%dma_wait3A_650] : memref<5x!tpu.dma_semaphore, #tpu.memory_space<semaphore_mem>> -> memref<1x!tpu.dma_semaphore, #tpu.memory_space<semaphore_mem>>
    %dma_wait3A_659 = tpu.memref_squeeze %dma_wait3A_658 : memref<1x!tpu.dma_semaphore, #tpu.memory_space<semaphore_mem>> -> memref<!tpu.dma_semaphore, #tpu.memory_space<semaphore_mem>>
    %dma_wait3A_660 = arith.constant 0 : i32
    %dma_wait3A_661 = arith.constant 0 : i32
    %dma_wait3A_662 = tpu.memref_slice %arg8[%dma_wait3A_649, %dma_wait3A_660, %dma_wait3A_661] : memref<5x40x128xf32, #tpu.memory_space<vmem>> -> memref<1x40x128xf32, #tpu.memory_space<vmem>>
    %dma_wait3A_663 = tpu.memref_squeeze %dma_wait3A_662 : memref<1x40x128xf32, #tpu.memory_space<vmem>> -> memref<40x128xf32, #tpu.memory_space<vmem>>
    %dma_wait3A_664 = arith.constant 0 : i32
    %dma_wait3A_665 = arith.constant 0 : i32
    %dma_wait3A_666 = tpu.memref_slice %arg2[%dma_wait3A_664, %dma_wait3A_665] : memref<20000x128xf32, #tpu.memory_space<hbm>> -> memref<40x128xf32, #tpu.memory_space<hbm>>
    tpu.wait_dma2 semaphore(%dma_wait3A_659 : memref<!tpu.dma_semaphore, #tpu.memory_space<semaphore_mem>>) src(%dma_wait3A_666 : memref<40x128xf32, #tpu.memory_space<hbm>>) dst(%dma_wait3A_663 : memref<40x128xf32, #tpu.memory_space<vmem>>)
    %dma_wait3A_667 = arith.constant 0 : i32
    %dma_wait3A_668 = arith.constant 4 : i32
    %dma_wait3A_669 = arith.constant 4 : i32
    %dma_wait3A_670 = arith.constant 0 : i32
    %dma_wait3A_671 = tpu.memref_slice %arg6[%dma_wait3A_668, %dma_wait3A_670] : memref<5x40xi32, #tpu.memory_space<vmem>> -> memref<1x40xi32, #tpu.memory_space<vmem>>
    %dma_wait3A_672 = tpu.memref_squeeze %dma_wait3A_671 : memref<1x40xi32, #tpu.memory_space<vmem>> -> memref<40xi32, #tpu.memory_space<vmem>>
    %dma_wait3A_673 = arith.constant 0 : i32
    %dma_wait3A_674 = tpu.memref_slice %arg3[%dma_wait3A_667, %dma_wait3A_673] : memref<2x160000xi32, #tpu.memory_space<hbm>> -> memref<1x160000xi32, #tpu.memory_space<hbm>>
    %dma_wait3A_675 = tpu.memref_squeeze %dma_wait3A_674 : memref<1x160000xi32, #tpu.memory_space<hbm>> -> memref<160000xi32, #tpu.memory_space<hbm>>
    %dma_wait3A_676 = arith.constant 0 : i32
    %dma_wait3A_677 = tpu.memref_slice %dma_wait3A_675[%dma_wait3A_676] : memref<160000xi32, #tpu.memory_space<hbm>> -> memref<40xi32, #tpu.memory_space<hbm>>
    %dma_wait3A_678 = tpu.memref_slice %arg13[%dma_wait3A_669] : memref<5x!tpu.dma_semaphore, #tpu.memory_space<semaphore_mem>> -> memref<1x!tpu.dma_semaphore, #tpu.memory_space<semaphore_mem>>
    %dma_wait3A_679 = tpu.memref_squeeze %dma_wait3A_678 : memref<1x!tpu.dma_semaphore, #tpu.memory_space<semaphore_mem>> -> memref<!tpu.dma_semaphore, #tpu.memory_space<semaphore_mem>>
    %dma_wait3A_680 = arith.constant 0 : i32
    %dma_wait3A_681 = tpu.memref_slice %arg6[%dma_wait3A_668, %dma_wait3A_680] : memref<5x40xi32, #tpu.memory_space<vmem>> -> memref<1x40xi32, #tpu.memory_space<vmem>>
    %dma_wait3A_682 = tpu.memref_squeeze %dma_wait3A_681 : memref<1x40xi32, #tpu.memory_space<vmem>> -> memref<40xi32, #tpu.memory_space<vmem>>
    %dma_wait3A_683 = arith.constant 0 : i32
    %dma_wait3A_684 = tpu.memref_slice %arg3[%dma_wait3A_667, %dma_wait3A_683] : memref<2x160000xi32, #tpu.memory_space<hbm>> -> memref<1x160000xi32, #tpu.memory_space<hbm>>
    %dma_wait3A_685 = tpu.memref_squeeze %dma_wait3A_684 : memref<1x160000xi32, #tpu.memory_space<hbm>> -> memref<160000xi32, #tpu.memory_space<hbm>>
    %dma_wait3A_686 = arith.constant 0 : i32
    %dma_wait3A_687 = tpu.memref_slice %dma_wait3A_685[%dma_wait3A_686] : memref<160000xi32, #tpu.memory_space<hbm>> -> memref<40xi32, #tpu.memory_space<hbm>>
    tpu.wait_dma2 semaphore(%dma_wait3A_679 : memref<!tpu.dma_semaphore, #tpu.memory_space<semaphore_mem>>) src(%dma_wait3A_687 : memref<40xi32, #tpu.memory_space<hbm>>) dst(%dma_wait3A_682 : memref<40xi32, #tpu.memory_space<vmem>>)
    %dma_start3A_688 = arith.constant 4 : i32
    %dma_start3A_689 = arith.constant 4 : i32
    %dma_start3A_690 = arith.constant 4 : i32
    %dma_start3A_691 = arith.constant 0 : i32
    %dma_start3A_692 = arith.constant 0 : i32
    %dma_start3A_693 = tpu.memref_slice %arg8[%dma_start3A_688, %dma_start3A_691, %dma_start3A_692] : memref<5x40x128xf32, #tpu.memory_space<vmem>> -> memref<1x40x128xf32, #tpu.memory_space<vmem>>
    %dma_start3A_694 = tpu.memref_squeeze %dma_start3A_693 : memref<1x40x128xf32, #tpu.memory_space<vmem>> -> memref<40x128xf32, #tpu.memory_space<vmem>>
    %dma_start3A_695 = arith.constant 0 : i32
    %dma_start3A_696 = tpu.memref_slice %arg7[%dma_start3A_689, %dma_start3A_695] : memref<5x40xi32, #tpu.memory_space<vmem>> -> memref<1x40xi32, #tpu.memory_space<vmem>>
    %dma_start3A_697 = tpu.memref_squeeze %dma_start3A_696 : memref<1x40xi32, #tpu.memory_space<vmem>> -> memref<40xi32, #tpu.memory_space<vmem>>
    %dma_start3A_698 = arith.constant 0 : i32
    %dma_start3A_699 = arith.constant 0 : i32
    %dma_start3A_700 = tpu.memref_slice %arg9[%dma_start3A_698, %dma_start3A_699] : memref<10000x128xf32, #tpu.memory_space<vmem_shared>> -> memref<10000x128xf32, #tpu.memory_space<vmem_shared>>
    %dma_start3A_701 = tpu.memref_slice %arg11[%dma_start3A_690] : memref<5x!tpu.dma_semaphore, #tpu.memory_space<semaphore_mem>> -> memref<1x!tpu.dma_semaphore, #tpu.memory_space<semaphore_mem>>
    %dma_start3A_702 = tpu.memref_squeeze %dma_start3A_701 : memref<1x!tpu.dma_semaphore, #tpu.memory_space<semaphore_mem>> -> memref<!tpu.dma_semaphore, #tpu.memory_space<semaphore_mem>>
    tpu.enqueue_indirect_dma source(%dma_start3A_694 : memref<40x128xf32, #tpu.memory_space<vmem>>) target(%dma_start3A_700 : memref<10000x128xf32, #tpu.memory_space<vmem_shared>>) offsets(%dma_start3A_697 : memref<40xi32, #tpu.memory_space<vmem>>) semaphore(%dma_start3A_702 : memref<!tpu.dma_semaphore, #tpu.memory_space<semaphore_mem>>) {add = true}
    %dma_wait3A_703 = arith.constant 0 : i32
    %dma_wait3A_704 = arith.constant 0 : i32
    %dma_wait3A_705 = arith.constant 0 : i32
    %dma_wait3A_706 = arith.constant 0 : i32
    %dma_wait3A_707 = tpu.memref_slice %arg8[%dma_wait3A_703, %dma_wait3A_705, %dma_wait3A_706] : memref<5x40x128xf32, #tpu.memory_space<vmem>> -> memref<1x40x128xf32, #tpu.memory_space<vmem>>
    %dma_wait3A_708 = tpu.memref_squeeze %dma_wait3A_707 : memref<1x40x128xf32, #tpu.memory_space<vmem>> -> memref<40x128xf32, #tpu.memory_space<vmem>>
    %dma_wait3A_709 = arith.constant 0 : i32
    %dma_wait3A_710 = arith.constant 0 : i32
    %dma_wait3A_711 = tpu.memref_slice %arg2[%dma_wait3A_709, %dma_wait3A_710] : memref<20000x128xf32, #tpu.memory_space<hbm>> -> memref<40x128xf32, #tpu.memory_space<hbm>>
    %dma_wait3A_712 = tpu.memref_slice %arg11[%dma_wait3A_704] : memref<5x!tpu.dma_semaphore, #tpu.memory_space<semaphore_mem>> -> memref<1x!tpu.dma_semaphore, #tpu.memory_space<semaphore_mem>>
    %dma_wait3A_713 = tpu.memref_squeeze %dma_wait3A_712 : memref<1x!tpu.dma_semaphore, #tpu.memory_space<semaphore_mem>> -> memref<!tpu.dma_semaphore, #tpu.memory_space<semaphore_mem>>
    %dma_wait3A_714 = arith.constant 0 : i32
    %dma_wait3A_715 = arith.constant 0 : i32
    %dma_wait3A_716 = tpu.memref_slice %arg8[%dma_wait3A_703, %dma_wait3A_714, %dma_wait3A_715] : memref<5x40x128xf32, #tpu.memory_space<vmem>> -> memref<1x40x128xf32, #tpu.memory_space<vmem>>
    %dma_wait3A_717 = tpu.memref_squeeze %dma_wait3A_716 : memref<1x40x128xf32, #tpu.memory_space<vmem>> -> memref<40x128xf32, #tpu.memory_space<vmem>>
    %dma_wait3A_718 = arith.constant 0 : i32
    %dma_wait3A_719 = arith.constant 0 : i32
    %dma_wait3A_720 = tpu.memref_slice %arg2[%dma_wait3A_718, %dma_wait3A_719] : memref<20000x128xf32, #tpu.memory_space<hbm>> -> memref<40x128xf32, #tpu.memory_space<hbm>>
    tpu.wait_dma2 semaphore(%dma_wait3A_713 : memref<!tpu.dma_semaphore, #tpu.memory_space<semaphore_mem>>) src(%dma_wait3A_720 : memref<40x128xf32, #tpu.memory_space<hbm>>) dst(%dma_wait3A_717 : memref<40x128xf32, #tpu.memory_space<vmem>>)
    %dma_wait3A_721 = arith.constant 1 : i32
    %dma_wait3A_722 = arith.constant 1 : i32
    %dma_wait3A_723 = arith.constant 0 : i32
    %dma_wait3A_724 = arith.constant 0 : i32
    %dma_wait3A_725 = tpu.memref_slice %arg8[%dma_wait3A_721, %dma_wait3A_723, %dma_wait3A_724] : memref<5x40x128xf32, #tpu.memory_space<vmem>> -> memref<1x40x128xf32, #tpu.memory_space<vmem>>
    %dma_wait3A_726 = tpu.memref_squeeze %dma_wait3A_725 : memref<1x40x128xf32, #tpu.memory_space<vmem>> -> memref<40x128xf32, #tpu.memory_space<vmem>>
    %dma_wait3A_727 = arith.constant 0 : i32
    %dma_wait3A_728 = arith.constant 0 : i32
    %dma_wait3A_729 = tpu.memref_slice %arg2[%dma_wait3A_727, %dma_wait3A_728] : memref<20000x128xf32, #tpu.memory_space<hbm>> -> memref<40x128xf32, #tpu.memory_space<hbm>>
    %dma_wait3A_730 = tpu.memref_slice %arg11[%dma_wait3A_722] : memref<5x!tpu.dma_semaphore, #tpu.memory_space<semaphore_mem>> -> memref<1x!tpu.dma_semaphore, #tpu.memory_space<semaphore_mem>>
    %dma_wait3A_731 = tpu.memref_squeeze %dma_wait3A_730 : memref<1x!tpu.dma_semaphore, #tpu.memory_space<semaphore_mem>> -> memref<!tpu.dma_semaphore, #tpu.memory_space<semaphore_mem>>
    %dma_wait3A_732 = arith.constant 0 : i32
    %dma_wait3A_733 = arith.constant 0 : i32
    %dma_wait3A_734 = tpu.memref_slice %arg8[%dma_wait3A_721, %dma_wait3A_732, %dma_wait3A_733] : memref<5x40x128xf32, #tpu.memory_space<vmem>> -> memref<1x40x128xf32, #tpu.memory_space<vmem>>
    %dma_wait3A_735 = tpu.memref_squeeze %dma_wait3A_734 : memref<1x40x128xf32, #tpu.memory_space<vmem>> -> memref<40x128xf32, #tpu.memory_space<vmem>>
    %dma_wait3A_736 = arith.constant 0 : i32
    %dma_wait3A_737 = arith.constant 0 : i32
    %dma_wait3A_738 = tpu.memref_slice %arg2[%dma_wait3A_736, %dma_wait3A_737] : memref<20000x128xf32, #tpu.memory_space<hbm>> -> memref<40x128xf32, #tpu.memory_space<hbm>>
    tpu.wait_dma2 semaphore(%dma_wait3A_731 : memref<!tpu.dma_semaphore, #tpu.memory_space<semaphore_mem>>) src(%dma_wait3A_738 : memref<40x128xf32, #tpu.memory_space<hbm>>) dst(%dma_wait3A_735 : memref<40x128xf32, #tpu.memory_space<vmem>>)
    %dma_wait3A_739 = arith.constant 2 : i32
    %dma_wait3A_740 = arith.constant 2 : i32
    %dma_wait3A_741 = arith.constant 0 : i32
    %dma_wait3A_742 = arith.constant 0 : i32
    %dma_wait3A_743 = tpu.memref_slice %arg8[%dma_wait3A_739, %dma_wait3A_741, %dma_wait3A_742] : memref<5x40x128xf32, #tpu.memory_space<vmem>> -> memref<1x40x128xf32, #tpu.memory_space<vmem>>
    %dma_wait3A_744 = tpu.memref_squeeze %dma_wait3A_743 : memref<1x40x128xf32, #tpu.memory_space<vmem>> -> memref<40x128xf32, #tpu.memory_space<vmem>>
    %dma_wait3A_745 = arith.constant 0 : i32
    %dma_wait3A_746 = arith.constant 0 : i32
    %dma_wait3A_747 = tpu.memref_slice %arg2[%dma_wait3A_745, %dma_wait3A_746] : memref<20000x128xf32, #tpu.memory_space<hbm>> -> memref<40x128xf32, #tpu.memory_space<hbm>>
    %dma_wait3A_748 = tpu.memref_slice %arg11[%dma_wait3A_740] : memref<5x!tpu.dma_semaphore, #tpu.memory_space<semaphore_mem>> -> memref<1x!tpu.dma_semaphore, #tpu.memory_space<semaphore_mem>>
    %dma_wait3A_749 = tpu.memref_squeeze %dma_wait3A_748 : memref<1x!tpu.dma_semaphore, #tpu.memory_space<semaphore_mem>> -> memref<!tpu.dma_semaphore, #tpu.memory_space<semaphore_mem>>
    %dma_wait3A_750 = arith.constant 0 : i32
    %dma_wait3A_751 = arith.constant 0 : i32
    %dma_wait3A_752 = tpu.memref_slice %arg8[%dma_wait3A_739, %dma_wait3A_750, %dma_wait3A_751] : memref<5x40x128xf32, #tpu.memory_space<vmem>> -> memref<1x40x128xf32, #tpu.memory_space<vmem>>
    %dma_wait3A_753 = tpu.memref_squeeze %dma_wait3A_752 : memref<1x40x128xf32, #tpu.memory_space<vmem>> -> memref<40x128xf32, #tpu.memory_space<vmem>>
    %dma_wait3A_754 = arith.constant 0 : i32
    %dma_wait3A_755 = arith.constant 0 : i32
    %dma_wait3A_756 = tpu.memref_slice %arg2[%dma_wait3A_754, %dma_wait3A_755] : memref<20000x128xf32, #tpu.memory_space<hbm>> -> memref<40x128xf32, #tpu.memory_space<hbm>>
    tpu.wait_dma2 semaphore(%dma_wait3A_749 : memref<!tpu.dma_semaphore, #tpu.memory_space<semaphore_mem>>) src(%dma_wait3A_756 : memref<40x128xf32, #tpu.memory_space<hbm>>) dst(%dma_wait3A_753 : memref<40x128xf32, #tpu.memory_space<vmem>>)
    %dma_wait3A_757 = arith.constant 3 : i32
    %dma_wait3A_758 = arith.constant 3 : i32
    %dma_wait3A_759 = arith.constant 0 : i32
    %dma_wait3A_760 = arith.constant 0 : i32
    %dma_wait3A_761 = tpu.memref_slice %arg8[%dma_wait3A_757, %dma_wait3A_759, %dma_wait3A_760] : memref<5x40x128xf32, #tpu.memory_space<vmem>> -> memref<1x40x128xf32, #tpu.memory_space<vmem>>
    %dma_wait3A_762 = tpu.memref_squeeze %dma_wait3A_761 : memref<1x40x128xf32, #tpu.memory_space<vmem>> -> memref<40x128xf32, #tpu.memory_space<vmem>>
    %dma_wait3A_763 = arith.constant 0 : i32
    %dma_wait3A_764 = arith.constant 0 : i32
    %dma_wait3A_765 = tpu.memref_slice %arg2[%dma_wait3A_763, %dma_wait3A_764] : memref<20000x128xf32, #tpu.memory_space<hbm>> -> memref<40x128xf32, #tpu.memory_space<hbm>>
    %dma_wait3A_766 = tpu.memref_slice %arg11[%dma_wait3A_758] : memref<5x!tpu.dma_semaphore, #tpu.memory_space<semaphore_mem>> -> memref<1x!tpu.dma_semaphore, #tpu.memory_space<semaphore_mem>>
    %dma_wait3A_767 = tpu.memref_squeeze %dma_wait3A_766 : memref<1x!tpu.dma_semaphore, #tpu.memory_space<semaphore_mem>> -> memref<!tpu.dma_semaphore, #tpu.memory_space<semaphore_mem>>
    %dma_wait3A_768 = arith.constant 0 : i32
    %dma_wait3A_769 = arith.constant 0 : i32
    %dma_wait3A_770 = tpu.memref_slice %arg8[%dma_wait3A_757, %dma_wait3A_768, %dma_wait3A_769] : memref<5x40x128xf32, #tpu.memory_space<vmem>> -> memref<1x40x128xf32, #tpu.memory_space<vmem>>
    %dma_wait3A_771 = tpu.memref_squeeze %dma_wait3A_770 : memref<1x40x128xf32, #tpu.memory_space<vmem>> -> memref<40x128xf32, #tpu.memory_space<vmem>>
    %dma_wait3A_772 = arith.constant 0 : i32
    %dma_wait3A_773 = arith.constant 0 : i32
    %dma_wait3A_774 = tpu.memref_slice %arg2[%dma_wait3A_772, %dma_wait3A_773] : memref<20000x128xf32, #tpu.memory_space<hbm>> -> memref<40x128xf32, #tpu.memory_space<hbm>>
    tpu.wait_dma2 semaphore(%dma_wait3A_767 : memref<!tpu.dma_semaphore, #tpu.memory_space<semaphore_mem>>) src(%dma_wait3A_774 : memref<40x128xf32, #tpu.memory_space<hbm>>) dst(%dma_wait3A_771 : memref<40x128xf32, #tpu.memory_space<vmem>>)
    %dma_wait3A_775 = arith.constant 4 : i32
    %dma_wait3A_776 = arith.constant 4 : i32
    %dma_wait3A_777 = arith.constant 0 : i32
    %dma_wait3A_778 = arith.constant 0 : i32
    %dma_wait3A_779 = tpu.memref_slice %arg8[%dma_wait3A_775, %dma_wait3A_777, %dma_wait3A_778] : memref<5x40x128xf32, #tpu.memory_space<vmem>> -> memref<1x40x128xf32, #tpu.memory_space<vmem>>
    %dma_wait3A_780 = tpu.memref_squeeze %dma_wait3A_779 : memref<1x40x128xf32, #tpu.memory_space<vmem>> -> memref<40x128xf32, #tpu.memory_space<vmem>>
    %dma_wait3A_781 = arith.constant 0 : i32
    %dma_wait3A_782 = arith.constant 0 : i32
    %dma_wait3A_783 = tpu.memref_slice %arg2[%dma_wait3A_781, %dma_wait3A_782] : memref<20000x128xf32, #tpu.memory_space<hbm>> -> memref<40x128xf32, #tpu.memory_space<hbm>>
    %dma_wait3A_784 = tpu.memref_slice %arg11[%dma_wait3A_776] : memref<5x!tpu.dma_semaphore, #tpu.memory_space<semaphore_mem>> -> memref<1x!tpu.dma_semaphore, #tpu.memory_space<semaphore_mem>>
    %dma_wait3A_785 = tpu.memref_squeeze %dma_wait3A_784 : memref<1x!tpu.dma_semaphore, #tpu.memory_space<semaphore_mem>> -> memref<!tpu.dma_semaphore, #tpu.memory_space<semaphore_mem>>
    %dma_wait3A_786 = arith.constant 0 : i32
    %dma_wait3A_787 = arith.constant 0 : i32
    %dma_wait3A_788 = tpu.memref_slice %arg8[%dma_wait3A_775, %dma_wait3A_786, %dma_wait3A_787] : memref<5x40x128xf32, #tpu.memory_space<vmem>> -> memref<1x40x128xf32, #tpu.memory_space<vmem>>
    %dma_wait3A_789 = tpu.memref_squeeze %dma_wait3A_788 : memref<1x40x128xf32, #tpu.memory_space<vmem>> -> memref<40x128xf32, #tpu.memory_space<vmem>>
    %dma_wait3A_790 = arith.constant 0 : i32
    %dma_wait3A_791 = arith.constant 0 : i32
    %dma_wait3A_792 = tpu.memref_slice %arg2[%dma_wait3A_790, %dma_wait3A_791] : memref<20000x128xf32, #tpu.memory_space<hbm>> -> memref<40x128xf32, #tpu.memory_space<hbm>>
    tpu.wait_dma2 semaphore(%dma_wait3A_785 : memref<!tpu.dma_semaphore, #tpu.memory_space<semaphore_mem>>) src(%dma_wait3A_792 : memref<40x128xf32, #tpu.memory_space<hbm>>) dst(%dma_wait3A_789 : memref<40x128xf32, #tpu.memory_space<vmem>>)
    %barrier3A_793 = arith.constant 0 : index
    tpu.barrier barrier_id(%barrier3A_793)
    %mul3A_794 = arith.constant 625 : i32
    %mul3A_795 = arith.muli %arg1, %mul3A_794 : i32
    %mul3A_796 = arith.constant 10000 : i32
    %mul3A_797 = arith.muli %arg0, %mul3A_796 : i32
    %mul3A_798 = arith.constant 625 : i32
    %mul3A_799 = arith.muli %arg1, %mul3A_798 : i32
    %add3A_800 = arith.addi %mul3A_797, %mul3A_799 : i32
    "tpu.region"() ({
      %run_scoped3A = tpu.sem_alloc : memref<!tpu.dma_semaphore, #tpu.memory_space<semaphore_mem>>
      %dma_start3A_801 = arith.constant 0 : i32
      %dma_start3A_802 = tpu.memref_slice %arg5[%add3A_800, %dma_start3A_801] : memref<20000x128xf32, #tpu.memory_space<hbm>> -> memref<625x128xf32, #tpu.memory_space<hbm>>
      %dma_start3A_803 = arith.constant 0 : i32
      %dma_start3A_804 = tpu.memref_slice %arg9[%mul3A_795, %dma_start3A_803] : memref<10000x128xf32, #tpu.memory_space<vmem_shared>> -> memref<625x128xf32, #tpu.memory_space<vmem_shared>>
      tpu.enqueue_dma source(%dma_start3A_804 : memref<625x128xf32, #tpu.memory_space<vmem_shared>>) target(%dma_start3A_802 : memref<625x128xf32, #tpu.memory_space<hbm>>) target_semaphore(%run_scoped3A : memref<!tpu.dma_semaphore, #tpu.memory_space<semaphore_mem>>)
      %dma_wait3A_805 = arith.constant 0 : i32
      %dma_wait3A_806 = tpu.memref_slice %arg5[%add3A_800, %dma_wait3A_805] : memref<20000x128xf32, #tpu.memory_space<hbm>> -> memref<625x128xf32, #tpu.memory_space<hbm>>
      %dma_wait3A_807 = arith.constant 0 : i32
      %dma_wait3A_808 = tpu.memref_slice %arg9[%mul3A_795, %dma_wait3A_807] : memref<10000x128xf32, #tpu.memory_space<vmem_shared>> -> memref<625x128xf32, #tpu.memory_space<vmem_shared>>
      tpu.wait_dma2 semaphore(%run_scoped3A : memref<!tpu.dma_semaphore, #tpu.memory_space<semaphore_mem>>) src(%dma_wait3A_808 : memref<625x128xf32, #tpu.memory_space<vmem_shared>>) dst(%dma_wait3A_806 : memref<625x128xf32, #tpu.memory_space<hbm>>)
      tpu.yield
    }) : () -> ()
    return
  }
}

module attributes {stable_mosaic.version = 14 : i64} {
  func.func @_tc_body(%arg0: i32, %arg1: memref<1000x256xf32, #tpu.memory_space<vmem>>, %arg2: memref<1000x128xf32, #tpu.memory_space<vmem>>, %arg3: memref<1000x128xf32, #tpu.memory_space<vmem>>, %arg4: memref<256x256xf32, #tpu.memory_space<vmem>>, %arg5: memref<1x256xf32, #tpu.memory_space<vmem>>, %arg6: memref<256x256xf32, #tpu.memory_space<vmem>>, %arg7: memref<1x256xf32, #tpu.memory_space<vmem>>, %arg8: memref<1x256xf32, #tpu.memory_space<vmem>>, %arg9: memref<1x256xf32, #tpu.memory_space<vmem>>, %arg10: memref<1000x256xf32, #tpu.memory_space<vmem>>) attributes {dimension_semantics = [#tpu.dimension_semantics<arbitrary>], iteration_bounds = array<i64: 10>, scalar_prefetch = 0 : i64, scratch_operands = 0 : i64, tpu.core_type = #tpu.core_type<tc>, window_params = [{transform_indices = @transform_0, window_bounds = array<i64: 1000, 256>}, {transform_indices = @transform_1, window_bounds = array<i64: 1000, 128>}, {transform_indices = @transform_2, window_bounds = array<i64: 1000, 128>}, {pipeline_mode = #tpu.pipeline_mode<synchronous>, transform_indices = @transform_3, window_bounds = array<i64: 256, 256>}, {pipeline_mode = #tpu.pipeline_mode<synchronous>, transform_indices = @transform_4, window_bounds = array<i64: 1, 256>}, {pipeline_mode = #tpu.pipeline_mode<synchronous>, transform_indices = @transform_5, window_bounds = array<i64: 256, 256>}, {pipeline_mode = #tpu.pipeline_mode<synchronous>, transform_indices = @transform_6, window_bounds = array<i64: 1, 256>}, {pipeline_mode = #tpu.pipeline_mode<synchronous>, transform_indices = @transform_7, window_bounds = array<i64: 1, 256>}, {pipeline_mode = #tpu.pipeline_mode<synchronous>, transform_indices = @transform_8, window_bounds = array<i64: 1, 256>}, {transform_indices = @transform_9, window_bounds = array<i64: 1000, 256>}]} {
    %get3A = arith.constant 0 : index
    %get3A_0 = arith.constant 0 : index
    %get3A_1 = vector.load %arg2[%get3A, %get3A_0] : memref<1000x128xf32, #tpu.memory_space<vmem>>, vector<1000x128xf32>
    %get3A_2 = arith.constant 0 : index
    %get3A_3 = arith.constant 0 : index
    %get3A_4 = vector.load %arg3[%get3A_2, %get3A_3] : memref<1000x128xf32, #tpu.memory_space<vmem>>, vector<1000x128xf32>
    %concatenate3A = tpu.concatenate %get3A_1, %get3A_4 in 1 : vector<1000x128xf32>, vector<1000x128xf32> -> vector<1000x256xf32>
    %mul3A = arith.mulf %concatenate3A, %concatenate3A : vector<1000x256xf32>
    %reduce_sum3A = arith.constant dense<0.000000e+00> : vector<1000xf32>
    %reduce_sum3A_5 = vector.multi_reduction <add>, %mul3A, %reduce_sum3A [1] : vector<1000x256xf32> to vector<1000xf32>
    %broadcast_in_dim3A = vector.shape_cast %reduce_sum3A_5 : vector<1000xf32> to vector<1000x1xf32>
    %sqrt3A = math.sqrt %broadcast_in_dim3A : vector<1000x1xf32>
    %add3A = arith.constant 9.99999993E-9 : f32
    %add3A_6 = vector.broadcast %add3A : f32 to vector<1000x1xf32>
    %add3A_7 = arith.addf %sqrt3A, %add3A_6 : vector<1000x1xf32>
    %div3A = vector.broadcast %add3A_7 : vector<1000x1xf32> to vector<1000x256xf32>
    %div3A_8 = arith.divf %concatenate3A, %div3A : vector<1000x256xf32>
    %get3A_9 = arith.constant 0 : index
    %get3A_10 = arith.constant 0 : index
    %get3A_11 = vector.load %arg1[%get3A_9, %get3A_10] : memref<1000x256xf32, #tpu.memory_space<vmem>>, vector<1000x256xf32>
    %add3A_12 = arith.addf %get3A_11, %div3A_8 : vector<1000x256xf32>
    %convert_element_type3A = arith.truncf %add3A_12 : vector<1000x256xf32> to vector<1000x256xbf16>
    %get3A_13 = arith.constant 0 : index
    %get3A_14 = arith.constant 0 : index
    %get3A_15 = vector.load %arg4[%get3A_13, %get3A_14] : memref<256x256xf32, #tpu.memory_space<vmem>>, vector<256x256xf32>
    %convert_element_type3A_16 = arith.truncf %get3A_15 : vector<256x256xf32> to vector<256x256xbf16>
    %dot_general3A = arith.constant dense<0.000000e+00> : vector<1000x256xf32>
    %dot_general3A_17 = tpu.matmul %convert_element_type3A, %convert_element_type3A_16, %dot_general3A {dimension_numbers = #tpu.dot_dimension_numbers<[1], [0], [0], [1], [0, 0, 1, 1], [], []>, transpose_lhs_hint = false} : vector<1000x256xbf16>, vector<256x256xbf16>, vector<1000x256xf32> -> vector<1000x256xf32>
    %get3A_18 = arith.constant 0 : index
    %get3A_19 = arith.constant 0 : index
    %get3A_20 = vector.load %arg5[%get3A_18, %get3A_19] : memref<1x256xf32, #tpu.memory_space<vmem>>, vector<1x256xf32>
    %add3A_21 = vector.broadcast %get3A_20 : vector<1x256xf32> to vector<1000x256xf32>
    %add3A_22 = arith.addf %dot_general3A_17, %add3A_21 : vector<1000x256xf32>
    %max3A = arith.constant 0.000000e+00 : f32
    %max3A_23 = vector.broadcast %max3A : f32 to vector<1000x256xf32>
    %max3A_24 = arith.maximumf %add3A_22, %max3A_23 : vector<1000x256xf32>
    %convert_element_type3A_25 = arith.truncf %max3A_24 : vector<1000x256xf32> to vector<1000x256xbf16>
    %get3A_26 = arith.constant 0 : index
    %get3A_27 = arith.constant 0 : index
    %get3A_28 = vector.load %arg6[%get3A_26, %get3A_27] : memref<256x256xf32, #tpu.memory_space<vmem>>, vector<256x256xf32>
    %convert_element_type3A_29 = arith.truncf %get3A_28 : vector<256x256xf32> to vector<256x256xbf16>
    %dot_general3A_30 = arith.constant dense<0.000000e+00> : vector<1000x256xf32>
    %dot_general3A_31 = tpu.matmul %convert_element_type3A_25, %convert_element_type3A_29, %dot_general3A_30 {dimension_numbers = #tpu.dot_dimension_numbers<[1], [0], [0], [1], [0, 0, 1, 1], [], []>, transpose_lhs_hint = false} : vector<1000x256xbf16>, vector<256x256xbf16>, vector<1000x256xf32> -> vector<1000x256xf32>
    %get3A_32 = arith.constant 0 : index
    %get3A_33 = arith.constant 0 : index
    %get3A_34 = vector.load %arg7[%get3A_32, %get3A_33] : memref<1x256xf32, #tpu.memory_space<vmem>>, vector<1x256xf32>
    %add3A_35 = vector.broadcast %get3A_34 : vector<1x256xf32> to vector<1000x256xf32>
    %add3A_36 = arith.addf %dot_general3A_31, %add3A_35 : vector<1000x256xf32>
    %reduce_sum3A_37 = arith.constant dense<0.000000e+00> : vector<1000xf32>
    %reduce_sum3A_38 = vector.multi_reduction <add>, %add3A_36, %reduce_sum3A_37 [1] : vector<1000x256xf32> to vector<1000xf32>
    %broadcast_in_dim3A_39 = vector.shape_cast %reduce_sum3A_38 : vector<1000xf32> to vector<1000x1xf32>
    %div3A_40 = arith.constant 2.560000e+02 : f32
    %div3A_41 = vector.broadcast %div3A_40 : f32 to vector<1000x1xf32>
    %div3A_42 = arith.divf %broadcast_in_dim3A_39, %div3A_41 : vector<1000x1xf32>
    %sub3A = vector.broadcast %div3A_42 : vector<1000x1xf32> to vector<1000x256xf32>
    %sub3A_43 = arith.subf %add3A_36, %sub3A : vector<1000x256xf32>
    %sub3A_44 = vector.broadcast %div3A_42 : vector<1000x1xf32> to vector<1000x256xf32>
    %sub3A_45 = arith.subf %add3A_36, %sub3A_44 : vector<1000x256xf32>
    %mul3A_46 = arith.mulf %sub3A_43, %sub3A_45 : vector<1000x256xf32>
    %reduce_sum3A_47 = arith.constant dense<0.000000e+00> : vector<1000xf32>
    %reduce_sum3A_48 = vector.multi_reduction <add>, %mul3A_46, %reduce_sum3A_47 [1] : vector<1000x256xf32> to vector<1000xf32>
    %broadcast_in_dim3A_49 = vector.shape_cast %reduce_sum3A_48 : vector<1000xf32> to vector<1000x1xf32>
    %div3A_50 = arith.constant 2.560000e+02 : f32
    %div3A_51 = vector.broadcast %div3A_50 : f32 to vector<1000x1xf32>
    %div3A_52 = arith.divf %broadcast_in_dim3A_49, %div3A_51 : vector<1000x1xf32>
    %sub3A_53 = vector.broadcast %div3A_42 : vector<1000x1xf32> to vector<1000x256xf32>
    %sub3A_54 = arith.subf %add3A_36, %sub3A_53 : vector<1000x256xf32>
    %add3A_55 = arith.constant 9.99999974E-6 : f32
    %add3A_56 = vector.broadcast %add3A_55 : f32 to vector<1000x1xf32>
    %add3A_57 = arith.addf %div3A_52, %add3A_56 : vector<1000x1xf32>
    %sqrt3A_58 = math.sqrt %add3A_57 : vector<1000x1xf32>
    %div3A_59 = vector.broadcast %sqrt3A_58 : vector<1000x1xf32> to vector<1000x256xf32>
    %div3A_60 = arith.divf %sub3A_54, %div3A_59 : vector<1000x256xf32>
    %get3A_61 = arith.constant 0 : index
    %get3A_62 = arith.constant 0 : index
    %get3A_63 = vector.load %arg8[%get3A_61, %get3A_62] : memref<1x256xf32, #tpu.memory_space<vmem>>, vector<1x256xf32>
    %mul3A_64 = vector.broadcast %get3A_63 : vector<1x256xf32> to vector<1000x256xf32>
    %mul3A_65 = arith.mulf %div3A_60, %mul3A_64 : vector<1000x256xf32>
    %get3A_66 = arith.constant 0 : index
    %get3A_67 = arith.constant 0 : index
    %get3A_68 = vector.load %arg9[%get3A_66, %get3A_67] : memref<1x256xf32, #tpu.memory_space<vmem>>, vector<1x256xf32>
    %add3A_69 = vector.broadcast %get3A_68 : vector<1x256xf32> to vector<1000x256xf32>
    %add3A_70 = arith.addf %mul3A_65, %add3A_69 : vector<1000x256xf32>
    %swap3A = arith.constant 0 : index
    %swap3A_71 = arith.constant 0 : index
    %swap3A_72 = vector.load %arg10[%swap3A, %swap3A_71] : memref<1000x256xf32, #tpu.memory_space<vmem>>, vector<1000x256xf32>
    tpu.vector_store %arg10[%swap3A, %swap3A_71], %add3A_70 {strides = array<i32>} : memref<1000x256xf32, #tpu.memory_space<vmem>>, vector<1000x256xf32>,
    return
  }
  func.func @transform_0(%arg0: i32) -> (i32, i32) {
    %c0_i32 = arith.constant 0 : i32
    %c0_i32_0 = arith.constant 0 : i32
    return %arg0, %c0_i32 : i32, i32
  }
  func.func @transform_1(%arg0: i32) -> (i32, i32) {
    %c0_i32 = arith.constant 0 : i32
    %c0_i32_0 = arith.constant 0 : i32
    return %arg0, %c0_i32 : i32, i32
  }
  func.func @transform_2(%arg0: i32) -> (i32, i32) {
    %add3A = arith.constant 10 : i32
    %add3A_0 = arith.addi %arg0, %add3A : i32
    %c0_i32 = arith.constant 0 : i32
    %c0_i32_1 = arith.constant 0 : i32
    return %add3A_0, %c0_i32 : i32, i32
  }
  func.func @transform_3(%arg0: i32) -> (i32, i32) {
    %c0_i32 = arith.constant 0 : i32
    %c0_i32_0 = arith.constant 0 : i32
    %c0_i32_1 = arith.constant 0 : i32
    return %c0_i32, %c0_i32_0 : i32, i32
  }
  func.func @transform_4(%arg0: i32) -> (i32, i32) {
    %c0_i32 = arith.constant 0 : i32
    %c0_i32_0 = arith.constant 0 : i32
    %c0_i32_1 = arith.constant 0 : i32
    return %c0_i32, %c0_i32_0 : i32, i32
  }
  func.func @transform_5(%arg0: i32) -> (i32, i32) {
    %c0_i32 = arith.constant 0 : i32
    %c0_i32_0 = arith.constant 0 : i32
    %c0_i32_1 = arith.constant 0 : i32
    return %c0_i32, %c0_i32_0 : i32, i32
  }
  func.func @transform_6(%arg0: i32) -> (i32, i32) {
    %c0_i32 = arith.constant 0 : i32
    %c0_i32_0 = arith.constant 0 : i32
    %c0_i32_1 = arith.constant 0 : i32
    return %c0_i32, %c0_i32_0 : i32, i32
  }
  func.func @transform_7(%arg0: i32) -> (i32, i32) {
    %c0_i32 = arith.constant 0 : i32
    %c0_i32_0 = arith.constant 0 : i32
    %c0_i32_1 = arith.constant 0 : i32
    return %c0_i32, %c0_i32_0 : i32, i32
  }
  func.func @transform_8(%arg0: i32) -> (i32, i32) {
    %c0_i32 = arith.constant 0 : i32
    %c0_i32_0 = arith.constant 0 : i32
    %c0_i32_1 = arith.constant 0 : i32
    return %c0_i32, %c0_i32_0 : i32, i32
  }
  func.func @transform_9(%arg0: i32) -> (i32, i32) {
    %c0_i32 = arith.constant 0 : i32
    %c0_i32_0 = arith.constant 0 : i32
    return %arg0, %c0_i32 : i32, i32
  }
}

</mosaic_0001>

<sc_bundles>
// kernel: kernel.4.cloned.1.call-start
scs
__scs_entry_jumppad:
0x0: {  	(pc) =	sbr.rel $0x88, $3  }
0x1: {  	(tag) =	ssettag $0x0;
	lr =	simm.s32 $0x1  }
0x2: {  	[smem:$0x3F99] =	sst lr;
	_ =	strace $0xD0000000  }
0x3: {  	_ = 	snop  }
0x4: {  	_ = 	snop  }
0x5: {  	_ = 	snop  }
0x6: {  	_ = 	snop  }
0x7: {  	_ = 	snop  }
__scs_overlays_trampoline_lowered:
0x8: {  	[smem:$0x3FA8] =	sst s0  }
0x9: {  	[smem:$0x3FA9] =	sst s1  }
0xa: {  	[smem:$0x3FAA] =	sst s2  }
0xb: {  	[smem:$0x3FAB] =	sst s3  }
0xc: {  	[smem:$0x3FAC] =	sst s4  }
0xd: {  	[smem:$0x3FAD] =	sst s5  }
0xe: {  	[smem:$0x3FAE] =	sst s6  }
0xf: {  	[smem:$0x3FAF] =	sst s7  }
0x10: {  	[smem:$0x3FB0] =	sst s8  }
0x11: {  	[smem:$0x3FB1] =	sst s9;
	s0 =	simm.s32 @!p0 $0x0  }
0x12: {  	s1 =	sld [smem:$0x3F97];
	s0 =	simm.s32 @p0 $0x1  }
0x13: {  	[smem:$0x3FB2] =	sst s0;
	s0 =	simm.s32 @!p1 $0x0  }
0x14: {  	s2 =	sld [smem:$0x3F96];
	s0 =	simm.s32 @p1 $0x1  }
0x15: {  	[smem:$0x3FB3] =	sst s0;
	s0 =	simm.s32 @!p2 $0x0  }
0x16: {  	s3 =	sld [smem:$0x3FDB];
	s0 =	simm.s32 @p2 $0x1  }
0x17: {  	s4 =	simm.s32 $0x1BF5;
	[smem:$0x3FB5] =	sst s0  }
0x18: {  	s0 =	sld [smem:$0x3F98];
	_ =	swait.ge [sflag:s4], $0x0  }
0x19: {  	s7 =	sld [smem:$0x3F99]  }
0x1a: {  	s8 =	sadd.s32 $0xFFFFE003, lr  }
0x1b: {  	s9 =	sadd.s32 $0xFFFFFEF7, lr;
	s5 =	simm.s32 $0xFFFFFFFF;
	p2 =	slt.u32 s8, $0xFFFFF086  }
0x1c: {  	p1 =	slt.u32 s9, $0xF7A;
	s5 =	simm.s32 @!p2 $0x0  }
0x1d: {  	s5 =	simm.s32 @p1 $0x1;
	p0 =	seq.s32 s7, s2  }
0x1e: {  	s7 =	smul.u32 @!p0 $0xF7A, s2;
	p2 =	seq.s32 @!p0 s5, $0x0  }
0x1f: {  	s9 =	smul.u32 $0xF7A, s1;
	s8 =	simm.s32 @!p0 $0x1BF5;
	p2 =	por !p2, p0  }
0x20: {  	[sflag:s8] =	ssyncset.s32 @!p0 $0xFFFFF086;
	s6 =	sadd.s32 @!p0 s3, s7;
	s7 =	simm.s32 @!p0 $0x108  }
0x21: {  	s3 =	sadd.s32 s3, s9;
	s6 =	sadd.s32 @!p0 $0x88, s6;
	s7 =	simm.s32 @p2 $0x1082  }
0x22: {  	[simem:s7], [sflag:s8] =	dma.local @!p0 [hbm:s6], $0xF7A  }
0x23: {  	s9 =	sor.u32 $0xD0000000, s2;
	s6 =	simm.s32 $0x108;
	_ =	swait.ge @!p0 [sflag:s8], $0x0  }
0x24: {  	s3 =	sadd.s32 $0x88, s3;
	s6 =	simm.s32 @!p1 $0x1082;
	[sflag:s4] =	ssyncset.s32 $0xFFFFF086  }
0x25: {  	[simem:s6], [sflag:s4] =	dma.local [hbm:s3], $0xF7A  }
0x26: {  	[smem:$0x3F99] =	sst s1;
	(tag) =	ssettag s2;
	_ =	strace s9  }
0x27: {  	s1 =	sld [smem:$0x3FA9]  }
0x28: {  	s2 =	sld [smem:$0x3FAA]  }
0x29: {  	s4 =	sld [smem:$0x3FAC]  }
0x2a: {  	p0 =	seq.s32 s5, $0x0;
	s5 =	sld [smem:$0x3FAD]  }
0x2b: {  	s6 =	sld [smem:$0x3FAE]  }
0x2c: {  	s7 =	sld [smem:$0x3FAF]  }
0x2d: {  	s3 =	simm.s32 $0x108;
	s8 =	sld [smem:$0x3FB0]  }
0x2e: {  	s3 =	simm.s32 @!p0 $0x1082;
	s9 =	sld [smem:$0x3FB1]  }
0x2f: {  	lr =	sadd.s32 s0, s3;
	s0 =	sld [smem:$0x3FA8]  }
0x30: {  	s3 =	sld [smem:$0x3FAB]  }
0x31: {  	[smem:$0x3FB4] =	sst s10  }
0x32: {  	s10 =	sld [smem:$0x3FB2];
	_ =	sdelay $0x3  }
0x33: {  	p0 =	seq.s32 s10, $0x1;
	s10 =	sld [smem:$0x3FB4];
	_ =	sdelay $0x3  }
0x34: {  	[smem:$0x3FB4] =	sst s10  }
0x35: {  	s10 =	sld [smem:$0x3FB3];
	_ =	sdelay $0x3  }
0x36: {  	p1 =	seq.s32 s10, $0x1;
	s10 =	sld [smem:$0x3FB4];
	_ =	sdelay $0x3  }
0x37: {  	[smem:$0x3FB4] =	sst s10  }
0x38: {  	s10 =	sld [smem:$0x3FB5]  }
0x39: {  	_ = 	snop;
	(pc) =	sbr.ind lr, $3  }
0x3a: {  	_ = 	snop  }
0x3b: {  	_ = 	snop  }
0x3c: {  	p2 =	seq.s32 s10, $0x1;
	s10 =	sld [smem:$0x3FB4]  }
0x3d: {  	_ =	shalt  }
0x3e: {  	_ =	shalt  }
0x3f: {  	_ =	shalt  }
0x40: {  	_ =	shalt  }
0x41: {  	_ =	shalt  }
0x42: {  	_ =	shalt  }
0x43: {  	_ =	shalt  }
0x44: {  	_ =	shalt  }
0x45: {  	_ =	shalt  }
0x46: {  	_ =	shalt  }
0x47: {  	_ =	shalt  }
0x48: {  	_ =	shalt  }
0x49: {  	_ =	shalt  }
0x4a: {  	_ =	shalt  }
0x4b: {  	_ =	shalt  }
0x4c: {  	_ =	shalt  }
0x4d: {  	_ =	shalt  }
0x4e: {  	_ =	shalt  }
0x4f: {  	_ =	shalt  }
0x50: {  	_ =	shalt  }
0x51: {  	_ =	shalt  }
0x52: {  	_ =	shalt  }
0x53: {  	_ =	shalt  }
0x54: {  	_ =	shalt  }
0x55: {  	_ =	shalt  }
0x56: {  	_ =	shalt  }
0x57: {  	_ =	shalt  }
0x58: {  	_ =	shalt  }
0x59: {  	_ =	shalt  }
0x5a: {  	_ =	shalt  }
0x5b: {  	_ =	shalt  }
0x5c: {  	_ =	shalt  }
0x5d: {  	_ =	shalt  }
0x5e: {  	_ =	shalt  }
0x5f: {  	_ =	shalt  }
0x60: {  	_ =	shalt  }
0x61: {  	_ =	shalt  }
0x62: {  	_ =	shalt  }
0x63: {  	_ =	shalt  }
0x64: {  	_ =	shalt  }
0x65: {  	_ =	shalt  }
0x66: {  	_ =	shalt  }
0x67: {  	_ =	shalt  }
0x68: {  	_ =	shalt  }
0x69: {  	_ =	shalt  }
0x6a: {  	_ =	shalt  }
0x6b: {  	_ =	shalt  }
0x6c: {  	_ =	shalt  }
0x6d: {  	_ =	shalt  }
0x6e: {  	_ =	shalt  }
0x6f: {  	_ =	shalt  }
0x70: {  	_ =	shalt  }
0x71: {  	_ =	shalt  }
0x72: {  	_ =	shalt  }
0x73: {  	_ =	shalt  }
0x74: {  	_ =	shalt  }
0x75: {  	_ =	shalt  }
0x76: {  	_ =	shalt  }
0x77: {  	_ =	shalt  }
0x78: {  	_ =	shalt  }
0x79: {  	_ =	shalt  }
0x7a: {  	_ =	shalt  }
0x7b: {  	_ =	shalt  }
0x7c: {  	_ =	shalt  }
0x7d: {  	_ =	shalt  }
0x7e: {  	_ =	shalt  }
0x7f: {  	_ =	shalt  }
0x80: {  	_ =	shalt  }
0x81: {  	_ =	shalt  }
0x82: {  	_ =	shalt  }
0x83: {  	_ =	shalt  }
0x84: {  	_ =	shalt  }
0x85: {  	_ =	shalt  }
0x86: {  	_ =	shalt  }
0x87: {  	_ =	shalt  }
.Lfunc_end0:
.L_simem_size_0:
called_computation_lowered:
.L_overlay_start_0:
0x88: {  	s2 =	sld [smem:$0x3FD9]  }
0x89: {  	s3 =	sld [smem:$0x3FFE];
	_ =	sdelay $0x1  }
0x8a: {  	s1 =	srdreg.scid  }
0x8b: {  	s0 =	sand.u32 $0x1, s1  }
0x8c: {  	s17 =	sshll.u32 s0, $0xA;
	s2 =	sadd.s32 s3, s2  }
0x8d: {  	s2 =	sadd.s32 s2, s17  }
0x8e: {  	[smem:$0x3FC0] =	sst s2  }
0x8f: {  	_ = 	snop  }
0x90: {  	s2 =	sld [smem:$0x3FD0];
	(tm) =	ssettm $0x1  }
0x91: {  	s18 =	sld [smem:$0x3FFB];
	_ =	sdelay $0x3  }
0x92: {  	_ =	strace s18  }
0x93: {  	s3 =	sld [smem:$0x3FFC];
	_ =	sdelay $0x3  }
0x94: {  	_ =	strace s3  }
0x95: {  	s3 =	sld [smem:$0x3FFD];
	_ =	sdelay $0x3  }
0x96: {  	_ =	strace s3  }
0x97: {  	_ =	strace $0x8FFFFFFF  }
0x98: {  	s19 =	sld [smem:$0x3FDB];
	_ =	sdelay $0x1  }
0x99: {  	s4 =	simm.s32 $_scs_section_size  }
0x9a: {  	s5 =	simm.s32 $_size__tile_overlayer_lowered;
	s6 =	simm.s32 $_tile_overlayer_lowered  }
0x9b: {  	s22 =	simm.s32 $0x1BFF;
	s21 =	sshll.u32 s6, $0x1;
	s3 =	sadd.s32 s4, s19  }
0x9c: {  	s7 =	simm.s32 $0x0;
	s20 =	sshll.u32 s5, $0x1;
	s5 =	sadd.s32 s21, s3  }
0x9d: {  	[timem:s7], [sflag:s22] =	dma.local [hbm:s5], s20  }
0x9e: {  	_ =	swait.ge [sflag:s22], s20  }
0x9f: {  	s4 =	ssub.s32 $0x0, s20;
	[sflag:s22] =	ssyncset.done $0x0  }
0xa0: {  	[sflag:s22] =	ssyncadd.s32 s4;
	_ =	sdelay $0x1  }
0xa1: {  	s23 =	simm.s32 $0x1B8B  }
0xa2: {  	_ =	swait.ge [sflag:s23], $0x1  }
0xa3: {  	[sflag:s23] =	ssyncset.done $0x0  }
0xa4: {  	s25 =	simm.s32 $0x1B8E;
	s24 =	sld [smem:$0x3FFE];
	[sflag:s23] =	ssyncadd.s32 $0xFFFFFFFF  }
0xa5: {  	s26 =	simm.s32 $execute0_lowered;
	[smem:$0x3FD2] =	sst s25  }
0xa6: {  	s5 =	sshll.u32 s26, $0x1;
	_ =	strace $0x80000046;
	[dreg:$0x1] =	wrdreg $0xFFFFFFFF  }
0xa7: {  	s28 =	simm.s32 $_size_execute0_lowered;
	s3 =	sadd.s32 s3, s5;
	[dreg:$0x0] =	wrdreg $0x0  }
0xa8: {  	s5 =	sshll.u32 s28, $0x1;
	[dreg:$0x2] =	wrdreg s3  }
0xa9: {  	[dreg:$0x3] =	wrdreg s5  }
0xaa: {  	[dreg:$0x4] =	wrdreg $0xC0  }
0xab: {  	_ =	task [dreg:s7], $0x5FFFF  }
0xac: {  	[dreg:$0x1] =	wrdreg $0xFFFFFFFF  }
0xad: {  	[dreg:$0x0] =	wrdreg $0x60  }
0xae: {  	[dreg:$0x2] =	wrdreg s2  }
0xaf: {  	[dreg:$0x3] =	wrdreg s24  }
0xb0: {  	[dreg:$0x4] =	wrdreg $0x65900  }
0xb1: {  	[dreg:$0x5] =	wrdreg $0x9  }
0xb2: {  	_ =	task.clear_ibuf [dreg:s7], $0x6FFFF;
	_ =	strace $0x90000046  }
0xb3: {  	s29 =	simm.s32 $0x9;
	_ =	strace $0x80000048  }
0xb4: {  	_ =	swait.ge [sflag:s29], $0x1  }
0xb5: {  	[sflag:s29] =	ssyncadd.s32 $0xFFFFFFFF  }
0xb6: {  	_ =	strace $0x90000048  }
0xb7: {  	_ =	sfence  }
0xb8: {  	s30 =	sld [smem:$0x0];
	_ =	sdelay $0x2  }
0xb9: {  	s31 =	sshll.u32 s1, $0xD;
	s1 =	sshrl.u32 s1, $0x2  }
0xba: {  	s3 =	sand.u32 $0x4000, s31;
	s1 =	sadd.s32 s1, s30  }
0xbb: {  	s0 =	sor.u32 s3, s0;
	s1 =	sshll.u32 s1, $0x11  }
0xbc: {  	s0 =	sor.u32 s1, s0  }
0xbd: {  	s0 =	sadd.s32 $0x8F2B, s0  }
0xbe: {  	[sflag:s0] =	ssyncadd.remote.s32 $0x1  }
0xbf: {  	_ =	sfence.sel $0xFFFF  }
0xc0: {  	[dreg:$0x0] =	wrdreg $0xFFFFFFFF;
	(pc) =	sbr.abs _section_cstart, $3  }
0xc1: {  	[dreg:$0x1] =	wrdreg $0xFFFFFFFF  }
0xc2: {  	_ =	task.clear_ibuf [dreg:s7], $0x2FFFF;
	_ =	strace $0x9FFFFFFF  }
0xc3: {  	(tm) =	ssettm $0x7FFFFFFF  }
tec
execute0_lowered:
.L_overlay_start_1:
0x0: {  	(tag) =	ssettag $0x1  }
0x1: {  	s0 =	rddreg [dreg:$0x0]  }
0x2: {  	s1 =	rddreg [dreg:$0x1]  }
0x3: {  	s2 =	rddreg [dreg:$0x2]  }
0x4: {  	s4 =	srdreg.scid;
	s11 =	stileid.u32  }
0x5: {  	s3 =	simm.s32 $0x0;
	s28 =	simm.s32 $0x8;
	s29 =	simm.s32 $0x9  }
0x6: {  	s30 =	simm.s32 $0xA;
	s4 =	sand.u32 $0x1, s4;
	s5 =	smul.u32 $0x2710, s11  }
0x7: {  	[smem:$0x7FF] =	sst s3;
	s7 =	sadd.s32 $0x2000, s1;
	s8 =	smul.u32 $0x4E200, s11  }
0x8: {  	s9 =	sadd.s32 $0xBE00, s1;
	s17 =	sshll.u32 s11, $0x6;
	s11 =	smul.u32 $0x4E2, s11  }
0x9: {  	s6 =	smul.u32 $0x27100, s4;
	_ =	strace $0x80000047;
	s4 =	ssub.s32 $0x2, s4  }
0xa: {  	[dreg:$0x6] =	wrdreg s9;
	s31 =	sor.u32 $0x1C15, s17;
	s10 =	sshrl.u32 s4, $0x1  }
0xb: {  	s8 =	sshrl.u32 s8, $0x2;
	s12 =	sshrl.u32 s5, $0x3;
	s18 =	sadd.s32 $0x28, s5  }
0xc: {  	s21 =	sadd.s32 $0x78, s5;
	[dreg:$0x10] =	wrdreg s11;
	s25 =	sadd.s32 s11, s7  }
0xd: {  	s11 =	simm.s32 $0xB;
	[dreg:$0x7] =	wrdreg s31;
	s16 =	sadd.s32 s5, s6  }
0xe: {  	s4 =	ssub.s32 s4, s10;
	s8 =	sadd.s32 s8, s2;
	[dreg:$0x8] =	wrdreg s12  }
0xf: {  	s13 =	sadd.s32 s7, s12;
	s19 =	sshrl.u32 s18, $0x3;
	[dreg:$0x4] =	wrdreg s25  }
0x10: {  	s20 =	sadd.s32 $0xA, s12;
	s22 =	sadd.s32 $0x14, s12;
	[dreg:$0x9] =	wrdreg s13  }
0x11: {  	s18 =	sadd.s32 s0, s6;
	s5 =	simm.s32 $0xD;
	[dreg:$0xb] =	wrdreg s19  }
0x12: {  	s25 =	simm.s32 $0x6;
	s6 =	simm.s32 $0x0;
	[dreg:$0xd] =	wrdreg s20  }
0x13: {  	s9 =	sadd.s32 s16, s1;
	s1 =	sadd.s32 $0x6E20, s1;
	[dreg:$0xf] =	wrdreg s22  }
0x14: {  	s10 =	sadd.s32 s7, s20;
	s23 =	sadd.s32 s7, s22;
	[dreg:$0xa] =	wrdreg s1  }
0x15: {  	s26 =	smax.u32 s4, $0x1;
	s4 =	sshrl.u32 s8, $0x3;
	[dreg:$0x11] =	wrdreg s10  }
0x16: {  	s13 =	simm.s32 $0xC;
	s22 =	simm.s32 $0xF;
	[dreg:$0x13] =	wrdreg s23  }
0x17: {  	s8 =	simm.s32 $0x5;
	s1 =	sadd.s32 s7, s19;
	[dreg:$0x15] =	wrdreg s26  }
0x18: {  	s24 =	sadd.s32 $0xE600, s9;
	s10 =	simm.s32 $0x15;
	[dreg:$0x16] =	wrdreg s4  }
0x19: {  	s19 =	simm.s32 $0x50;
	s23 =	simm.s32 $0x14;
	[dreg:$0xc] =	wrdreg s1  }
0x1a: {  	s26 =	simm.s32 $0x7;
	s1 =	sshrl.u32 s21, $0x3;
	[dreg:$0x14] =	wrdreg s24  }
0x1b: {  	s24 =	simm.s32 $0x28;
	[dreg:$0xe] =	wrdreg s1;
	s1 =	sadd.s32 s7, s1  }
0x1c: {  	s21 =	simm.s32 $0xE;
	[dreg:$0x12] =	wrdreg s1;
	s1 =	simm.s32 $0x78  }
.LBB2_1:
0x1d: {  	[dreg:$0x17] =	wrdreg s6  }
0x1e: {  	s0 =	rddreg [dreg:$0x6]  }
0x1f: {  	[spmem:s4], [sflag:s31] =	dma.local [hbm:s0], $0x2710  }
0x20: {  	_ =	swait.ge [sflag:s10], $0x2710  }
0x21: {  	[sflag:s10] =	ssyncset.done $0x0  }
0x22: {  	[sflag:s10] =	ssyncadd.s32 $0xFFFFD8F0  }
0x23: {  	[bflag:$0x0] =	sbarrier.arrive $0xFFFF  }
0x24: {  	s17 =	rddreg [dreg:$0x9]  }
0x25: {  	s20 =	rddreg [dreg:$0x8]  }
0x26: {  	s4 =	rddreg [dreg:$0xa]  }
0x27: {  	[tilespmem:s3], [sflag:$0xB] =	stream.linear.gather [hbm4b:s17+s3], $0x28, $0x38;
	[tilespmem:$0x19E10] =	vst v63  }
0x28: {  	s10 =	simm.s32 $0xC8;
	s6 =	rddreg [dreg:$0xc];
	s0 =	sadd.s32 s20, s4  }
0x29: {  	[tilespmem:s10], [sflag:$0x10] =	stream.linear.gather [hbm4b:s0+s3], $0x28, $0x38;
	[tilespmem:$0x19E10] =	vst v63  }
0x2a: {  	s7 =	rddreg [dreg:$0xb]  }
0x2b: {  	[tilespmem:s24], [sflag:$0xC] =	stream.linear.gather [hbm4b:s6+s3], $0x28, $0x38;
	[tilespmem:$0x19E10] =	vst v63  }
0x2c: {  	s16 =	simm.s32 $0xF0;
	s9 =	rddreg [dreg:$0x11];
	s0 =	sadd.s32 s7, s4  }
0x2d: {  	[tilespmem:s16], [sflag:$0x11] =	stream.linear.gather [hbm4b:s0+s3], $0x28, $0x38;
	[tilespmem:$0x19E10] =	vst v63  }
0x2e: {  	s12 =	rddreg [dreg:$0xd]  }
0x2f: {  	[tilespmem:s19], [sflag:$0xD] =	stream.linear.gather [hbm4b:s9+s3], $0x28, $0x38;
	[tilespmem:$0x19E10] =	vst v63  }
0x30: {  	s14 =	rddreg [dreg:$0x12];
	s0 =	sadd.s32 s12, s4;
	s9 =	simm.s32 $0x118  }
0x31: {  	[tilespmem:s9], [sflag:$0x12] =	stream.linear.gather [hbm4b:s0+s3], $0x28, $0x38;
	[tilespmem:$0x19E10] =	vst v63  }
0x32: {  	s15 =	rddreg [dreg:$0xe]  }
0x33: {  	[tilespmem:s1], [sflag:$0xE] =	stream.linear.gather [hbm4b:s14+s3], $0x28, $0x38;
	[tilespmem:$0x19E10] =	vst v63  }
0x34: {  	s17 =	rddreg [dreg:$0x13];
	s7 =	simm.s32 $0x140;
	s0 =	sadd.s32 s15, s4  }
0x35: {  	[tilespmem:s7], [sflag:$0x13] =	stream.linear.gather [hbm4b:s0+s3], $0x28, $0x38;
	[tilespmem:$0x19E10] =	vst v63  }
0x36: {  	s20 =	rddreg [dreg:$0xf];
	s15 =	simm.s32 $0xA0  }
0x37: {  	[tilespmem:s15], [sflag:$0xF] =	stream.linear.gather [hbm4b:s17+s3], $0x28, $0x38;
	[tilespmem:$0x19E10] =	vst v63  }
0x38: {  	s0 =	sadd.s32 s20, s4;
	s17 =	simm.s32 $0x168  }
0x39: {  	[tilespmem:s17], [sflag:$0x14] =	stream.linear.gather [hbm4b:s0+s3], $0x28, $0x38;
	[tilespmem:$0x19E10] =	vst v63  }
0x3a: {  	_ =	swait.ge [sflag:s11], $0x28  }
0x3b: {  	[sflag:s11] =	ssyncset.done $0x0  }
0x3c: {  	s12 =	simm.s32 $0x190;
	[sflag:s11] =	ssyncadd.s32 $0xFFFFFFD8  }
0x3d: {  	[tilespmem:s12], [sflag:$0x1] =	stream.indirect.gather [hbm4b:s18+s24], $0x80, s3, s24, $0xb8;
	[tilespmem:$0x19E10] =	vst v63  }
0x3e: {  	_ =	swait.ge [sflag:s13], $0x28  }
0x3f: {  	[sflag:s13] =	ssyncset.done $0x0  }
0x40: {  	s6 =	simm.s32 $0x1590;
	[sflag:s13] =	ssyncadd.s32 $0xFFFFFFD8  }
0x41: {  	[tilespmem:s6], [sflag:$0x2] =	stream.indirect.gather [hbm4b:s18+s24], $0x80, s24, s24, $0xb8;
	[tilespmem:$0x19E10] =	vst v63  }
0x42: {  	_ =	swait.ge [sflag:s5], $0x28  }
0x43: {  	[sflag:s5] =	ssyncset.done $0x0  }
0x44: {  	s14 =	simm.s32 $0x2990;
	[sflag:s5] =	ssyncadd.s32 $0xFFFFFFD8  }
0x45: {  	[tilespmem:s14], [sflag:$0x3] =	stream.indirect.gather [hbm4b:s18+s24], $0x80, s19, s24, $0xb8;
	[tilespmem:$0x19E10] =	vst v63  }
0x46: {  	_ =	swait.ge [sflag:s21], $0x28  }
0x47: {  	[sflag:s21] =	ssyncset.done $0x0  }
0x48: {  	s20 =	simm.s32 $0x3D90;
	[sflag:s21] =	ssyncadd.s32 $0xFFFFFFD8  }
0x49: {  	[tilespmem:s20], [sflag:$0x4] =	stream.indirect.gather [hbm4b:s18+s24], $0x80, s1, s24, $0xb8;
	[tilespmem:$0x19E10] =	vst v63  }
0x4a: {  	_ =	swait.ge [sflag:s22], $0x28  }
0x4b: {  	[sflag:s22] =	ssyncset.done $0x0;
	s0 =	rddreg [dreg:$0x10]  }
0x4c: {  	s31 =	simm.s32 $0x5190;
	[sflag:s22] =	ssyncadd.s32 $0xFFFFFFD8;
	s0 =	sadd.s32 s4, s0  }
0x4d: {  	[tilespmem:s31], [sflag:$0x5] =	stream.indirect.gather [hbm4b:s18+s24], $0x80, s15, s24, $0xb8;
	[tilespmem:$0x19E10] =	vst v63  }
0x4e: {  	s4 =	simm.s32 $0x1;
	[dreg:$0x5] =	wrdreg s0  }
0x4f: {  	_ =	swait.ge [sflag:s4], $0x1400  }
0x50: {  	s0 =	rddreg [dreg:$0x4]  }
0x51: {  	[sflag:s4] =	ssyncset.done $0x0;
	s0 =	sadd.s32 $0x0, s0  }
0x52: {  	[sflag:s4] =	ssyncadd.s32 $0xFFFFEC00;
	s4 =	sadd.s32 $0x19, s0  }
0x53: {  	[tilespmem:s3], [sflag:$0xB] =	stream.linear.gather [hbm4b:s4+s3], $0x28, $0x38;
	[tilespmem:$0x19E10] =	vst v63  }
0x54: {  	s4 =	simm.s32 $0x10  }
0x55: {  	_ =	swait.ge [sflag:s4], $0x28  }
0x56: {  	[sflag:s4] =	ssyncset.done $0x0  }
0x57: {  	[sflag:s4] =	ssyncadd.s32 $0xFFFFFFD8;
	s4 =	simm.s32 $0x2  }
0x58: {  	[spmem:s2] =	stream.indirect.scatter.add.f32 [tilespmem:s12], [sflag:$0x6], $0x80, s10, s24, $0xb8;
	[tilespmem:$0x19E10] =	vst v63  }
0x59: {  	_ =	swait.ge [sflag:s4], $0x1400  }
0x5a: {  	[sflag:s4] =	ssyncset.done $0x0  }
0x5b: {  	[sflag:s4] =	ssyncadd.s32 $0xFFFFEC00;
	s4 =	sadd.s32 $0x1E, s0  }
0x5c: {  	[tilespmem:s24], [sflag:$0xC] =	stream.linear.gather [hbm4b:s4+s3], $0x28, $0x38;
	[tilespmem:$0x19E10] =	vst v63  }
0x5d: {  	s4 =	simm.s32 $0x11  }
0x5e: {  	_ =	swait.ge [sflag:s4], $0x28  }
0x5f: {  	[sflag:s4] =	ssyncset.done $0x0  }
0x60: {  	[sflag:s4] =	ssyncadd.s32 $0xFFFFFFD8;
	s4 =	simm.s32 $0x3  }
0x61: {  	[spmem:s2] =	stream.indirect.scatter.add.f32 [tilespmem:s6], [sflag:$0x7], $0x80, s16, s24, $0xb8;
	[tilespmem:$0x19E10] =	vst v63  }
0x62: {  	_ =	swait.ge [sflag:s4], $0x1400  }
0x63: {  	[sflag:s4] =	ssyncset.done $0x0  }
0x64: {  	[sflag:s4] =	ssyncadd.s32 $0xFFFFEC00;
	s4 =	sadd.s32 $0x23, s0  }
0x65: {  	[tilespmem:s19], [sflag:$0xD] =	stream.linear.gather [hbm4b:s4+s3], $0x28, $0x38;
	[tilespmem:$0x19E10] =	vst v63  }
0x66: {  	s4 =	simm.s32 $0x12  }
0x67: {  	_ =	swait.ge [sflag:s4], $0x28  }
0x68: {  	[sflag:s4] =	ssyncset.done $0x0  }
0x69: {  	[sflag:s4] =	ssyncadd.s32 $0xFFFFFFD8;
	s4 =	simm.s32 $0x4  }
0x6a: {  	[spmem:s2] =	stream.indirect.scatter.add.f32 [tilespmem:s14], [sflag:$0x8], $0x80, s9, s24, $0xb8;
	[tilespmem:$0x19E10] =	vst v63  }
0x6b: {  	_ =	swait.ge [sflag:s4], $0x1400  }
0x6c: {  	[sflag:s4] =	ssyncset.done $0x0  }
0x6d: {  	[sflag:s4] =	ssyncadd.s32 $0xFFFFEC00;
	s4 =	sadd.s32 $0x28, s0  }
0x6e: {  	[tilespmem:s1], [sflag:$0xE] =	stream.linear.gather [hbm4b:s4+s3], $0x28, $0x38;
	[tilespmem:$0x19E10] =	vst v63  }
0x6f: {  	s4 =	simm.s32 $0x13  }
0x70: {  	_ =	swait.ge [sflag:s4], $0x28  }
0x71: {  	[sflag:s4] =	ssyncset.done $0x0  }
0x72: {  	[sflag:s4] =	ssyncadd.s32 $0xFFFFFFD8  }
0x73: {  	[spmem:s2] =	stream.indirect.scatter.add.f32 [tilespmem:s20], [sflag:$0x9], $0x80, s7, s24, $0xb8;
	[tilespmem:$0x19E10] =	vst v63  }
0x74: {  	_ =	swait.ge [sflag:s8], $0x1400  }
0x75: {  	[sflag:s8] =	ssyncset.done $0x0  }
0x76: {  	s0 =	sadd.s32 $0x2D, s0;
	[sflag:s8] =	ssyncadd.s32 $0xFFFFEC00  }
0x77: {  	[tilespmem:s15], [sflag:$0xF] =	stream.linear.gather [hbm4b:s0+s3], $0x28, $0x38;
	[tilespmem:$0x19E10] =	vst v63  }
0x78: {  	_ =	swait.ge [sflag:s23], $0x28  }
0x79: {  	[sflag:s23] =	ssyncset.done $0x0  }
0x7a: {  	[sflag:s23] =	ssyncadd.s32 $0xFFFFFFD8  }
0x7b: {  	[spmem:s2] =	stream.indirect.scatter.add.f32 [tilespmem:s31], [sflag:$0xA], $0x80, s17, s24, $0xb8;
	[tilespmem:$0x19E10] =	vst v63  }
0x7c: {  	_ =	swait.ge [sflag:s25], $0x1400  }
0x7d: {  	s4 =	rddreg [dreg:$0x5]  }
0x7e: {  	[sflag:s25] =	ssyncset.done $0x0;
	s0 =	sadd.s32 $0x0, s4  }
0x7f: {  	[sflag:s25] =	ssyncadd.s32 $0xFFFFEC00;
	s15 =	sadd.s32 $0x19, s0  }
0x80: {  	[tilespmem:s10], [sflag:$0x10] =	stream.linear.gather [hbm4b:s15+s3], $0x28, $0x38;
	[tilespmem:$0x19E10] =	vst v63  }
0x81: {  	_ =	swait.ge [sflag:s11], $0x28  }
0x82: {  	[sflag:s11] =	ssyncset.done $0x0  }
0x83: {  	[sflag:s11] =	ssyncadd.s32 $0xFFFFFFD8  }
0x84: {  	[tilespmem:s12], [sflag:$0x1] =	stream.indirect.gather [hbm4b:s18+s24], $0x80, s3, s24, $0xb8;
	[tilespmem:$0x19E10] =	vst v63  }
0x85: {  	_ =	swait.ge [sflag:s26], $0x1400  }
0x86: {  	[sflag:s26] =	ssyncset.done $0x0  }
0x87: {  	s15 =	sadd.s32 $0x1E, s0;
	[sflag:s26] =	ssyncadd.s32 $0xFFFFEC00  }
0x88: {  	[tilespmem:s16], [sflag:$0x11] =	stream.linear.gather [hbm4b:s15+s3], $0x28, $0x38;
	[tilespmem:$0x19E10] =	vst v63  }
0x89: {  	_ =	swait.ge [sflag:s13], $0x28  }
0x8a: {  	[sflag:s13] =	ssyncset.done $0x0  }
0x8b: {  	[sflag:s13] =	ssyncadd.s32 $0xFFFFFFD8  }
0x8c: {  	[tilespmem:s6], [sflag:$0x2] =	stream.indirect.gather [hbm4b:s18+s24], $0x80, s24, s24, $0xb8;
	[tilespmem:$0x19E10] =	vst v63  }
0x8d: {  	_ =	swait.ge [sflag:s28], $0x1400  }
0x8e: {  	[sflag:s28] =	ssyncset.done $0x0  }
0x8f: {  	s16 =	sadd.s32 $0x23, s0;
	[sflag:s28] =	ssyncadd.s32 $0xFFFFEC00  }
0x90: {  	[tilespmem:s9], [sflag:$0x12] =	stream.linear.gather [hbm4b:s16+s3], $0x28, $0x38;
	[tilespmem:$0x19E10] =	vst v63  }
0x91: {  	_ =	swait.ge [sflag:s5], $0x28  }
0x92: {  	[sflag:s5] =	ssyncset.done $0x0  }
0x93: {  	[sflag:s5] =	ssyncadd.s32 $0xFFFFFFD8  }
0x94: {  	[tilespmem:s14], [sflag:$0x3] =	stream.indirect.gather [hbm4b:s18+s24], $0x80, s19, s24, $0xb8;
	[tilespmem:$0x19E10] =	vst v63  }
0x95: {  	_ =	swait.ge [sflag:s29], $0x1400  }
0x96: {  	[sflag:s29] =	ssyncset.done $0x0  }
0x97: {  	s19 =	sadd.s32 $0x28, s0;
	[sflag:s29] =	ssyncadd.s32 $0xFFFFEC00  }
0x98: {  	[tilespmem:s7], [sflag:$0x13] =	stream.linear.gather [hbm4b:s19+s3], $0x28, $0x38;
	[tilespmem:$0x19E10] =	vst v63  }
0x99: {  	_ =	swait.ge [sflag:s21], $0x28  }
0x9a: {  	[sflag:s21] =	ssyncset.done $0x0  }
0x9b: {  	[sflag:s21] =	ssyncadd.s32 $0xFFFFFFD8  }
0x9c: {  	[tilespmem:s20], [sflag:$0x4] =	stream.indirect.gather [hbm4b:s18+s24], $0x80, s1, s24, $0xb8;
	[tilespmem:$0x19E10] =	vst v63  }
0x9d: {  	_ =	swait.ge [sflag:s30], $0x1400  }
0x9e: {  	[sflag:s30] =	ssyncset.done $0x0  }
0x9f: {  	s0 =	sadd.s32 $0x2D, s0;
	[sflag:s30] =	ssyncadd.s32 $0xFFFFEC00  }
0xa0: {  	[tilespmem:s17], [sflag:$0x14] =	stream.linear.gather [hbm4b:s0+s3], $0x28, $0x38;
	[tilespmem:$0x19E10] =	vst v63  }
0xa1: {  	s31 =	simm.s32 $0x19;
	_ =	swait.ge [sflag:s22], $0x28  }
0xa2: {  	s11 =	simm.s32 $0xB;
	s5 =	simm.s32 $0xD;
	[sflag:s22] =	ssyncset.done $0x0  }
0xa3: {  	s14 =	simm.s32 $0xC;
	s7 =	simm.s32 $0x78;
	[sflag:s22] =	ssyncadd.s32 $0xFFFFFFD8  }
.LBB2_2:
0xa4: {  	s1 =	simm.s32 $0xA0;
	s13 =	simm.s32 $0x5190;
	s6 =	simm.s32 $0x1  }
0xa5: {  	[tilespmem:s13], [sflag:$0x5] =	stream.indirect.gather [hbm4b:s18+s24], $0x80, s1, s24, $0xb8;
	[tilespmem:$0x19E10] =	vst v63  }
0xa6: {  	_ =	swait.ge [sflag:s6], $0x1400  }
0xa7: {  	s0 =	smov.u32 s31;
	s4 =	rddreg [dreg:$0x4]  }
0xa8: {  	[sflag:s6] =	ssyncset.done $0x0;
	s4 =	sadd.s32 s0, s4  }
0xa9: {  	s16 =	simm.s32 $0x10;
	[sflag:s6] =	ssyncadd.s32 $0xFFFFEC00;
	s10 =	sadd.s32 $0x19, s4  }
0xaa: {  	[tilespmem:s3], [sflag:$0xB] =	stream.linear.gather [hbm4b:s10+s3], $0x28, $0x38;
	[tilespmem:$0x19E10] =	vst v63  }
0xab: {  	_ =	swait.ge [sflag:s16], $0x28  }
0xac: {  	s12 =	simm.s32 $0x190;
	[sflag:s16] =	ssyncset.done $0x0  }
0xad: {  	s17 =	simm.s32 $0x2;
	[sflag:s16] =	ssyncadd.s32 $0xFFFFFFD8;
	s16 =	simm.s32 $0xC8  }
0xae: {  	[spmem:s2] =	stream.indirect.scatter.add.f32 [tilespmem:s12], [sflag:$0x6], $0x80, s16, s24, $0xb8;
	[tilespmem:$0x19E10] =	vst v63  }
0xaf: {  	_ =	swait.ge [sflag:s17], $0x1400  }
0xb0: {  	[sflag:s17] =	ssyncset.done $0x0  }
0xb1: {  	s20 =	simm.s32 $0x11;
	s19 =	sadd.s32 $0x1E, s4;
	[sflag:s17] =	ssyncadd.s32 $0xFFFFEC00  }
0xb2: {  	[tilespmem:s24], [sflag:$0xC] =	stream.linear.gather [hbm4b:s19+s3], $0x28, $0x38;
	[tilespmem:$0x19E10] =	vst v63  }
0xb3: {  	_ =	swait.ge [sflag:s20], $0x28  }
0xb4: {  	s21 =	simm.s32 $0x3;
	[sflag:s20] =	ssyncset.done $0x0  }
0xb5: {  	s6 =	simm.s32 $0x1590;
	s19 =	simm.s32 $0xF0;
	[sflag:s20] =	ssyncadd.s32 $0xFFFFFFD8  }
0xb6: {  	[spmem:s2] =	stream.indirect.scatter.add.f32 [tilespmem:s6], [sflag:$0x7], $0x80, s19, s24, $0xb8;
	[tilespmem:$0x19E10] =	vst v63  }
0xb7: {  	_ =	swait.ge [sflag:s21], $0x1400  }
0xb8: {  	s9 =	simm.s32 $0x50;
	[sflag:s21] =	ssyncset.done $0x0  }
0xb9: {  	s15 =	simm.s32 $0x12;
	s22 =	sadd.s32 $0x23, s4;
	[sflag:s21] =	ssyncadd.s32 $0xFFFFEC00  }
0xba: {  	[tilespmem:s9], [sflag:$0xD] =	stream.linear.gather [hbm4b:s22+s3], $0x28, $0x38;
	[tilespmem:$0x19E10] =	vst v63  }
0xbb: {  	_ =	swait.ge [sflag:s15], $0x28  }
0xbc: {  	s17 =	simm.s32 $0x4;
	[sflag:s15] =	ssyncset.done $0x0  }
0xbd: {  	s21 =	simm.s32 $0x2990;
	s9 =	simm.s32 $0x118;
	[sflag:s15] =	ssyncadd.s32 $0xFFFFFFD8  }
0xbe: {  	[spmem:s2] =	stream.indirect.scatter.add.f32 [tilespmem:s21], [sflag:$0x8], $0x80, s9, s24, $0xb8;
	[tilespmem:$0x19E10] =	vst v63  }
0xbf: {  	_ =	swait.ge [sflag:s17], $0x1400  }
0xc0: {  	[sflag:s17] =	ssyncset.done $0x0  }
0xc1: {  	s20 =	sadd.s32 $0x28, s4;
	s22 =	simm.s32 $0x13;
	[sflag:s17] =	ssyncadd.s32 $0xFFFFEC00  }
0xc2: {  	[tilespmem:s7], [sflag:$0xE] =	stream.linear.gather [hbm4b:s20+s3], $0x28, $0x38;
	[tilespmem:$0x19E10] =	vst v63  }
0xc3: {  	_ =	swait.ge [sflag:s22], $0x28  }
0xc4: {  	[sflag:s22] =	ssyncset.done $0x0  }
0xc5: {  	s15 =	simm.s32 $0x140;
	[sflag:s22] =	ssyncadd.s32 $0xFFFFFFD8;
	s22 =	simm.s32 $0x3D90  }
0xc6: {  	[spmem:s2] =	stream.indirect.scatter.add.f32 [tilespmem:s22], [sflag:$0x9], $0x80, s15, s24, $0xb8;
	[tilespmem:$0x19E10] =	vst v63  }
0xc7: {  	_ =	swait.ge [sflag:s8], $0x1400  }
0xc8: {  	[sflag:s8] =	ssyncset.done $0x0  }
0xc9: {  	s4 =	sadd.s32 $0x2D, s4;
	[sflag:s8] =	ssyncadd.s32 $0xFFFFEC00  }
0xca: {  	[tilespmem:s1], [sflag:$0xF] =	stream.linear.gather [hbm4b:s4+s3], $0x28, $0x38;
	[tilespmem:$0x19E10] =	vst v63  }
0xcb: {  	_ =	swait.ge [sflag:s23], $0x28  }
0xcc: {  	[sflag:s23] =	ssyncset.done $0x0  }
0xcd: {  	s20 =	simm.s32 $0x168;
	[sflag:s23] =	ssyncadd.s32 $0xFFFFFFD8  }
0xce: {  	[spmem:s2] =	stream.indirect.scatter.add.f32 [tilespmem:s13], [sflag:$0xA], $0x80, s20, s24, $0xb8;
	[tilespmem:$0x19E10] =	vst v63  }
0xcf: {  	_ =	swait.ge [sflag:s25], $0x1400  }
0xd0: {  	s13 =	rddreg [dreg:$0x5]  }
0xd1: {  	[sflag:s25] =	ssyncset.done $0x0;
	s0 =	sadd.s32 s0, s13  }
0xd2: {  	[sflag:s25] =	ssyncadd.s32 $0xFFFFEC00;
	s4 =	sadd.s32 $0x19, s0  }
0xd3: {  	[tilespmem:s16], [sflag:$0x10] =	stream.linear.gather [hbm4b:s4+s3], $0x28, $0x38;
	[tilespmem:$0x19E10] =	vst v63  }
0xd4: {  	_ =	swait.ge [sflag:s11], $0x28  }
0xd5: {  	[sflag:s11] =	ssyncset.done $0x0  }
0xd6: {  	[sflag:s11] =	ssyncadd.s32 $0xFFFFFFD8  }
0xd7: {  	[tilespmem:s12], [sflag:$0x1] =	stream.indirect.gather [hbm4b:s18+s24], $0x80, s3, s24, $0xb8;
	[tilespmem:$0x19E10] =	vst v63  }
0xd8: {  	_ =	swait.ge [sflag:s26], $0x1400  }
0xd9: {  	[sflag:s26] =	ssyncset.done $0x0  }
0xda: {  	s1 =	sadd.s32 $0x1E, s0;
	[sflag:s26] =	ssyncadd.s32 $0xFFFFEC00  }
0xdb: {  	[tilespmem:s19], [sflag:$0x11] =	stream.linear.gather [hbm4b:s1+s3], $0x28, $0x38;
	[tilespmem:$0x19E10] =	vst v63  }
0xdc: {  	_ =	swait.ge [sflag:s14], $0x28  }
0xdd: {  	[sflag:s14] =	ssyncset.done $0x0  }
0xde: {  	[sflag:s14] =	ssyncadd.s32 $0xFFFFFFD8  }
0xdf: {  	[tilespmem:s6], [sflag:$0x2] =	stream.indirect.gather [hbm4b:s18+s24], $0x80, s24, s24, $0xb8;
	[tilespmem:$0x19E10] =	vst v63  }
0xe0: {  	_ =	swait.ge [sflag:s28], $0x1400  }
0xe1: {  	[sflag:s28] =	ssyncset.done $0x0  }
0xe2: {  	s6 =	sadd.s32 $0x23, s0;
	[sflag:s28] =	ssyncadd.s32 $0xFFFFEC00  }
0xe3: {  	[tilespmem:s9], [sflag:$0x12] =	stream.linear.gather [hbm4b:s6+s3], $0x28, $0x38;
	[tilespmem:$0x19E10] =	vst v63  }
0xe4: {  	_ =	swait.ge [sflag:s5], $0x28  }
0xe5: {  	[sflag:s5] =	ssyncset.done $0x0  }
0xe6: {  	s19 =	simm.s32 $0x50;
	[sflag:s5] =	ssyncadd.s32 $0xFFFFFFD8  }
0xe7: {  	[tilespmem:s21], [sflag:$0x3] =	stream.indirect.gather [hbm4b:s18+s24], $0x80, s19, s24, $0xb8;
	[tilespmem:$0x19E10] =	vst v63  }
0xe8: {  	_ =	swait.ge [sflag:s29], $0x1400  }
0xe9: {  	[sflag:s29] =	ssyncset.done $0x0  }
0xea: {  	s4 =	sadd.s32 $0x28, s0;
	s21 =	simm.s32 $0xE;
	[sflag:s29] =	ssyncadd.s32 $0xFFFFEC00  }
0xeb: {  	[tilespmem:s15], [sflag:$0x13] =	stream.linear.gather [hbm4b:s4+s3], $0x28, $0x38;
	[tilespmem:$0x19E10] =	vst v63  }
0xec: {  	_ =	swait.ge [sflag:s21], $0x28  }
0xed: {  	p0 =	sne.s32 s31, $0x4B0;
	[sflag:s21] =	ssyncset.done $0x0  }
0xee: {  	s31 =	sadd.s32 $0x19, s31;
	s10 =	simm.s32 $0xC8;
	[sflag:s21] =	ssyncadd.s32 $0xFFFFFFD8  }
0xef: {  	[tilespmem:s22], [sflag:$0x4] =	stream.indirect.gather [hbm4b:s18+s24], $0x80, s7, s24, $0xb8;
	[tilespmem:$0x19E10] =	vst v63  }
0xf0: {  	s17 =	simm.s32 $0xA0;
	s13 =	simm.s32 $0x190;
	_ =	swait.ge [sflag:s30], $0x1400  }
0xf1: {  	s16 =	simm.s32 $0xF0;
	s0 =	sadd.s32 $0x2D, s0;
	[sflag:s30] =	ssyncset.done $0x0  }
.Ltmp0:
0xf2: {  	s22 =	simm.s32 $0xF;
	[sflag:s30] =	ssyncadd.s32 $0xFFFFEC00;
	(pc) =	sbr.rel @p0 .LBB2_2-.Ltmp0, $4  }
0xf3: {  	[tilespmem:s20], [sflag:$0x14] =	stream.linear.gather [hbm4b:s0+s3], $0x28, $0x38;
	[tilespmem:$0x19E10] =	vst v63  }
0xf4: {  	s12 =	simm.s32 $0x1590;
	s1 =	simm.s32 $0x118;
	_ =	swait.ge [sflag:s22], $0x28  }
0xf5: {  	s6 =	simm.s32 $0x2990;
	s9 =	simm.s32 $0x140;
	[sflag:s22] =	ssyncset.done $0x0  }
0xf6: {  	s15 =	simm.s32 $0x3D90;
	s4 =	simm.s32 $0x168;
	[sflag:s22] =	ssyncadd.s32 $0xFFFFFFD8  }
0xf7: {  	s0 =	simm.s32 $0x5190;
	s5 =	simm.s32 $0x1  }
0xf8: {  	[tilespmem:s0], [sflag:$0x5] =	stream.indirect.gather [hbm4b:s18+s24], $0x80, s17, s24, $0xb8;
	[tilespmem:$0x19E10] =	vst v63  }
0xf9: {  	_ =	swait.ge [sflag:s5], $0x1400  }
0xfa: {  	[sflag:s5] =	ssyncset.done $0x0  }
0xfb: {  	s20 =	simm.s32 $0x10;
	[sflag:s5] =	ssyncadd.s32 $0xFFFFEC00  }
0xfc: {  	_ =	swait.ge [sflag:s20], $0x28  }
0xfd: {  	[sflag:s20] =	ssyncset.done $0x0  }
0xfe: {  	s7 =	simm.s32 $0x2;
	[sflag:s20] =	ssyncadd.s32 $0xFFFFFFD8  }
0xff: {  	[spmem:s2] =	stream.indirect.scatter.add.f32 [tilespmem:s13], [sflag:$0x6], $0x80, s10, s24, $0xb8;
	[tilespmem:$0x19E10] =	vst v63  }
0x100: {  	_ =	swait.ge [sflag:s7], $0x1400  }
0x101: {  	[sflag:s7] =	ssyncset.done $0x0  }
0x102: {  	s10 =	simm.s32 $0x11;
	[sflag:s7] =	ssyncadd.s32 $0xFFFFEC00  }
0x103: {  	_ =	swait.ge [sflag:s10], $0x28  }
0x104: {  	[sflag:s10] =	ssyncset.done $0x0  }
0x105: {  	s11 =	simm.s32 $0x3;
	[sflag:s10] =	ssyncadd.s32 $0xFFFFFFD8  }
0x106: {  	[spmem:s2] =	stream.indirect.scatter.add.f32 [tilespmem:s12], [sflag:$0x7], $0x80, s16, s24, $0xb8;
	[tilespmem:$0x19E10] =	vst v63  }
0x107: {  	_ =	swait.ge [sflag:s11], $0x1400  }
0x108: {  	[sflag:s11] =	ssyncset.done $0x0  }
0x109: {  	s12 =	simm.s32 $0x12;
	[sflag:s11] =	ssyncadd.s32 $0xFFFFEC00  }
0x10a: {  	_ =	swait.ge [sflag:s12], $0x28  }
0x10b: {  	[sflag:s12] =	ssyncset.done $0x0  }
0x10c: {  	s13 =	simm.s32 $0x4;
	[sflag:s12] =	ssyncadd.s32 $0xFFFFFFD8  }
0x10d: {  	[spmem:s2] =	stream.indirect.scatter.add.f32 [tilespmem:s6], [sflag:$0x8], $0x80, s1, s24, $0xb8;
	[tilespmem:$0x19E10] =	vst v63  }
0x10e: {  	_ =	swait.ge [sflag:s13], $0x1400  }
0x10f: {  	[sflag:s13] =	ssyncset.done $0x0  }
0x110: {  	s14 =	simm.s32 $0x13;
	[sflag:s13] =	ssyncadd.s32 $0xFFFFEC00  }
0x111: {  	_ =	swait.ge [sflag:s14], $0x28  }
0x112: {  	[sflag:s14] =	ssyncset.done $0x0  }
0x113: {  	[sflag:s14] =	ssyncadd.s32 $0xFFFFFFD8  }
0x114: {  	[spmem:s2] =	stream.indirect.scatter.add.f32 [tilespmem:s15], [sflag:$0x9], $0x80, s9, s24, $0xb8;
	[tilespmem:$0x19E10] =	vst v63  }
0x115: {  	_ =	swait.ge [sflag:s8], $0x1400  }
0x116: {  	[sflag:s8] =	ssyncset.done $0x0  }
0x117: {  	[sflag:s8] =	ssyncadd.s32 $0xFFFFEC00  }
0x118: {  	_ =	swait.ge [sflag:s23], $0x28  }
0x119: {  	[sflag:s23] =	ssyncset.done $0x0  }
0x11a: {  	[sflag:s23] =	ssyncadd.s32 $0xFFFFFFD8  }
0x11b: {  	[spmem:s2] =	stream.indirect.scatter.add.f32 [tilespmem:s0], [sflag:$0xA], $0x80, s4, s24, $0xb8;
	[tilespmem:$0x19E10] =	vst v63  }
0x11c: {  	_ =	swait.ge [sflag:s25], $0x1400  }
0x11d: {  	[sflag:s25] =	ssyncset.done $0x0  }
0x11e: {  	[sflag:s25] =	ssyncadd.s32 $0xFFFFEC00  }
0x11f: {  	_ =	swait.ge [sflag:s26], $0x1400  }
0x120: {  	[sflag:s26] =	ssyncset.done $0x0  }
0x121: {  	[sflag:s26] =	ssyncadd.s32 $0xFFFFEC00  }
0x122: {  	_ =	swait.ge [sflag:s28], $0x1400  }
0x123: {  	[sflag:s28] =	ssyncset.done $0x0  }
0x124: {  	[sflag:s28] =	ssyncadd.s32 $0xFFFFEC00  }
0x125: {  	_ =	swait.ge [sflag:s29], $0x1400  }
0x126: {  	[sflag:s29] =	ssyncset.done $0x0  }
0x127: {  	[sflag:s29] =	ssyncadd.s32 $0xFFFFEC00  }
0x128: {  	_ =	swait.ge [sflag:s30], $0x1400  }
0x129: {  	[sflag:s30] =	ssyncset.done $0x0  }
0x12a: {  	[sflag:s30] =	ssyncadd.s32 $0xFFFFEC00  }
0x12b: {  	[bflag:$0x0] =	sbarrier.arrive $0xFFFF  }
0x12c: {  	s31 =	rddreg [dreg:$0x7]  }
0x12d: {  	s16 =	rddreg [dreg:$0x14]  }
0x12e: {  	s10 =	simm.s32 $0x15;
	s4 =	rddreg [dreg:$0x16]  }
0x12f: {  	[hbm:s16], [sflag:s31] =	dma.local [spmem:s4], $0x2710  }
0x130: {  	_ =	swait.ge [sflag:s10], $0x2710  }
0x131: {  	s17 =	rddreg [dreg:$0x17]  }
0x132: {  	s20 =	rddreg [dreg:$0x15];
	s6 =	sadd.s32 $0x1, s17  }
0x133: {  	p0 =	sne.s32 s6, s20  }
.Ltmp1:
0x134: {  	_ = 	snop;
	(pc) =	sbr.rel @p0 .LBB2_1-.Ltmp1, $3  }
0x135: {  	_ =	sdelay $0x1  }
0x136: {  	s5 =	simm.s32 $0xD;
	s11 =	simm.s32 $0xB;
	[sflag:s10] =	ssyncset.done $0x0  }
0x137: {  	s1 =	simm.s32 $0x78;
	s13 =	simm.s32 $0xC;
	[sflag:s10] =	ssyncadd.s32 $0xFFFFD8F0  }
0x138: {  	_ =	sfence.sel $0x180000  }
0x139: {  	[bflag:$0x0] =	sbarrier.arrive $0xFFFF  }
0x13a: {  	_ =	strace $0x90000047  }
0x13b: {  	s0 =	stileid.u32;
	[bflag:$0x2] =	sbarrier.arrive $0xFFFF  }
0x13c: {  	p0 =	sne.s32 s0, $0x0;
	s0 =	rddreg [dreg:$0x3]  }
0x13d: {  	s0 =	sadd.s32 @!p0 $0x100000, s0  }
0x13e: {  	[sflag:s0] =	ssyncadd.tile.s32 @!p0 $0x1;
	_ =	shalt  }
.Lfunc_end2:
_tile_overlayer_lowered:
.L_overlay_start_2:
0x13f: {  	(tag) =	ssettag $0x2  }
0x140: {  	s0 =	rddreg [dreg:$0x0];
	s2 =	stileid.u32  }
0x141: {  	s1 =	rddreg [dreg:$0x1];
	p0 =	sne.s32 s2, $0x0  }
0x142: {  	s3 =	rddreg [dreg:$0x2];
	[bflag:$0x3] =	sbarrier.arrive $0xFFFF;
	s2 =	simm.s32 @!p0 $0x1C15  }
0x143: {  	[timem:s3], [sflag:s2] =	dma.local @!p0 [hbm:s0], s1  }
0x144: {  	s0 =	simm.s32 @!p0 $0x15  }
0x145: {  	_ =	swait.ge @!p0 [sflag:s0], s1  }
0x146: {  	s1 =	ssub.s32 @!p0 $0x0, s1;
	[sflag:s0] =	ssyncset.done @!p0 $0x0  }
0x147: {  	[sflag:s0] =	ssyncadd.s32 @!p0 s1  }
0x148: {  	[bflag:$0x3] =	sbarrier.arrive $0xFFFF  }
0x149: {  	_ =	shalt  }

</sc_bundles>
